<compile_context>
chip_gen: v7x
topology: tpu7x:2x2x1
jax: 0.10.2.dev20260603
libtpu: 0.0.44.dev20260713+nightly
codegen_flags: <defaults>
</compile_context>

<pallas_src>
import functools
import math

import jax
import jax.numpy as jnp
from jax import lax
from jax.experimental import pallas as pl
from jax.experimental.pallas import tpu as pltpu
from jax.experimental.pallas import tpu_sc as plsc

_S = 2048
_D = 1024
_H = 16
_G = 4
_HD = 64
_E = 64
_HFF = 256
_SB = 256
_SBA = 1024
_ET = 128
_NT = 96
_NW = 32
_XS_ROWS = _NT * _ET
_CH = _S // _NW

_ROPE_LN = math.log(10000.0)


def _rms(v, eps=1e-6):
    return v * lax.rsqrt(jnp.mean(v * v, axis=-1, keepdims=True) + eps)


def _rope_headwise(t, nf, msum, mexp):
    width = t.shape[1]
    mean = lax.dot_general(t * t, msum, (((1,), (0,)), ((), ())),
                           precision=lax.Precision.HIGHEST)
    rs = lax.rsqrt(mean + 1e-6)
    rsf = lax.dot_general(rs, mexp, (((1,), (0,)), ((), ())),
                          precision=lax.Precision.HIGHEST)
    tn = t * rsf * nf
    half = _HD // 2
    left = jnp.concatenate([tn[:, half:], tn[:, :half]], axis=1)
    right = jnp.concatenate([tn[:, width - half:], tn[:, :width - half]],
                            axis=1)
    col = lax.broadcasted_iota(jnp.int32, (1, width), 1)
    first_half = (col % _HD) < half
    rot = jnp.where(first_half, -left, right)
    return tn, rot, first_half


def _qkv_body(x_ref, qw_ref, kw_ref, vw_ref, n1_ref, qnf_ref, knf_ref,
              mq_ref, mqe_ref, mk_ref, mke_ref, inv32_ref,
              q_out, k_out, v_out, kb_out, vx_out):
    i = pl.program_id(0)
    xn = _rms(x_ref[...]) * n1_ref[...]
    xb = xn.astype(jnp.bfloat16)
    q = lax.dot_general(xb, qw_ref[...], (((1,), (1,)), ((), ())),
                        preferred_element_type=jnp.float32)
    k = lax.dot_general(xb, kw_ref[...], (((1,), (1,)), ((), ())),
                        preferred_element_type=jnp.float32)
    v = lax.dot_general(xb, vw_ref[...], (((1,), (1,)), ((), ())),
                        preferred_element_type=jnp.float32)
    pos = (i * _SB
           + lax.broadcasted_iota(jnp.int32, (_SB, 1), 0)).astype(jnp.float32)
    ang = pos * inv32_ref[...]
    c32 = jnp.cos(ang)
    s32 = jnp.sin(ang)

    qn, qrot, _ = _rope_headwise(q, qnf_ref[...], mq_ref[...], mqe_ref[...])
    qr = qn * jnp.tile(c32, (1, 2 * _H)) + qrot * jnp.tile(s32, (1, 2 * _H))
    kn, krot, _ = _rope_headwise(k, knf_ref[...], mk_ref[...], mke_ref[...])
    kr = kn * jnp.tile(c32, (1, 2 * _G)) + krot * jnp.tile(s32, (1, 2 * _G))

    qb = (qr * (1.0 / (_HD ** 0.5))).astype(jnp.bfloat16)
    kb = kr.astype(jnp.bfloat16)
    vb = v.astype(jnp.bfloat16)
    ones = jnp.full((_SB, 1), 1.0, jnp.bfloat16)
    zeros = jnp.zeros((_SB, _HD - 1), jnp.bfloat16)
    for h in range(_H):
        q_out[h] = qb[:, h * _HD:(h + 1) * _HD]
    for g in range(_G):
        k_out[0, g] = kr[:, g * _HD:(g + 1) * _HD]
        v_out[0, g] = v[:, g * _HD:(g + 1) * _HD]
        kb_out[g] = kb[:, g * _HD:(g + 1) * _HD]
        vx_out[g] = jnp.concatenate(
            [vb[:, g * _HD:(g + 1) * _HD], ones, zeros], axis=1)


def _rope_consts(nheads, nw):
    width = nheads * _HD
    col = jnp.arange(width, dtype=jnp.int32)
    head = col // _HD
    msum = ((head[:, None] == jnp.arange(nheads)[None, :])
            .astype(jnp.float32) / _HD)
    mexp = msum.T * float(_HD)
    return jnp.tile(nw, nheads).reshape(1, width), msum, mexp


def _run_qkv(x2d, q_w, k_w, v_w, n1, qn, kn):
    full = lambda a: pl.BlockSpec(a.shape, lambda i: tuple(0 for _ in a.shape))
    blk = lambda h: pl.BlockSpec((h, _SB, _HD), lambda i: (0, i, 0))
    qnf, mq, mqe = _rope_consts(_H, qn)
    knf, mk, mke = _rope_consts(_G, kn)
    j32 = jnp.arange(_HD // 2, dtype=jnp.float32).reshape(1, _HD // 2)
    inv32 = jnp.exp(j32 * (-2.0 / _HD * _ROPE_LN))
    n1r = n1.reshape(1, _D)
    args = (q_w.astype(jnp.bfloat16), k_w.astype(jnp.bfloat16),
            v_w.astype(jnp.bfloat16), n1r, qnf, knf, mq, mqe, mk, mke, inv32)
    return pl.pallas_call(
        _qkv_body,
        grid=(_S // _SB,),
        in_specs=[pl.BlockSpec((_SB, _D), lambda i: (i, 0))]
                 + [full(a) for a in args],
        out_specs=[blk(_H),
                   pl.BlockSpec((1, _G, _SB, _HD), lambda i: (0, 0, i, 0)),
                   pl.BlockSpec((1, _G, _SB, _HD), lambda i: (0, 0, i, 0)),
                   blk(_G),
                   pl.BlockSpec((_G, _SB, 2 * _HD), lambda i: (0, i, 0))],
        out_shape=[jax.ShapeDtypeStruct((_H, _S, _HD), jnp.bfloat16),
                   jax.ShapeDtypeStruct((1, _G, _S, _HD), jnp.float32),
                   jax.ShapeDtypeStruct((1, _G, _S, _HD), jnp.float32),
                   jax.ShapeDtypeStruct((_G, _S, _HD), jnp.bfloat16),
                   jax.ShapeDtypeStruct((_G, _S, 2 * _HD), jnp.bfloat16)],
    )(x2d, *args)


def _attn_body(q_ref, k_ref, vx_ref, o_ref):
    s = lax.dot_general(q_ref[0], k_ref[0], (((1,), (1,)), ((), ())),
                        preferred_element_type=jnp.float32)
    p = jnp.exp(s.astype(jnp.bfloat16))
    ctxl = lax.dot_general(p, vx_ref[0], (((1,), (0,)), ((), ())),
                           preferred_element_type=jnp.float32)
    o_ref[0] = (ctxl[:, :_HD] / ctxl[:, _HD:_HD + 1]).astype(jnp.bfloat16)


def _run_attn(qb, kb, vx):
    grp = _H // _G
    return pl.pallas_call(
        _attn_body,
        grid=(_H, _S // _SBA),
        in_specs=[
            pl.BlockSpec((1, _SBA, _HD), lambda h, s: (h, s, 0)),
            pl.BlockSpec((1, _S, _HD), lambda h, s: (h // grp, 0, 0)),
            pl.BlockSpec((1, _S, 2 * _HD), lambda h, s: (h // grp, 0, 0)),
        ],
        out_specs=pl.BlockSpec((1, _SBA, _HD), lambda h, s: (h, s, 0)),
        out_shape=jax.ShapeDtypeStruct((_H, _S, _HD), jnp.bfloat16),
    )(qb, kb, vx)


def _post_body(ctx_ref, x_ref, ow_ref, n2_ref, rw_ref,
               x2_out, h_out, lg_out):
    per_head = lax.dot_general(ctx_ref[...],
                               ow_ref[...].astype(jnp.bfloat16),
                               (((2,), (1,)), ((0,), (0,))),
                               preferred_element_type=jnp.float32)
    attn = jnp.sum(per_head, axis=0)
    x2 = attn + x_ref[...]
    x2_out[...] = x2
    h = _rms(x2) * n2_ref[...]
    h_out[...] = h
    lg_out[...] = lax.dot_general(h, rw_ref[...], (((1,), (1,)), ((), ())))


def _run_post(ctx, x2d, ow3, n2, router_w):
    full = lambda r, c: pl.BlockSpec((r, c), lambda i: (0, 0))
    blk = lambda c: pl.BlockSpec((_SB, c), lambda i: (i, 0))
    return pl.pallas_call(
        _post_body,
        grid=(_S // _SB,),
        in_specs=[pl.BlockSpec((_H, _SB, _HD), lambda i: (0, i, 0)),
                  blk(_D),
                  pl.BlockSpec((_H, _HD, _D), lambda i: (0, 0, 0)),
                  full(1, _D), full(_E, _D)],
        out_specs=[blk(_D), blk(_D), blk(_E)],
        out_shape=[jax.ShapeDtypeStruct((_S, _D), jnp.float32),
                   jax.ShapeDtypeStruct((_S, _D), jnp.float32),
                   jax.ShapeDtypeStruct((_S, _E), jnp.float32)],
    )(ctx, x2d, ow3, n2.reshape(1, _D), router_w)


def _route_body(lg_ref, pos0_out, pos1_out, w0_out, w1_out, eid_out,
                xt_out):
    lg = lg_ref[...]
    eio = lax.broadcasted_iota(jnp.int32, (_S, _E), 1)
    m0 = jnp.max(lg, axis=1, keepdims=True)
    i0 = jnp.min(jnp.where(lg == m0, eio, _E), axis=1, keepdims=True)
    c0 = (eio == i0).astype(jnp.float32)
    lg2 = jnp.where(c0 > 0.0, -1e30, lg)
    m1 = jnp.max(lg2, axis=1, keepdims=True)
    i1 = jnp.min(jnp.where(lg2 == m1, eio, _E), axis=1, keepdims=True)
    c1 = (eio == i1).astype(jnp.float32)
    w0 = 1.0 / (1.0 + jnp.exp(m1 - m0))
    w1 = 1.0 - w0

    TB = _SB
    tri = (lax.broadcasted_iota(jnp.int32, (TB, TB), 0)
           > lax.broadcasted_iota(jnp.int32, (TB, TB), 1)).astype(jnp.float32)
    carry0 = jnp.zeros((1, _E), jnp.float32)
    carry1 = jnp.zeros((1, _E), jnp.float32)
    r0_parts = []
    r1_parts = []
    for b in range(_S // TB):
        c0b = c0[b * TB:(b + 1) * TB]
        c1b = c1[b * TB:(b + 1) * TB]
        cum0 = lax.dot_general(tri, c0b, (((1,), (0,)), ((), ()))) + carry0
        cum1 = lax.dot_general(tri, c1b, (((1,), (0,)), ((), ()))) + carry1
        r0_parts.append(jnp.sum(c0b * cum0, axis=1, keepdims=True))
        r1_parts.append(jnp.sum(c1b * cum1, axis=1, keepdims=True))
        carry0 = carry0 + jnp.sum(c0b, axis=0, keepdims=True)
        carry1 = carry1 + jnp.sum(c1b, axis=0, keepdims=True)
    rank0 = jnp.concatenate(r0_parts, axis=0)
    rank1 = jnp.concatenate(r1_parts, axis=0)
    cnt0 = carry0
    cnt = carry0 + carry1

    tiles = jnp.floor((cnt + (_ET - 1.0)) * (1.0 / _ET))
    triu = (lax.broadcasted_iota(jnp.int32, (_E, _E), 0)
            < lax.broadcasted_iota(jnp.int32, (_E, _E), 1)).astype(jnp.float32)
    tile_off = lax.dot_general(tiles, triu, (((1,), (0,)), ((), ())),
                               precision=lax.Precision.HIGHEST)
    off = tile_off * float(_ET)

    tvals = lax.broadcasted_iota(jnp.int32, (_NT, 1), 0).astype(jnp.float32)
    owned = (tile_off <= tvals).astype(jnp.float32)
    eid = jnp.sum(owned, axis=1, keepdims=True) - 1.0
    ntot = jnp.sum(tiles, axis=1, keepdims=True)
    real = tvals < ntot
    eid = jnp.where(real, eid, eid[0:1, :])
    xtile = jnp.where(real, tvals, 0.0)

    pos0 = jnp.sum(c0 * off, axis=1, keepdims=True) + rank0
    pos1 = jnp.sum(c1 * (off + cnt0), axis=1, keepdims=True) + rank1
    pos0_out[...] = pos0.astype(jnp.int32)
    pos1_out[...] = pos1.astype(jnp.int32)
    w0_out[...] = w0
    w1_out[...] = w1
    eid_out[...] = eid.astype(jnp.int32)
    xt_out[...] = xtile.astype(jnp.int32)


def _run_route(logits):
    return pl.pallas_call(
        _route_body,
        out_shape=[jax.ShapeDtypeStruct((_S, 1), jnp.int32),
                   jax.ShapeDtypeStruct((_S, 1), jnp.int32),
                   jax.ShapeDtypeStruct((_S, 1), jnp.float32),
                   jax.ShapeDtypeStruct((_S, 1), jnp.float32),
                   jax.ShapeDtypeStruct((_NT, 1), jnp.int32),
                   jax.ShapeDtypeStruct((_NT, 1), jnp.int32)],
    )(logits)


@functools.lru_cache(maxsize=None)
def _sc_mesh():
    return plsc.VectorSubcoreMesh(core_axis_name="c", subcore_axis_name="s")


def _dispatch_body(hid_hbm, pos0_hbm, pos1_hbm, xs_hbm, idx_v, rows_v, sem):
    wid = lax.axis_index("s") * 2 + lax.axis_index("c")
    base = wid * _CH
    pltpu.sync_copy(hid_hbm.at[pl.ds(base, _CH)], rows_v)
    pltpu.sync_copy(pos0_hbm.at[pl.ds(base, _CH)], idx_v)
    pltpu.async_copy(rows_v, xs_hbm.at[idx_v], sem).wait()
    pltpu.sync_copy(pos1_hbm.at[pl.ds(base, _CH)], idx_v)
    pltpu.async_copy(rows_v, xs_hbm.at[idx_v], sem).wait()


@functools.lru_cache(maxsize=None)
def _dispatch_call():
    return functools.partial(
        pl.kernel,
        out_type=jax.ShapeDtypeStruct((_XS_ROWS, _D), jnp.float32),
        mesh=_sc_mesh(),
        scratch_types=[pltpu.VMEM((_CH,), jnp.int32),
                       pltpu.VMEM((_CH, _D), jnp.float32),
                       pltpu.SemaphoreType.DMA],
    )(_dispatch_body)


def _run_dispatch(hidden, pos0, pos1):
    return _dispatch_call()(hidden, pos0, pos1)


def _expert_body(eid_ref, xt_ref, gu_ref, dn_ref, xs_ref, ys_ref):
    del eid_ref, xt_ref
    xb = xs_ref[...].astype(jnp.bfloat16)
    gub = gu_ref[0].astype(jnp.bfloat16)
    guv = lax.dot_general(xb, gub, (((1,), (1,)), ((), ())),
                          preferred_element_type=jnp.float32)
    gate = guv[:, :_HFF]
    up = guv[:, _HFF:]
    h = gate * (1.0 / (1.0 + jnp.exp(-gate))) * up
    ys_ref[...] = lax.dot_general(h.astype(jnp.bfloat16),
                                  dn_ref[0].astype(jnp.bfloat16),
                                  (((1,), (1,)), ((), ())),
                                  preferred_element_type=jnp.float32)


def _run_experts(eid, xtile, gate_up, down, xs):
    grid_spec = pltpu.PrefetchScalarGridSpec(
        num_scalar_prefetch=2,
        grid=(_NT,),
        in_specs=[
            pl.BlockSpec((1, 2 * _HFF, _D), lambda t, eid, xt: (eid[t], 0, 0)),
            pl.BlockSpec((1, _D, _HFF), lambda t, eid, xt: (eid[t], 0, 0)),
            pl.BlockSpec((_ET, _D), lambda t, eid, xt: (xt[t], 0)),
        ],
        out_specs=pl.BlockSpec((_ET, _D), lambda t, eid, xt: (xt[t], 0)),
    )
    return pl.pallas_call(
        _expert_body,
        grid_spec=grid_spec,
        out_shape=jax.ShapeDtypeStruct((_XS_ROWS, _D), jnp.float32),
        compiler_params=pltpu.CompilerParams(
            dimension_semantics=("arbitrary",)),
    )(eid, xtile, gate_up, down, xs)


def _combine_gather_body(ys_hbm, pos0_hbm, pos1_hbm, g0_hbm, g1_hbm,
                         idx_v, rows_v, sem):
    wid = lax.axis_index("s") * 2 + lax.axis_index("c")
    base = wid * _CH
    pltpu.sync_copy(pos0_hbm.at[pl.ds(base, _CH)], idx_v)
    pltpu.async_copy(ys_hbm.at[idx_v], rows_v, sem).wait()
    pltpu.sync_copy(rows_v, g0_hbm.at[pl.ds(base, _CH)])
    pltpu.sync_copy(pos1_hbm.at[pl.ds(base, _CH)], idx_v)
    pltpu.async_copy(ys_hbm.at[idx_v], rows_v, sem).wait()
    pltpu.sync_copy(rows_v, g1_hbm.at[pl.ds(base, _CH)])


@functools.lru_cache(maxsize=None)
def _combine_gather_call():
    return functools.partial(
        pl.kernel,
        out_type=(jax.ShapeDtypeStruct((_S, _D), jnp.float32),
                  jax.ShapeDtypeStruct((_S, _D), jnp.float32)),
        mesh=_sc_mesh(),
        scratch_types=[pltpu.VMEM((_CH,), jnp.int32),
                       pltpu.VMEM((_CH, _D), jnp.float32),
                       pltpu.SemaphoreType.DMA],
    )(_combine_gather_body)


def _run_combine_gather(ys, pos0, pos1):
    return _combine_gather_call()(ys, pos0, pos1)


def _final_body(g0_ref, g1_ref, w0_ref, w1_ref, x2_ref, out_ref):
    out_ref[...] = (g0_ref[...] * w0_ref[...] + g1_ref[...] * w1_ref[...]
                    + x2_ref[...])


def _run_final(g0, g1, w0, w1, x2):
    blk = lambda c: pl.BlockSpec((_SB, c), lambda i: (i, 0))
    return pl.pallas_call(
        _final_body,
        grid=(_S // _SB,),
        in_specs=[blk(_D), blk(_D), blk(1), blk(1), blk(_D)],
        out_specs=blk(_D),
        out_shape=jax.ShapeDtypeStruct((_S, _D), jnp.float32),
    )(g0, g1, w0, w1, x2)


@jax.jit
def _block(x, norm1_w, norm2_w, q_w, k_w, v_w, o_w, qn_w, kn_w,
           router_w, gate_up_proj, down_proj):
    B, S, d = x.shape
    x2d = x.reshape(S, d)
    qb, Kc, Vc, kb, vx = _run_qkv(x2d, q_w, k_w, v_w, norm1_w, qn_w, kn_w)
    ctx = _run_attn(qb, kb, vx)
    ow3 = o_w.reshape(d, _H, _HD).transpose(1, 2, 0)
    x2, hidden, logits = _run_post(ctx, x2d, ow3, norm2_w, router_w)
    pos0, pos1, w0, w1, eid, xtile = _run_route(logits)
    pos0f = pos0.reshape(S)
    pos1f = pos1.reshape(S)
    xs = _run_dispatch(hidden, pos0f, pos1f)
    ys = _run_experts(eid.reshape(_NT), xtile.reshape(_NT),
                      gate_up_proj, down_proj, xs)
    g0, g1 = _run_combine_gather(ys, pos0f, pos1f)
    out = _run_final(g0, g1, w0, w1, x2)
    return out.reshape(B, S, d), Kc, Vc


def kernel(x, position_ids, norm1_w, norm2_w, q_w, k_w, v_w, o_w, qn_w,
           kn_w, router_w, gate_up_proj, down_proj):
    del position_ids
    return _block(x, norm1_w, norm2_w, q_w, k_w, v_w, o_w, qn_w, kn_w,
                  router_w, gate_up_proj, down_proj)

# --- scband reference (transcript-rebuilt; emitter-appended) ---
"""Pipeline reference for scband-mo-etransformers-block-14276471291958 (READ-ONLY COPY).

The authoritative reference and input builder live on the scoring server;
editing this copy changes nothing except your own understanding.
"""

import jax, jax.numpy as jnp
import numpy as np


def rms(x, w, eps=1e-6):
    x32 = x.astype(jnp.float32)
    x32 = x32 * jax.lax.rsqrt(jnp.mean(x32 * x32, axis=-1, keepdims=True) + eps)
    return w * x32


def apply_rope(t, pos):
    hd = t.shape[-1]
    inv = 1.0 / (10000.0 ** (jnp.arange(0, hd, 2, dtype=jnp.float32) / hd))
    ang = pos.astype(jnp.float32)[:, None, :, None] * inv  # [B,1,S,hd/2]
    cos = jnp.cos(ang)
    sin = jnp.sin(ang)
    t1, t2 = jnp.split(t, 2, axis=-1)
    return jnp.concatenate([t1 * cos - t2 * sin, t2 * cos + t1 * sin], axis=-1)


def setup_inputs(seed: int = 0):
    key = jax.random.key(seed)
    ks = jax.random.split(key, 10)
    B, S, d = 1, 2048, 1024
    H, G, hd = 16, 4, 64
    E, hff = 64, 256
    s = 0.02
    x = jax.random.normal(ks[0], (B, S, d), dtype=jnp.float32)
    position_ids = jnp.arange(B * S, dtype=jnp.int32).reshape(B, S)
    return {
        "x": x,
        "position_ids": position_ids,
        "norm1_w": jnp.ones((d,), jnp.float32),
        "norm2_w": jnp.ones((d,), jnp.float32),
        "q_w": jax.random.normal(ks[1], (H * hd, d), dtype=jnp.float32) * s,
        "k_w": jax.random.normal(ks[2], (G * hd, d), dtype=jnp.float32) * s,
        "v_w": jax.random.normal(ks[3], (G * hd, d), dtype=jnp.float32) * s,
        "o_w": jax.random.normal(ks[4], (d, H * hd), dtype=jnp.float32) * s,
        "qn_w": jnp.ones((hd,), jnp.float32),
        "kn_w": jnp.ones((hd,), jnp.float32),
        "router_w": jax.random.normal(ks[5], (E, d), dtype=jnp.float32) * s,
        "gate_up_proj": jax.random.normal(ks[6], (E, 2 * hff, d), dtype=jnp.float32) * s,
        "down_proj": jax.random.normal(ks[7], (E, d, hff), dtype=jnp.float32) * s,
    }


def _pre_moe(x, position_ids, norm1_w, norm2_w, q_w, k_w, v_w, o_w, qn_w, kn_w):
    B, S, d = x.shape
    hd = qn_w.shape[0]
    H = q_w.shape[0] // hd
    G = k_w.shape[0] // hd
    grp = H // G
    residual = x
    xn = rms(x, norm1_w)
    Q = (xn @ q_w.T).reshape(B, S, H, hd).transpose(0, 2, 1, 3)
    K = (xn @ k_w.T).reshape(B, S, G, hd).transpose(0, 2, 1, 3)
    V = (xn @ v_w.T).reshape(B, S, G, hd).transpose(0, 2, 1, 3)
    Q = rms(Q, qn_w)
    K = rms(K, kn_w)
    Q = apply_rope(Q, position_ids)
    K = apply_rope(K, position_ids)
    Kc, Vc = K, V  # new kv cache
    Kr = jnp.repeat(K, grp, axis=1)
    Vr = jnp.repeat(V, grp, axis=1)
    scores = (Q @ Kr.transpose(0, 1, 3, 2)) / (hd ** 0.5)
    attn = jax.nn.softmax(scores.astype(jnp.float32), axis=-1)
    ctx = (attn @ Vr).transpose(0, 2, 1, 3).reshape(B, S, H * hd)
    attn_out = ctx @ o_w.T
    x = attn_out + residual
    residual2 = x
    hidden = rms(x, norm2_w).reshape(-1, d)
    return hidden, residual2, Kc, Vc


def reference(x, position_ids, norm1_w, norm2_w, q_w, k_w, v_w, o_w, qn_w, kn_w, router_w, gate_up_proj, down_proj):
    B, S, d = x.shape
    top_k = 2
    hidden, residual2, Kc, Vc = _pre_moe(x, position_ids, norm1_w, norm2_w, q_w, k_w, v_w, o_w, qn_w, kn_w)
    logits = hidden @ router_w.T
    probs = jax.nn.softmax(logits.astype(jnp.float32), axis=-1)
    vals, idx = jax.lax.top_k(probs, top_k)
    vals = vals / jnp.sum(vals, axis=-1, keepdims=True)
    final = jnp.zeros_like(hidden)
    E = router_w.shape[0]
    for e in range(E):
        w_e = jnp.sum(vals * (idx == e).astype(vals.dtype), axis=-1)
        gu = hidden @ gate_up_proj[e].T
        gate, up = jnp.split(gu, 2, axis=-1)
        h = jax.nn.silu(gate) * up
        oe = h @ down_proj[e].T
        final = final + oe * w_e[:, None]
    out = final.reshape(B, S, d) + residual2
    return (out, Kc, Vc)

if __name__ == "__main__":
    import jax
    _d = setup_inputs()
    print(jax.jit(kernel)(*tuple(_d.values())))

</pallas_src>

<mosaic_0001>
#map = affine_map<(d0, d1) -> (0, 0)>
#map1 = affine_map<(d0, d1) -> (0)>
module attributes {stable_mosaic.version = 14 : i64} {
  func.func @_combine_gather_body(%arg0: i32, %arg1: i32, %arg2: memref<12288x1024xf32, #tpu.memory_space<hbm>>, %arg3: memref<2048xi32, #tpu.memory_space<hbm>>, %arg4: memref<2048xi32, #tpu.memory_space<hbm>>, %arg5: memref<2048x1024xf32, #tpu.memory_space<hbm>>, %arg6: memref<2048x1024xf32, #tpu.memory_space<hbm>>, %arg7: memref<64xi32, #tpu.memory_space<vmem>>, %arg8: memref<64x1024xf32, #tpu.memory_space<vmem>>, %arg9: memref<!tpu.dma_semaphore, #tpu.memory_space<semaphore_mem>>) attributes {dimension_semantics = [#tpu.dimension_semantics<core_parallel>, #tpu.dimension_semantics<subcore_parallel>], iteration_bounds = array<i64: 2, 16>, scalar_prefetch = 0 : i64, scratch_operands = 3 : i64, tpu.core_type = #tpu.core_type<sc_vector_subcore>, window_params = [{transform_indices = #map}, {transform_indices = #map1}, {transform_indices = #map1}, {transform_indices = #map}, {transform_indices = #map}]} {
    %mul3A = arith.constant 2 : i32
    %mul3A_0 = arith.muli %arg1, %mul3A : i32
    %add3A = arith.addi %mul3A_0, %arg0 : i32
    %mul3A_1 = arith.constant 64 : i32
    %mul3A_2 = arith.muli %add3A, %mul3A_1 : i32
    "tpu.region"() ({
      %run_scoped3A = tpu.sem_alloc : memref<!tpu.dma_semaphore, #tpu.memory_space<semaphore_mem>>
      %dma_start3A_13 = tpu.memref_slice %arg3[%mul3A_2] : memref<2048xi32, #tpu.memory_space<hbm>> -> memref<64xi32, #tpu.memory_space<hbm>>
      %dma_start3A_14 = tpu.memref_slice %arg3[%mul3A_2] : memref<2048xi32, #tpu.memory_space<hbm>> -> memref<64xi32, #tpu.memory_space<hbm>>
      tpu.enqueue_dma source(%dma_start3A_14 : memref<64xi32, #tpu.memory_space<hbm>>) target(%arg7 : memref<64xi32, #tpu.memory_space<vmem>>) target_semaphore(%run_scoped3A : memref<!tpu.dma_semaphore, #tpu.memory_space<semaphore_mem>>)
      %dma_wait3A_15 = tpu.memref_slice %arg3[%mul3A_2] : memref<2048xi32, #tpu.memory_space<hbm>> -> memref<64xi32, #tpu.memory_space<hbm>>
      %dma_wait3A_16 = tpu.memref_slice %arg3[%mul3A_2] : memref<2048xi32, #tpu.memory_space<hbm>> -> memref<64xi32, #tpu.memory_space<hbm>>
      tpu.wait_dma2 semaphore(%run_scoped3A : memref<!tpu.dma_semaphore, #tpu.memory_space<semaphore_mem>>) src(%dma_wait3A_16 : memref<64xi32, #tpu.memory_space<hbm>>) dst(%arg7 : memref<64xi32, #tpu.memory_space<vmem>>)
      tpu.yield
    }) : () -> ()
    %dma_start3A = arith.constant 0 : i32
    %dma_start3A_3 = arith.constant 0 : i32
    %dma_start3A_4 = tpu.memref_slice %arg2[%dma_start3A, %dma_start3A_3] : memref<12288x1024xf32, #tpu.memory_space<hbm>> -> memref<12288x1024xf32, #tpu.memory_space<hbm>>
    tpu.enqueue_indirect_dma source(%dma_start3A_4 : memref<12288x1024xf32, #tpu.memory_space<hbm>>) target(%arg8 : memref<64x1024xf32, #tpu.memory_space<vmem>>) offsets(%arg7 : memref<64xi32, #tpu.memory_space<vmem>>) semaphore(%arg9 : memref<!tpu.dma_semaphore, #tpu.memory_space<semaphore_mem>>)
    %dma_wait3A = arith.constant 0 : i32
    %dma_wait3A_5 = arith.constant 0 : i32
    %dma_wait3A_6 = tpu.memref_slice %arg2[%dma_wait3A, %dma_wait3A_5] : memref<12288x1024xf32, #tpu.memory_space<hbm>> -> memref<12288x1024xf32, #tpu.memory_space<hbm>>
    tpu.wait_indirect_dma semaphore(%arg9 : memref<!tpu.dma_semaphore, #tpu.memory_space<semaphore_mem>>) src(%dma_wait3A_6 : memref<12288x1024xf32, #tpu.memory_space<hbm>>) dst(%arg8 : memref<64x1024xf32, #tpu.memory_space<vmem>>)
    "tpu.region"() ({
      %run_scoped3A = tpu.sem_alloc : memref<!tpu.dma_semaphore, #tpu.memory_space<semaphore_mem>>
      %dma_start3A_13 = arith.constant 0 : i32
      %dma_start3A_14 = tpu.memref_slice %arg5[%mul3A_2, %dma_start3A_13] : memref<2048x1024xf32, #tpu.memory_space<hbm>> -> memref<64x1024xf32, #tpu.memory_space<hbm>>
      %dma_start3A_15 = arith.constant 0 : i32
      %dma_start3A_16 = tpu.memref_slice %arg5[%mul3A_2, %dma_start3A_15] : memref<2048x1024xf32, #tpu.memory_space<hbm>> -> memref<64x1024xf32, #tpu.memory_space<hbm>>
      tpu.enqueue_dma source(%arg8 : memref<64x1024xf32, #tpu.memory_space<vmem>>) target(%dma_start3A_16 : memref<64x1024xf32, #tpu.memory_space<hbm>>) target_semaphore(%run_scoped3A : memref<!tpu.dma_semaphore, #tpu.memory_space<semaphore_mem>>)
      %dma_wait3A_17 = arith.constant 0 : i32
      %dma_wait3A_18 = tpu.memref_slice %arg5[%mul3A_2, %dma_wait3A_17] : memref<2048x1024xf32, #tpu.memory_space<hbm>> -> memref<64x1024xf32, #tpu.memory_space<hbm>>
      %dma_wait3A_19 = arith.constant 0 : i32
      %dma_wait3A_20 = tpu.memref_slice %arg5[%mul3A_2, %dma_wait3A_19] : memref<2048x1024xf32, #tpu.memory_space<hbm>> -> memref<64x1024xf32, #tpu.memory_space<hbm>>
      tpu.wait_dma2 semaphore(%run_scoped3A : memref<!tpu.dma_semaphore, #tpu.memory_space<semaphore_mem>>) src(%arg8 : memref<64x1024xf32, #tpu.memory_space<vmem>>) dst(%dma_wait3A_20 : memref<64x1024xf32, #tpu.memory_space<hbm>>)
      tpu.yield
    }) : () -> ()
    "tpu.region"() ({
      %run_scoped3A = tpu.sem_alloc : memref<!tpu.dma_semaphore, #tpu.memory_space<semaphore_mem>>
      %dma_start3A_13 = tpu.memref_slice %arg4[%mul3A_2] : memref<2048xi32, #tpu.memory_space<hbm>> -> memref<64xi32, #tpu.memory_space<hbm>>
      %dma_start3A_14 = tpu.memref_slice %arg4[%mul3A_2] : memref<2048xi32, #tpu.memory_space<hbm>> -> memref<64xi32, #tpu.memory_space<hbm>>
      tpu.enqueue_dma source(%dma_start3A_14 : memref<64xi32, #tpu.memory_space<hbm>>) target(%arg7 : memref<64xi32, #tpu.memory_space<vmem>>) target_semaphore(%run_scoped3A : memref<!tpu.dma_semaphore, #tpu.memory_space<semaphore_mem>>)
      %dma_wait3A_15 = tpu.memref_slice %arg4[%mul3A_2] : memref<2048xi32, #tpu.memory_space<hbm>> -> memref<64xi32, #tpu.memory_space<hbm>>
      %dma_wait3A_16 = tpu.memref_slice %arg4[%mul3A_2] : memref<2048xi32, #tpu.memory_space<hbm>> -> memref<64xi32, #tpu.memory_space<hbm>>
      tpu.wait_dma2 semaphore(%run_scoped3A : memref<!tpu.dma_semaphore, #tpu.memory_space<semaphore_mem>>) src(%dma_wait3A_16 : memref<64xi32, #tpu.memory_space<hbm>>) dst(%arg7 : memref<64xi32, #tpu.memory_space<vmem>>)
      tpu.yield
    }) : () -> ()
    %dma_start3A_7 = arith.constant 0 : i32
    %dma_start3A_8 = arith.constant 0 : i32
    %dma_start3A_9 = tpu.memref_slice %arg2[%dma_start3A_7, %dma_start3A_8] : memref<12288x1024xf32, #tpu.memory_space<hbm>> -> memref<12288x1024xf32, #tpu.memory_space<hbm>>
    tpu.enqueue_indirect_dma source(%dma_start3A_9 : memref<12288x1024xf32, #tpu.memory_space<hbm>>) target(%arg8 : memref<64x1024xf32, #tpu.memory_space<vmem>>) offsets(%arg7 : memref<64xi32, #tpu.memory_space<vmem>>) semaphore(%arg9 : memref<!tpu.dma_semaphore, #tpu.memory_space<semaphore_mem>>)
    %dma_wait3A_10 = arith.constant 0 : i32
    %dma_wait3A_11 = arith.constant 0 : i32
    %dma_wait3A_12 = tpu.memref_slice %arg2[%dma_wait3A_10, %dma_wait3A_11] : memref<12288x1024xf32, #tpu.memory_space<hbm>> -> memref<12288x1024xf32, #tpu.memory_space<hbm>>
    tpu.wait_indirect_dma semaphore(%arg9 : memref<!tpu.dma_semaphore, #tpu.memory_space<semaphore_mem>>) src(%dma_wait3A_12 : memref<12288x1024xf32, #tpu.memory_space<hbm>>) dst(%arg8 : memref<64x1024xf32, #tpu.memory_space<vmem>>)
    "tpu.region"() ({
      %run_scoped3A = tpu.sem_alloc : memref<!tpu.dma_semaphore, #tpu.memory_space<semaphore_mem>>
      %dma_start3A_13 = arith.constant 0 : i32
      %dma_start3A_14 = tpu.memref_slice %arg6[%mul3A_2, %dma_start3A_13] : memref<2048x1024xf32, #tpu.memory_space<hbm>> -> memref<64x1024xf32, #tpu.memory_space<hbm>>
      %dma_start3A_15 = arith.constant 0 : i32
      %dma_start3A_16 = tpu.memref_slice %arg6[%mul3A_2, %dma_start3A_15] : memref<2048x1024xf32, #tpu.memory_space<hbm>> -> memref<64x1024xf32, #tpu.memory_space<hbm>>
      tpu.enqueue_dma source(%arg8 : memref<64x1024xf32, #tpu.memory_space<vmem>>) target(%dma_start3A_16 : memref<64x1024xf32, #tpu.memory_space<hbm>>) target_semaphore(%run_scoped3A : memref<!tpu.dma_semaphore, #tpu.memory_space<semaphore_mem>>)
      %dma_wait3A_17 = arith.constant 0 : i32
      %dma_wait3A_18 = tpu.memref_slice %arg6[%mul3A_2, %dma_wait3A_17] : memref<2048x1024xf32, #tpu.memory_space<hbm>> -> memref<64x1024xf32, #tpu.memory_space<hbm>>
      %dma_wait3A_19 = arith.constant 0 : i32
      %dma_wait3A_20 = tpu.memref_slice %arg6[%mul3A_2, %dma_wait3A_19] : memref<2048x1024xf32, #tpu.memory_space<hbm>> -> memref<64x1024xf32, #tpu.memory_space<hbm>>
      tpu.wait_dma2 semaphore(%run_scoped3A : memref<!tpu.dma_semaphore, #tpu.memory_space<semaphore_mem>>) src(%arg8 : memref<64x1024xf32, #tpu.memory_space<vmem>>) dst(%dma_wait3A_20 : memref<64x1024xf32, #tpu.memory_space<hbm>>)
      tpu.yield
    }) : () -> ()
    return
  }
}

#map = affine_map<(d0, d1) -> (0, 0)>
#map1 = affine_map<(d0, d1) -> (0)>
module attributes {stable_mosaic.version = 14 : i64} {
  func.func @_dispatch_body(%arg0: i32, %arg1: i32, %arg2: memref<2048x1024xf32, #tpu.memory_space<hbm>>, %arg3: memref<2048xi32, #tpu.memory_space<hbm>>, %arg4: memref<2048xi32, #tpu.memory_space<hbm>>, %arg5: memref<12288x1024xf32, #tpu.memory_space<hbm>>, %arg6: memref<64xi32, #tpu.memory_space<vmem>>, %arg7: memref<64x1024xf32, #tpu.memory_space<vmem>>, %arg8: memref<!tpu.dma_semaphore, #tpu.memory_space<semaphore_mem>>) attributes {dimension_semantics = [#tpu.dimension_semantics<core_parallel>, #tpu.dimension_semantics<subcore_parallel>], iteration_bounds = array<i64: 2, 16>, scalar_prefetch = 0 : i64, scratch_operands = 3 : i64, tpu.core_type = #tpu.core_type<sc_vector_subcore>, window_params = [{transform_indices = #map}, {transform_indices = #map1}, {transform_indices = #map1}, {transform_indices = #map}]} {
    %mul3A = arith.constant 2 : i32
    %mul3A_0 = arith.muli %arg1, %mul3A : i32
    %add3A = arith.addi %mul3A_0, %arg0 : i32
    %mul3A_1 = arith.constant 64 : i32
    %mul3A_2 = arith.muli %add3A, %mul3A_1 : i32
    "tpu.region"() ({
      %run_scoped3A = tpu.sem_alloc : memref<!tpu.dma_semaphore, #tpu.memory_space<semaphore_mem>>
      %dma_start3A_13 = arith.constant 0 : i32
      %dma_start3A_14 = tpu.memref_slice %arg2[%mul3A_2, %dma_start3A_13] : memref<2048x1024xf32, #tpu.memory_space<hbm>> -> memref<64x1024xf32, #tpu.memory_space<hbm>>
      %dma_start3A_15 = arith.constant 0 : i32
      %dma_start3A_16 = tpu.memref_slice %arg2[%mul3A_2, %dma_start3A_15] : memref<2048x1024xf32, #tpu.memory_space<hbm>> -> memref<64x1024xf32, #tpu.memory_space<hbm>>
      tpu.enqueue_dma source(%dma_start3A_16 : memref<64x1024xf32, #tpu.memory_space<hbm>>) target(%arg7 : memref<64x1024xf32, #tpu.memory_space<vmem>>) target_semaphore(%run_scoped3A : memref<!tpu.dma_semaphore, #tpu.memory_space<semaphore_mem>>)
      %dma_wait3A_17 = arith.constant 0 : i32
      %dma_wait3A_18 = tpu.memref_slice %arg2[%mul3A_2, %dma_wait3A_17] : memref<2048x1024xf32, #tpu.memory_space<hbm>> -> memref<64x1024xf32, #tpu.memory_space<hbm>>
      %dma_wait3A_19 = arith.constant 0 : i32
      %dma_wait3A_20 = tpu.memref_slice %arg2[%mul3A_2, %dma_wait3A_19] : memref<2048x1024xf32, #tpu.memory_space<hbm>> -> memref<64x1024xf32, #tpu.memory_space<hbm>>
      tpu.wait_dma2 semaphore(%run_scoped3A : memref<!tpu.dma_semaphore, #tpu.memory_space<semaphore_mem>>) src(%dma_wait3A_20 : memref<64x1024xf32, #tpu.memory_space<hbm>>) dst(%arg7 : memref<64x1024xf32, #tpu.memory_space<vmem>>)
      tpu.yield
    }) : () -> ()
    "tpu.region"() ({
      %run_scoped3A = tpu.sem_alloc : memref<!tpu.dma_semaphore, #tpu.memory_space<semaphore_mem>>
      %dma_start3A_13 = tpu.memref_slice %arg3[%mul3A_2] : memref<2048xi32, #tpu.memory_space<hbm>> -> memref<64xi32, #tpu.memory_space<hbm>>
      %dma_start3A_14 = tpu.memref_slice %arg3[%mul3A_2] : memref<2048xi32, #tpu.memory_space<hbm>> -> memref<64xi32, #tpu.memory_space<hbm>>
      tpu.enqueue_dma source(%dma_start3A_14 : memref<64xi32, #tpu.memory_space<hbm>>) target(%arg6 : memref<64xi32, #tpu.memory_space<vmem>>) target_semaphore(%run_scoped3A : memref<!tpu.dma_semaphore, #tpu.memory_space<semaphore_mem>>)
      %dma_wait3A_15 = tpu.memref_slice %arg3[%mul3A_2] : memref<2048xi32, #tpu.memory_space<hbm>> -> memref<64xi32, #tpu.memory_space<hbm>>
      %dma_wait3A_16 = tpu.memref_slice %arg3[%mul3A_2] : memref<2048xi32, #tpu.memory_space<hbm>> -> memref<64xi32, #tpu.memory_space<hbm>>
      tpu.wait_dma2 semaphore(%run_scoped3A : memref<!tpu.dma_semaphore, #tpu.memory_space<semaphore_mem>>) src(%dma_wait3A_16 : memref<64xi32, #tpu.memory_space<hbm>>) dst(%arg6 : memref<64xi32, #tpu.memory_space<vmem>>)
      tpu.yield
    }) : () -> ()
    %dma_start3A = arith.constant 0 : i32
    %dma_start3A_3 = arith.constant 0 : i32
    %dma_start3A_4 = tpu.memref_slice %arg5[%dma_start3A, %dma_start3A_3] : memref<12288x1024xf32, #tpu.memory_space<hbm>> -> memref<12288x1024xf32, #tpu.memory_space<hbm>>
    tpu.enqueue_indirect_dma source(%arg7 : memref<64x1024xf32, #tpu.memory_space<vmem>>) target(%dma_start3A_4 : memref<12288x1024xf32, #tpu.memory_space<hbm>>) offsets(%arg6 : memref<64xi32, #tpu.memory_space<vmem>>) semaphore(%arg8 : memref<!tpu.dma_semaphore, #tpu.memory_space<semaphore_mem>>)
    %dma_wait3A = arith.constant 0 : i32
    %dma_wait3A_5 = arith.constant 0 : i32
    %dma_wait3A_6 = tpu.memref_slice %arg5[%dma_wait3A, %dma_wait3A_5] : memref<12288x1024xf32, #tpu.memory_space<hbm>> -> memref<12288x1024xf32, #tpu.memory_space<hbm>>
    tpu.wait_indirect_dma semaphore(%arg8 : memref<!tpu.dma_semaphore, #tpu.memory_space<semaphore_mem>>) src(%arg7 : memref<64x1024xf32, #tpu.memory_space<vmem>>) dst(%dma_wait3A_6 : memref<12288x1024xf32, #tpu.memory_space<hbm>>)
    "tpu.region"() ({
      %run_scoped3A = tpu.sem_alloc : memref<!tpu.dma_semaphore, #tpu.memory_space<semaphore_mem>>
      %dma_start3A_13 = tpu.memref_slice %arg4[%mul3A_2] : memref<2048xi32, #tpu.memory_space<hbm>> -> memref<64xi32, #tpu.memory_space<hbm>>
      %dma_start3A_14 = tpu.memref_slice %arg4[%mul3A_2] : memref<2048xi32, #tpu.memory_space<hbm>> -> memref<64xi32, #tpu.memory_space<hbm>>
      tpu.enqueue_dma source(%dma_start3A_14 : memref<64xi32, #tpu.memory_space<hbm>>) target(%arg6 : memref<64xi32, #tpu.memory_space<vmem>>) target_semaphore(%run_scoped3A : memref<!tpu.dma_semaphore, #tpu.memory_space<semaphore_mem>>)
      %dma_wait3A_15 = tpu.memref_slice %arg4[%mul3A_2] : memref<2048xi32, #tpu.memory_space<hbm>> -> memref<64xi32, #tpu.memory_space<hbm>>
      %dma_wait3A_16 = tpu.memref_slice %arg4[%mul3A_2] : memref<2048xi32, #tpu.memory_space<hbm>> -> memref<64xi32, #tpu.memory_space<hbm>>
      tpu.wait_dma2 semaphore(%run_scoped3A : memref<!tpu.dma_semaphore, #tpu.memory_space<semaphore_mem>>) src(%dma_wait3A_16 : memref<64xi32, #tpu.memory_space<hbm>>) dst(%arg6 : memref<64xi32, #tpu.memory_space<vmem>>)
      tpu.yield
    }) : () -> ()
    %dma_start3A_7 = arith.constant 0 : i32
    %dma_start3A_8 = arith.constant 0 : i32
    %dma_start3A_9 = tpu.memref_slice %arg5[%dma_start3A_7, %dma_start3A_8] : memref<12288x1024xf32, #tpu.memory_space<hbm>> -> memref<12288x1024xf32, #tpu.memory_space<hbm>>
    tpu.enqueue_indirect_dma source(%arg7 : memref<64x1024xf32, #tpu.memory_space<vmem>>) target(%dma_start3A_9 : memref<12288x1024xf32, #tpu.memory_space<hbm>>) offsets(%arg6 : memref<64xi32, #tpu.memory_space<vmem>>) semaphore(%arg8 : memref<!tpu.dma_semaphore, #tpu.memory_space<semaphore_mem>>)
    %dma_wait3A_10 = arith.constant 0 : i32
    %dma_wait3A_11 = arith.constant 0 : i32
    %dma_wait3A_12 = tpu.memref_slice %arg5[%dma_wait3A_10, %dma_wait3A_11] : memref<12288x1024xf32, #tpu.memory_space<hbm>> -> memref<12288x1024xf32, #tpu.memory_space<hbm>>
    tpu.wait_indirect_dma semaphore(%arg8 : memref<!tpu.dma_semaphore, #tpu.memory_space<semaphore_mem>>) src(%arg7 : memref<64x1024xf32, #tpu.memory_space<vmem>>) dst(%dma_wait3A_12 : memref<12288x1024xf32, #tpu.memory_space<hbm>>)
    return
  }
}

module attributes {stable_mosaic.version = 14 : i64} {
  func.func @_qkv_body(%arg0: i32, %arg1: memref<256x1024xf32, #tpu.memory_space<vmem>>, %arg2: memref<1024x1024xbf16, #tpu.memory_space<vmem>>, %arg3: memref<256x1024xbf16, #tpu.memory_space<vmem>>, %arg4: memref<256x1024xbf16, #tpu.memory_space<vmem>>, %arg5: memref<1x1024xf32, #tpu.memory_space<vmem>>, %arg6: memref<1x1024xf32, #tpu.memory_space<vmem>>, %arg7: memref<1x256xf32, #tpu.memory_space<vmem>>, %arg8: memref<1024x16xf32, #tpu.memory_space<vmem>>, %arg9: memref<16x1024xf32, #tpu.memory_space<vmem>>, %arg10: memref<256x4xf32, #tpu.memory_space<vmem>>, %arg11: memref<4x256xf32, #tpu.memory_space<vmem>>, %arg12: memref<1x32xf32, #tpu.memory_space<vmem>>, %arg13: memref<16x256x64xbf16, #tpu.memory_space<vmem>>, %arg14: memref<1x4x256x64xf32, #tpu.memory_space<vmem>>, %arg15: memref<1x4x256x64xf32, #tpu.memory_space<vmem>>, %arg16: memref<4x256x64xbf16, #tpu.memory_space<vmem>>, %arg17: memref<4x256x128xbf16, #tpu.memory_space<vmem>>) attributes {dimension_semantics = [#tpu.dimension_semantics<arbitrary>], iteration_bounds = array<i64: 8>, scalar_prefetch = 0 : i64, scratch_operands = 0 : i64, tpu.core_type = #tpu.core_type<tc>, window_params = [{transform_indices = @transform_0, window_bounds = array<i64: 256, 1024>}, {pipeline_mode = #tpu.pipeline_mode<synchronous>, transform_indices = @transform_1, window_bounds = array<i64: 1024, 1024>}, {pipeline_mode = #tpu.pipeline_mode<synchronous>, transform_indices = @transform_2, window_bounds = array<i64: 256, 1024>}, {pipeline_mode = #tpu.pipeline_mode<synchronous>, transform_indices = @transform_3, window_bounds = array<i64: 256, 1024>}, {pipeline_mode = #tpu.pipeline_mode<synchronous>, transform_indices = @transform_4, window_bounds = array<i64: 1, 1024>}, {pipeline_mode = #tpu.pipeline_mode<synchronous>, transform_indices = @transform_5, window_bounds = array<i64: 1, 1024>}, {pipeline_mode = #tpu.pipeline_mode<synchronous>, transform_indices = @transform_6, window_bounds = array<i64: 1, 256>}, {pipeline_mode = #tpu.pipeline_mode<synchronous>, transform_indices = @transform_7, window_bounds = array<i64: 1024, 16>}, {pipeline_mode = #tpu.pipeline_mode<synchronous>, transform_indices = @transform_8, window_bounds = array<i64: 16, 1024>}, {pipeline_mode = #tpu.pipeline_mode<synchronous>, transform_indices = @transform_9, window_bounds = array<i64: 256, 4>}, {pipeline_mode = #tpu.pipeline_mode<synchronous>, transform_indices = @transform_10, window_bounds = array<i64: 4, 256>}, {pipeline_mode = #tpu.pipeline_mode<synchronous>, transform_indices = @transform_11, window_bounds = array<i64: 1, 32>}, {transform_indices = @transform_12, window_bounds = array<i64: 16, 256, 64>}, {transform_indices = @transform_13, window_bounds = array<i64: 1, 4, 256, 64>}, {transform_indices = @transform_14, window_bounds = array<i64: 1, 4, 256, 64>}, {transform_indices = @transform_15, window_bounds = array<i64: 4, 256, 64>}, {transform_indices = @transform_16, window_bounds = array<i64: 4, 256, 128>}]} {
    %get3A = arith.constant 0 : index
    %get3A_0 = arith.constant 0 : index
    %get3A_1 = vector.load %arg1[%get3A, %get3A_0] : memref<256x1024xf32, #tpu.memory_space<vmem>>, vector<256x1024xf32>
    %mul3A = arith.mulf %get3A_1, %get3A_1 : vector<256x1024xf32>
    %reduce_sum3A = arith.constant dense<0.000000e+00> : vector<256xf32>
    %reduce_sum3A_2 = vector.multi_reduction <add>, %mul3A, %reduce_sum3A [1] : vector<256x1024xf32> to vector<256xf32>
    %broadcast_in_dim3A = vector.shape_cast %reduce_sum3A_2 : vector<256xf32> to vector<256x1xf32>
    %div3A = arith.constant 1.024000e+03 : f32
    %div3A_3 = vector.broadcast %div3A : f32 to vector<256x1xf32>
    %div3A_4 = arith.divf %broadcast_in_dim3A, %div3A_3 : vector<256x1xf32>
    %add3A = arith.constant 9.99999997E-7 : f32
    %add3A_5 = vector.broadcast %add3A : f32 to vector<256x1xf32>
    %add3A_6 = arith.addf %div3A_4, %add3A_5 : vector<256x1xf32>
    %rsqrt3A = math.rsqrt %add3A_6 : vector<256x1xf32>
    %mul3A_7 = vector.broadcast %rsqrt3A : vector<256x1xf32> to vector<256x1024xf32>
    %mul3A_8 = arith.mulf %get3A_1, %mul3A_7 : vector<256x1024xf32>
    %get3A_9 = arith.constant 0 : index
    %get3A_10 = arith.constant 0 : index
    %get3A_11 = vector.load %arg5[%get3A_9, %get3A_10] : memref<1x1024xf32, #tpu.memory_space<vmem>>, vector<1x1024xf32>
    %mul3A_12 = vector.broadcast %get3A_11 : vector<1x1024xf32> to vector<256x1024xf32>
    %mul3A_13 = arith.mulf %mul3A_8, %mul3A_12 : vector<256x1024xf32>
    %convert_element_type3A = arith.truncf %mul3A_13 : vector<256x1024xf32> to vector<256x1024xbf16>
    %get3A_14 = arith.constant 0 : index
    %get3A_15 = arith.constant 0 : index
    %get3A_16 = vector.load %arg2[%get3A_14, %get3A_15] : memref<1024x1024xbf16, #tpu.memory_space<vmem>>, vector<1024x1024xbf16>
    %dot_general3A = arith.constant dense<0.000000e+00> : vector<256x1024xf32>
    %dot_general3A_17 = tpu.matmul %convert_element_type3A, %get3A_16, %dot_general3A {dimension_numbers = #tpu.dot_dimension_numbers<[1], [1], [0], [0], [0, 0, 1, 0], [], []>, transpose_lhs_hint = false} : vector<256x1024xbf16>, vector<1024x1024xbf16>, vector<256x1024xf32> -> vector<256x1024xf32>
    %get3A_18 = arith.constant 0 : index
    %get3A_19 = arith.constant 0 : index
    %get3A_20 = vector.load %arg3[%get3A_18, %get3A_19] : memref<256x1024xbf16, #tpu.memory_space<vmem>>, vector<256x1024xbf16>
    %dot_general3A_21 = arith.constant dense<0.000000e+00> : vector<256x256xf32>
    %dot_general3A_22 = tpu.matmul %convert_element_type3A, %get3A_20, %dot_general3A_21 {dimension_numbers = #tpu.dot_dimension_numbers<[1], [1], [0], [0], [0, 0, 1, 0], [], []>, transpose_lhs_hint = false} : vector<256x1024xbf16>, vector<256x1024xbf16>, vector<256x256xf32> -> vector<256x256xf32>
    %get3A_23 = arith.constant 0 : index
    %get3A_24 = arith.constant 0 : index
    %get3A_25 = vector.load %arg4[%get3A_23, %get3A_24] : memref<256x1024xbf16, #tpu.memory_space<vmem>>, vector<256x1024xbf16>
    %dot_general3A_26 = arith.constant dense<0.000000e+00> : vector<256x256xf32>
    %dot_general3A_27 = tpu.matmul %convert_element_type3A, %get3A_25, %dot_general3A_26 {dimension_numbers = #tpu.dot_dimension_numbers<[1], [1], [0], [0], [0, 0, 1, 0], [], []>, transpose_lhs_hint = false} : vector<256x1024xbf16>, vector<256x1024xbf16>, vector<256x256xf32> -> vector<256x256xf32>
    %mul3A_28 = arith.constant 256 : i32
    %mul3A_29 = arith.muli %arg0, %mul3A_28 : i32
    %iota3A = tpu.iota {dimensions = array<i32: 0>} : vector<256x1xi32>
    %add3A_30 = vector.broadcast %mul3A_29 : i32 to vector<256x1xi32>
    %add3A_31 = arith.addi %add3A_30, %iota3A : vector<256x1xi32>
    %convert_element_type3A_32 = arith.sitofp %add3A_31 : vector<256x1xi32> to vector<256x1xf32>
    %get3A_33 = arith.constant 0 : index
    %get3A_34 = arith.constant 0 : index
    %get3A_35 = vector.load %arg12[%get3A_33, %get3A_34] : memref<1x32xf32, #tpu.memory_space<vmem>>, vector<1x32xf32>
    %mul3A_36 = vector.broadcast %convert_element_type3A_32 : vector<256x1xf32> to vector<256x32xf32>
    %mul3A_37 = vector.broadcast %get3A_35 : vector<1x32xf32> to vector<256x32xf32>
    %mul3A_38 = arith.mulf %mul3A_36, %mul3A_37 : vector<256x32xf32>
    %cos3A = math.cos %mul3A_38 : vector<256x32xf32>
    %sin3A = math.sin %mul3A_38 : vector<256x32xf32>
    %get3A_39 = arith.constant 0 : index
    %get3A_40 = arith.constant 0 : index
    %get3A_41 = vector.load %arg6[%get3A_39, %get3A_40] : memref<1x1024xf32, #tpu.memory_space<vmem>>, vector<1x1024xf32>
    %get3A_42 = arith.constant 0 : index
    %get3A_43 = arith.constant 0 : index
    %get3A_44 = vector.load %arg8[%get3A_42, %get3A_43] : memref<1024x16xf32, #tpu.memory_space<vmem>>, vector<1024x16xf32>
    %get3A_45 = arith.constant 0 : index
    %get3A_46 = arith.constant 0 : index
    %get3A_47 = vector.load %arg9[%get3A_45, %get3A_46] : memref<16x1024xf32, #tpu.memory_space<vmem>>, vector<16x1024xf32>
    %mul3A_48 = arith.mulf %dot_general3A_17, %dot_general3A_17 : vector<256x1024xf32>
    %dot_general3A_49 = arith.constant dense<0.000000e+00> : vector<256x16xf32>
    %dot_general3A_50 = tpu.matmul %mul3A_48, %get3A_44, %dot_general3A_49 {dimension_numbers = #tpu.dot_dimension_numbers<[1], [0], [0], [1], [0, 0, 1, 1], [], []>, precision = #tpu.contract_precision<fp32>, transpose_lhs_hint = false} : vector<256x1024xf32>, vector<1024x16xf32>, vector<256x16xf32> -> vector<256x16xf32>
    %add3A_51 = arith.constant 9.99999997E-7 : f32
    %add3A_52 = vector.broadcast %add3A_51 : f32 to vector<256x16xf32>
    %add3A_53 = arith.addf %dot_general3A_50, %add3A_52 : vector<256x16xf32>
    %rsqrt3A_54 = math.rsqrt %add3A_53 : vector<256x16xf32>
    %dot_general3A_55 = arith.constant dense<0.000000e+00> : vector<256x1024xf32>
    %dot_general3A_56 = tpu.matmul %rsqrt3A_54, %get3A_47, %dot_general3A_55 {dimension_numbers = #tpu.dot_dimension_numbers<[1], [0], [0], [1], [0, 0, 1, 1], [], []>, precision = #tpu.contract_precision<fp32>, transpose_lhs_hint = false} : vector<256x16xf32>, vector<16x1024xf32>, vector<256x1024xf32> -> vector<256x1024xf32>
    %mul3A_57 = arith.mulf %dot_general3A_17, %dot_general3A_56 : vector<256x1024xf32>
    %mul3A_58 = vector.broadcast %get3A_41 : vector<1x1024xf32> to vector<256x1024xf32>
    %mul3A_59 = arith.mulf %mul3A_57, %mul3A_58 : vector<256x1024xf32>
    %slice3A = vector.extract_strided_slice %mul3A_59 {offsets = [0, 32], sizes = [256, 992], strides = [1, 1]} : vector<256x1024xf32> to vector<256x992xf32>
    %slice3A_60 = vector.extract_strided_slice %mul3A_59 {offsets = [0, 0], sizes = [256, 32], strides = [1, 1]} : vector<256x1024xf32> to vector<256x32xf32>
    %concatenate3A = tpu.concatenate %slice3A, %slice3A_60 in 1 : vector<256x992xf32>, vector<256x32xf32> -> vector<256x1024xf32>
    %slice3A_61 = vector.extract_strided_slice %mul3A_59 {offsets = [0, 992], sizes = [256, 32], strides = [1, 1]} : vector<256x1024xf32> to vector<256x32xf32>
    %slice3A_62 = vector.extract_strided_slice %mul3A_59 {offsets = [0, 0], sizes = [256, 992], strides = [1, 1]} : vector<256x1024xf32> to vector<256x992xf32>
    %concatenate3A_63 = tpu.concatenate %slice3A_61, %slice3A_62 in 1 : vector<256x32xf32>, vector<256x992xf32> -> vector<256x1024xf32>
    %iota3A_64 = tpu.iota {dimensions = array<i32: 1>} : vector<1x1024xi32>
    %jit3A = arith.constant 64 : i32
    %eq3A = arith.constant 0 : i32
    %eq3A_65 = arith.cmpi eq, %jit3A, %eq3A : i32
    %jit3A_66 = arith.constant 1 : i32
    %select_n3A = arith.select %eq3A_65, %jit3A_66, %jit3A : i32
    %rem3A = vector.broadcast %select_n3A : i32 to vector<1x1024xi32>
    %rem3A_67 = arith.remsi %iota3A_64, %rem3A : vector<1x1024xi32>
    %ne3A = arith.constant 0 : i32
    %ne3A_68 = vector.broadcast %ne3A : i32 to vector<1x1024xi32>
    %ne3A_69 = arith.cmpi ne, %rem3A_67, %ne3A_68 : vector<1x1024xi32>
    %lt3A = arith.constant 0 : i32
    %lt3A_70 = vector.broadcast %lt3A : i32 to vector<1x1024xi32>
    %lt3A_71 = arith.cmpi slt, %rem3A_67, %lt3A_70 : vector<1x1024xi32>
    %lt3A_72 = arith.constant 0 : i32
    %lt3A_73 = arith.cmpi slt, %select_n3A, %lt3A_72 : i32
    %ne3A_74 = vector.broadcast %lt3A_73 : i1 to vector<1x1024xi1>
    %ne3A_75 = vector.broadcast %ne3A_74 : vector<1x1024xi1> to vector<1x1024xi1>
    %ne3A_76 = arith.xori %lt3A_71, %ne3A_75 : vector<1x1024xi1>
    %and3A = arith.andi %ne3A_76, %ne3A_69 : vector<1x1024xi1>
    %add3A_77 = vector.broadcast %select_n3A : i32 to vector<1x1024xi32>
    %add3A_78 = arith.addi %rem3A_67, %add3A_77 : vector<1x1024xi32>
    %select_n3A_79 = arith.select %and3A, %add3A_78, %rem3A_67 : vector<1x1024xi1>, vector<1x1024xi32>
    %lt3A_80 = arith.constant 32 : i32
    %lt3A_81 = vector.broadcast %lt3A_80 : i32 to vector<1x1024xi32>
    %lt3A_82 = arith.cmpi slt, %select_n3A_79, %lt3A_81 : vector<1x1024xi32>
    %neg3A = arith.constant 0.000000e+00 : f32
    %neg3A_83 = vector.broadcast %neg3A : f32 to vector<256x1024xf32>
    %neg3A_84 = arith.subf %neg3A_83, %concatenate3A : vector<256x1024xf32>
    %broadcast_in_dim3A_85 = vector.shape_cast %lt3A_82 : vector<1x1024xi1> to vector<1x1024xi1>
    %broadcast_in_dim3A_86 = vector.broadcast %broadcast_in_dim3A_85 : vector<1x1024xi1> to vector<256x1024xi1>
    %select_n3A_87 = arith.select %broadcast_in_dim3A_86, %neg3A_84, %concatenate3A_63 : vector<256x1024xi1>, vector<256x1024xf32>
    %tile3A = tpu.concatenate %cos3A, %cos3A, %cos3A, %cos3A, %cos3A, %cos3A, %cos3A, %cos3A, %cos3A, %cos3A, %cos3A, %cos3A, %cos3A, %cos3A, %cos3A, %cos3A, %cos3A, %cos3A, %cos3A, %cos3A, %cos3A, %cos3A, %cos3A, %cos3A, %cos3A, %cos3A, %cos3A, %cos3A, %cos3A, %cos3A, %cos3A, %cos3A in 1 : vector<256x32xf32>, vector<256x32xf32>, vector<256x32xf32>, vector<256x32xf32>, vector<256x32xf32>, vector<256x32xf32>, vector<256x32xf32>, vector<256x32xf32>, vector<256x32xf32>, vector<256x32xf32>, vector<256x32xf32>, vector<256x32xf32>, vector<256x32xf32>, vector<256x32xf32>, vector<256x32xf32>, vector<256x32xf32>, vector<256x32xf32>, vector<256x32xf32>, vector<256x32xf32>, vector<256x32xf32>, vector<256x32xf32>, vector<256x32xf32>, vector<256x32xf32>, vector<256x32xf32>, vector<256x32xf32>, vector<256x32xf32>, vector<256x32xf32>, vector<256x32xf32>, vector<256x32xf32>, vector<256x32xf32>, vector<256x32xf32>, vector<256x32xf32> -> vector<256x1024xf32>
    %mul3A_88 = arith.mulf %mul3A_59, %tile3A : vector<256x1024xf32>
    %tile3A_89 = tpu.concatenate %sin3A, %sin3A, %sin3A, %sin3A, %sin3A, %sin3A, %sin3A, %sin3A, %sin3A, %sin3A, %sin3A, %sin3A, %sin3A, %sin3A, %sin3A, %sin3A, %sin3A, %sin3A, %sin3A, %sin3A, %sin3A, %sin3A, %sin3A, %sin3A, %sin3A, %sin3A, %sin3A, %sin3A, %sin3A, %sin3A, %sin3A, %sin3A in 1 : vector<256x32xf32>, vector<256x32xf32>, vector<256x32xf32>, vector<256x32xf32>, vector<256x32xf32>, vector<256x32xf32>, vector<256x32xf32>, vector<256x32xf32>, vector<256x32xf32>, vector<256x32xf32>, vector<256x32xf32>, vector<256x32xf32>, vector<256x32xf32>, vector<256x32xf32>, vector<256x32xf32>, vector<256x32xf32>, vector<256x32xf32>, vector<256x32xf32>, vector<256x32xf32>, vector<256x32xf32>, vector<256x32xf32>, vector<256x32xf32>, vector<256x32xf32>, vector<256x32xf32>, vector<256x32xf32>, vector<256x32xf32>, vector<256x32xf32>, vector<256x32xf32>, vector<256x32xf32>, vector<256x32xf32>, vector<256x32xf32>, vector<256x32xf32> -> vector<256x1024xf32>
    %mul3A_90 = arith.mulf %select_n3A_87, %tile3A_89 : vector<256x1024xf32>
    %add3A_91 = arith.addf %mul3A_88, %mul3A_90 : vector<256x1024xf32>
    %get3A_92 = arith.constant 0 : index
    %get3A_93 = arith.constant 0 : index
    %get3A_94 = vector.load %arg7[%get3A_92, %get3A_93] : memref<1x256xf32, #tpu.memory_space<vmem>>, vector<1x256xf32>
    %get3A_95 = arith.constant 0 : index
    %get3A_96 = arith.constant 0 : index
    %get3A_97 = vector.load %arg10[%get3A_95, %get3A_96] : memref<256x4xf32, #tpu.memory_space<vmem>>, vector<256x4xf32>
    %get3A_98 = arith.constant 0 : index
    %get3A_99 = arith.constant 0 : index
    %get3A_100 = vector.load %arg11[%get3A_98, %get3A_99] : memref<4x256xf32, #tpu.memory_space<vmem>>, vector<4x256xf32>
    %mul3A_101 = arith.mulf %dot_general3A_22, %dot_general3A_22 : vector<256x256xf32>
    %dot_general3A_102 = arith.constant dense<0.000000e+00> : vector<256x4xf32>
    %dot_general3A_103 = tpu.matmul %mul3A_101, %get3A_97, %dot_general3A_102 {dimension_numbers = #tpu.dot_dimension_numbers<[1], [0], [0], [1], [0, 0, 1, 1], [], []>, precision = #tpu.contract_precision<fp32>, transpose_lhs_hint = false} : vector<256x256xf32>, vector<256x4xf32>, vector<256x4xf32> -> vector<256x4xf32>
    %add3A_104 = arith.constant 9.99999997E-7 : f32
    %add3A_105 = vector.broadcast %add3A_104 : f32 to vector<256x4xf32>
    %add3A_106 = arith.addf %dot_general3A_103, %add3A_105 : vector<256x4xf32>
    %rsqrt3A_107 = math.rsqrt %add3A_106 : vector<256x4xf32>
    %dot_general3A_108 = arith.constant dense<0.000000e+00> : vector<256x256xf32>
    %dot_general3A_109 = tpu.matmul %rsqrt3A_107, %get3A_100, %dot_general3A_108 {dimension_numbers = #tpu.dot_dimension_numbers<[1], [0], [0], [1], [0, 0, 1, 1], [], []>, precision = #tpu.contract_precision<fp32>, transpose_lhs_hint = false} : vector<256x4xf32>, vector<4x256xf32>, vector<256x256xf32> -> vector<256x256xf32>
    %mul3A_110 = arith.mulf %dot_general3A_22, %dot_general3A_109 : vector<256x256xf32>
    %mul3A_111 = vector.broadcast %get3A_94 : vector<1x256xf32> to vector<256x256xf32>
    %mul3A_112 = arith.mulf %mul3A_110, %mul3A_111 : vector<256x256xf32>
    %slice3A_113 = vector.extract_strided_slice %mul3A_112 {offsets = [0, 32], sizes = [256, 224], strides = [1, 1]} : vector<256x256xf32> to vector<256x224xf32>
    %slice3A_114 = vector.extract_strided_slice %mul3A_112 {offsets = [0, 0], sizes = [256, 32], strides = [1, 1]} : vector<256x256xf32> to vector<256x32xf32>
    %concatenate3A_115 = tpu.concatenate %slice3A_113, %slice3A_114 in 1 : vector<256x224xf32>, vector<256x32xf32> -> vector<256x256xf32>
    %slice3A_116 = vector.extract_strided_slice %mul3A_112 {offsets = [0, 224], sizes = [256, 32], strides = [1, 1]} : vector<256x256xf32> to vector<256x32xf32>
    %slice3A_117 = vector.extract_strided_slice %mul3A_112 {offsets = [0, 0], sizes = [256, 224], strides = [1, 1]} : vector<256x256xf32> to vector<256x224xf32>
    %concatenate3A_118 = tpu.concatenate %slice3A_116, %slice3A_117 in 1 : vector<256x32xf32>, vector<256x224xf32> -> vector<256x256xf32>
    %iota3A_119 = tpu.iota {dimensions = array<i32: 1>} : vector<1x256xi32>
    %jit3A_120 = arith.constant 64 : i32
    %eq3A_121 = arith.constant 0 : i32
    %eq3A_122 = arith.cmpi eq, %jit3A_120, %eq3A_121 : i32
    %jit3A_123 = arith.constant 1 : i32
    %select_n3A_124 = arith.select %eq3A_122, %jit3A_123, %jit3A_120 : i32
    %rem3A_125 = vector.broadcast %select_n3A_124 : i32 to vector<1x256xi32>
    %rem3A_126 = arith.remsi %iota3A_119, %rem3A_125 : vector<1x256xi32>
    %ne3A_127 = arith.constant 0 : i32
    %ne3A_128 = vector.broadcast %ne3A_127 : i32 to vector<1x256xi32>
    %ne3A_129 = arith.cmpi ne, %rem3A_126, %ne3A_128 : vector<1x256xi32>
    %lt3A_130 = arith.constant 0 : i32
    %lt3A_131 = vector.broadcast %lt3A_130 : i32 to vector<1x256xi32>
    %lt3A_132 = arith.cmpi slt, %rem3A_126, %lt3A_131 : vector<1x256xi32>
    %lt3A_133 = arith.constant 0 : i32
    %lt3A_134 = arith.cmpi slt, %select_n3A_124, %lt3A_133 : i32
    %ne3A_135 = vector.broadcast %lt3A_134 : i1 to vector<1x256xi1>
    %ne3A_136 = vector.broadcast %ne3A_135 : vector<1x256xi1> to vector<1x256xi1>
    %ne3A_137 = arith.xori %lt3A_132, %ne3A_136 : vector<1x256xi1>
    %and3A_138 = arith.andi %ne3A_137, %ne3A_129 : vector<1x256xi1>
    %add3A_139 = vector.broadcast %select_n3A_124 : i32 to vector<1x256xi32>
    %add3A_140 = arith.addi %rem3A_126, %add3A_139 : vector<1x256xi32>
    %select_n3A_141 = arith.select %and3A_138, %add3A_140, %rem3A_126 : vector<1x256xi1>, vector<1x256xi32>
    %lt3A_142 = arith.constant 32 : i32
    %lt3A_143 = vector.broadcast %lt3A_142 : i32 to vector<1x256xi32>
    %lt3A_144 = arith.cmpi slt, %select_n3A_141, %lt3A_143 : vector<1x256xi32>
    %neg3A_145 = arith.constant 0.000000e+00 : f32
    %neg3A_146 = vector.broadcast %neg3A_145 : f32 to vector<256x256xf32>
    %neg3A_147 = arith.subf %neg3A_146, %concatenate3A_115 : vector<256x256xf32>
    %broadcast_in_dim3A_148 = vector.shape_cast %lt3A_144 : vector<1x256xi1> to vector<1x256xi1>
    %broadcast_in_dim3A_149 = vector.broadcast %broadcast_in_dim3A_148 : vector<1x256xi1> to vector<256x256xi1>
    %select_n3A_150 = arith.select %broadcast_in_dim3A_149, %neg3A_147, %concatenate3A_118 : vector<256x256xi1>, vector<256x256xf32>
    %tile3A_151 = tpu.concatenate %cos3A, %cos3A, %cos3A, %cos3A, %cos3A, %cos3A, %cos3A, %cos3A in 1 : vector<256x32xf32>, vector<256x32xf32>, vector<256x32xf32>, vector<256x32xf32>, vector<256x32xf32>, vector<256x32xf32>, vector<256x32xf32>, vector<256x32xf32> -> vector<256x256xf32>
    %mul3A_152 = arith.mulf %mul3A_112, %tile3A_151 : vector<256x256xf32>
    %tile3A_153 = tpu.concatenate %sin3A, %sin3A, %sin3A, %sin3A, %sin3A, %sin3A, %sin3A, %sin3A in 1 : vector<256x32xf32>, vector<256x32xf32>, vector<256x32xf32>, vector<256x32xf32>, vector<256x32xf32>, vector<256x32xf32>, vector<256x32xf32>, vector<256x32xf32> -> vector<256x256xf32>
    %mul3A_154 = arith.mulf %select_n3A_150, %tile3A_153 : vector<256x256xf32>
    %add3A_155 = arith.addf %mul3A_152, %mul3A_154 : vector<256x256xf32>
    %mul3A_156 = arith.constant 1.250000e-01 : f32
    %mul3A_157 = vector.broadcast %mul3A_156 : f32 to vector<256x1024xf32>
    %mul3A_158 = arith.mulf %add3A_91, %mul3A_157 : vector<256x1024xf32>
    %convert_element_type3A_159 = arith.truncf %mul3A_158 : vector<256x1024xf32> to vector<256x1024xbf16>
    %convert_element_type3A_160 = arith.truncf %add3A_155 : vector<256x256xf32> to vector<256x256xbf16>
    %convert_element_type3A_161 = arith.truncf %dot_general3A_27 : vector<256x256xf32> to vector<256x256xbf16>
    %broadcast_in_dim3A_162 = arith.constant 1.000000e+00 : bf16
    %broadcast_in_dim3A_163 = vector.broadcast %broadcast_in_dim3A_162 : bf16 to vector<256x1xbf16>
    %broadcast_in_dim3A_164 = arith.constant 0.000000e+00 : bf16
    %broadcast_in_dim3A_165 = vector.broadcast %broadcast_in_dim3A_164 : bf16 to vector<256x63xbf16>
    %slice3A_166 = vector.extract_strided_slice %convert_element_type3A_159 {offsets = [0, 0], sizes = [256, 64], strides = [1, 1]} : vector<256x1024xbf16> to vector<256x64xbf16>
    %swap3A = arith.constant 0 : index
    %swap3A_167 = arith.constant 0 : index
    %swap3A_168 = arith.constant 0 : index
    %swap3A_169 = vector.load %arg13[%swap3A, %swap3A_167, %swap3A_168] : memref<16x256x64xbf16, #tpu.memory_space<vmem>>, vector<1x256x64xbf16>
    %swap3A_170 = vector.shape_cast %swap3A_169 : vector<1x256x64xbf16> to vector<256x64xbf16>
    %swap3A_171 = vector.shape_cast %slice3A_166 : vector<256x64xbf16> to vector<1x256x64xbf16>
    tpu.vector_store %arg13[%swap3A, %swap3A_167, %swap3A_168], %swap3A_171 {strides = array<i32>} : memref<16x256x64xbf16, #tpu.memory_space<vmem>>, vector<1x256x64xbf16>,
    %slice3A_172 = vector.extract_strided_slice %convert_element_type3A_159 {offsets = [0, 64], sizes = [256, 64], strides = [1, 1]} : vector<256x1024xbf16> to vector<256x64xbf16>
    %swap3A_173 = arith.constant 1 : index
    %swap3A_174 = arith.constant 0 : index
    %swap3A_175 = arith.constant 0 : index
    %swap3A_176 = vector.load %arg13[%swap3A_173, %swap3A_174, %swap3A_175] : memref<16x256x64xbf16, #tpu.memory_space<vmem>>, vector<1x256x64xbf16>
    %swap3A_177 = vector.shape_cast %swap3A_176 : vector<1x256x64xbf16> to vector<256x64xbf16>
    %swap3A_178 = vector.shape_cast %slice3A_172 : vector<256x64xbf16> to vector<1x256x64xbf16>
    tpu.vector_store %arg13[%swap3A_173, %swap3A_174, %swap3A_175], %swap3A_178 {strides = array<i32>} : memref<16x256x64xbf16, #tpu.memory_space<vmem>>, vector<1x256x64xbf16>,
    %slice3A_179 = vector.extract_strided_slice %convert_element_type3A_159 {offsets = [0, 128], sizes = [256, 64], strides = [1, 1]} : vector<256x1024xbf16> to vector<256x64xbf16>
    %swap3A_180 = arith.constant 2 : index
    %swap3A_181 = arith.constant 0 : index
    %swap3A_182 = arith.constant 0 : index
    %swap3A_183 = vector.load %arg13[%swap3A_180, %swap3A_181, %swap3A_182] : memref<16x256x64xbf16, #tpu.memory_space<vmem>>, vector<1x256x64xbf16>
    %swap3A_184 = vector.shape_cast %swap3A_183 : vector<1x256x64xbf16> to vector<256x64xbf16>
    %swap3A_185 = vector.shape_cast %slice3A_179 : vector<256x64xbf16> to vector<1x256x64xbf16>
    tpu.vector_store %arg13[%swap3A_180, %swap3A_181, %swap3A_182], %swap3A_185 {strides = array<i32>} : memref<16x256x64xbf16, #tpu.memory_space<vmem>>, vector<1x256x64xbf16>,
    %slice3A_186 = vector.extract_strided_slice %convert_element_type3A_159 {offsets = [0, 192], sizes = [256, 64], strides = [1, 1]} : vector<256x1024xbf16> to vector<256x64xbf16>
    %swap3A_187 = arith.constant 3 : index
    %swap3A_188 = arith.constant 0 : index
    %swap3A_189 = arith.constant 0 : index
    %swap3A_190 = vector.load %arg13[%swap3A_187, %swap3A_188, %swap3A_189] : memref<16x256x64xbf16, #tpu.memory_space<vmem>>, vector<1x256x64xbf16>
    %swap3A_191 = vector.shape_cast %swap3A_190 : vector<1x256x64xbf16> to vector<256x64xbf16>
    %swap3A_192 = vector.shape_cast %slice3A_186 : vector<256x64xbf16> to vector<1x256x64xbf16>
    tpu.vector_store %arg13[%swap3A_187, %swap3A_188, %swap3A_189], %swap3A_192 {strides = array<i32>} : memref<16x256x64xbf16, #tpu.memory_space<vmem>>, vector<1x256x64xbf16>,
    %slice3A_193 = vector.extract_strided_slice %convert_element_type3A_159 {offsets = [0, 256], sizes = [256, 64], strides = [1, 1]} : vector<256x1024xbf16> to vector<256x64xbf16>
    %swap3A_194 = arith.constant 4 : index
    %swap3A_195 = arith.constant 0 : index
    %swap3A_196 = arith.constant 0 : index
    %swap3A_197 = vector.load %arg13[%swap3A_194, %swap3A_195, %swap3A_196] : memref<16x256x64xbf16, #tpu.memory_space<vmem>>, vector<1x256x64xbf16>
    %swap3A_198 = vector.shape_cast %swap3A_197 : vector<1x256x64xbf16> to vector<256x64xbf16>
    %swap3A_199 = vector.shape_cast %slice3A_193 : vector<256x64xbf16> to vector<1x256x64xbf16>
    tpu.vector_store %arg13[%swap3A_194, %swap3A_195, %swap3A_196], %swap3A_199 {strides = array<i32>} : memref<16x256x64xbf16, #tpu.memory_space<vmem>>, vector<1x256x64xbf16>,
    %slice3A_200 = vector.extract_strided_slice %convert_element_type3A_159 {offsets = [0, 320], sizes = [256, 64], strides = [1, 1]} : vector<256x1024xbf16> to vector<256x64xbf16>
    %swap3A_201 = arith.constant 5 : index
    %swap3A_202 = arith.constant 0 : index
    %swap3A_203 = arith.constant 0 : index
    %swap3A_204 = vector.load %arg13[%swap3A_201, %swap3A_202, %swap3A_203] : memref<16x256x64xbf16, #tpu.memory_space<vmem>>, vector<1x256x64xbf16>
    %swap3A_205 = vector.shape_cast %swap3A_204 : vector<1x256x64xbf16> to vector<256x64xbf16>
    %swap3A_206 = vector.shape_cast %slice3A_200 : vector<256x64xbf16> to vector<1x256x64xbf16>
    tpu.vector_store %arg13[%swap3A_201, %swap3A_202, %swap3A_203], %swap3A_206 {strides = array<i32>} : memref<16x256x64xbf16, #tpu.memory_space<vmem>>, vector<1x256x64xbf16>,
    %slice3A_207 = vector.extract_strided_slice %convert_element_type3A_159 {offsets = [0, 384], sizes = [256, 64], strides = [1, 1]} : vector<256x1024xbf16> to vector<256x64xbf16>
    %swap3A_208 = arith.constant 6 : index
    %swap3A_209 = arith.constant 0 : index
    %swap3A_210 = arith.constant 0 : index
    %swap3A_211 = vector.load %arg13[%swap3A_208, %swap3A_209, %swap3A_210] : memref<16x256x64xbf16, #tpu.memory_space<vmem>>, vector<1x256x64xbf16>
    %swap3A_212 = vector.shape_cast %swap3A_211 : vector<1x256x64xbf16> to vector<256x64xbf16>
    %swap3A_213 = vector.shape_cast %slice3A_207 : vector<256x64xbf16> to vector<1x256x64xbf16>
    tpu.vector_store %arg13[%swap3A_208, %swap3A_209, %swap3A_210], %swap3A_213 {strides = array<i32>} : memref<16x256x64xbf16, #tpu.memory_space<vmem>>, vector<1x256x64xbf16>,
    %slice3A_214 = vector.extract_strided_slice %convert_element_type3A_159 {offsets = [0, 448], sizes = [256, 64], strides = [1, 1]} : vector<256x1024xbf16> to vector<256x64xbf16>
    %swap3A_215 = arith.constant 7 : index
    %swap3A_216 = arith.constant 0 : index
    %swap3A_217 = arith.constant 0 : index
    %swap3A_218 = vector.load %arg13[%swap3A_215, %swap3A_216, %swap3A_217] : memref<16x256x64xbf16, #tpu.memory_space<vmem>>, vector<1x256x64xbf16>
    %swap3A_219 = vector.shape_cast %swap3A_218 : vector<1x256x64xbf16> to vector<256x64xbf16>
    %swap3A_220 = vector.shape_cast %slice3A_214 : vector<256x64xbf16> to vector<1x256x64xbf16>
    tpu.vector_store %arg13[%swap3A_215, %swap3A_216, %swap3A_217], %swap3A_220 {strides = array<i32>} : memref<16x256x64xbf16, #tpu.memory_space<vmem>>, vector<1x256x64xbf16>,
    %slice3A_221 = vector.extract_strided_slice %convert_element_type3A_159 {offsets = [0, 512], sizes = [256, 64], strides = [1, 1]} : vector<256x1024xbf16> to vector<256x64xbf16>
    %swap3A_222 = arith.constant 8 : index
    %swap3A_223 = arith.constant 0 : index
    %swap3A_224 = arith.constant 0 : index
    %swap3A_225 = vector.load %arg13[%swap3A_222, %swap3A_223, %swap3A_224] : memref<16x256x64xbf16, #tpu.memory_space<vmem>>, vector<1x256x64xbf16>
    %swap3A_226 = vector.shape_cast %swap3A_225 : vector<1x256x64xbf16> to vector<256x64xbf16>
    %swap3A_227 = vector.shape_cast %slice3A_221 : vector<256x64xbf16> to vector<1x256x64xbf16>
    tpu.vector_store %arg13[%swap3A_222, %swap3A_223, %swap3A_224], %swap3A_227 {strides = array<i32>} : memref<16x256x64xbf16, #tpu.memory_space<vmem>>, vector<1x256x64xbf16>,
    %slice3A_228 = vector.extract_strided_slice %convert_element_type3A_159 {offsets = [0, 576], sizes = [256, 64], strides = [1, 1]} : vector<256x1024xbf16> to vector<256x64xbf16>
    %swap3A_229 = arith.constant 9 : index
    %swap3A_230 = arith.constant 0 : index
    %swap3A_231 = arith.constant 0 : index
    %swap3A_232 = vector.load %arg13[%swap3A_229, %swap3A_230, %swap3A_231] : memref<16x256x64xbf16, #tpu.memory_space<vmem>>, vector<1x256x64xbf16>
    %swap3A_233 = vector.shape_cast %swap3A_232 : vector<1x256x64xbf16> to vector<256x64xbf16>
    %swap3A_234 = vector.shape_cast %slice3A_228 : vector<256x64xbf16> to vector<1x256x64xbf16>
    tpu.vector_store %arg13[%swap3A_229, %swap3A_230, %swap3A_231], %swap3A_234 {strides = array<i32>} : memref<16x256x64xbf16, #tpu.memory_space<vmem>>, vector<1x256x64xbf16>,
    %slice3A_235 = vector.extract_strided_slice %convert_element_type3A_159 {offsets = [0, 640], sizes = [256, 64], strides = [1, 1]} : vector<256x1024xbf16> to vector<256x64xbf16>
    %swap3A_236 = arith.constant 10 : index
    %swap3A_237 = arith.constant 0 : index
    %swap3A_238 = arith.constant 0 : index
    %swap3A_239 = vector.load %arg13[%swap3A_236, %swap3A_237, %swap3A_238] : memref<16x256x64xbf16, #tpu.memory_space<vmem>>, vector<1x256x64xbf16>
    %swap3A_240 = vector.shape_cast %swap3A_239 : vector<1x256x64xbf16> to vector<256x64xbf16>
    %swap3A_241 = vector.shape_cast %slice3A_235 : vector<256x64xbf16> to vector<1x256x64xbf16>
    tpu.vector_store %arg13[%swap3A_236, %swap3A_237, %swap3A_238], %swap3A_241 {strides = array<i32>} : memref<16x256x64xbf16, #tpu.memory_space<vmem>>, vector<1x256x64xbf16>,
    %slice3A_242 = vector.extract_strided_slice %convert_element_type3A_159 {offsets = [0, 704], sizes = [256, 64], strides = [1, 1]} : vector<256x1024xbf16> to vector<256x64xbf16>
    %swap3A_243 = arith.constant 11 : index
    %swap3A_244 = arith.constant 0 : index
    %swap3A_245 = arith.constant 0 : index
    %swap3A_246 = vector.load %arg13[%swap3A_243, %swap3A_244, %swap3A_245] : memref<16x256x64xbf16, #tpu.memory_space<vmem>>, vector<1x256x64xbf16>
    %swap3A_247 = vector.shape_cast %swap3A_246 : vector<1x256x64xbf16> to vector<256x64xbf16>
    %swap3A_248 = vector.shape_cast %slice3A_242 : vector<256x64xbf16> to vector<1x256x64xbf16>
    tpu.vector_store %arg13[%swap3A_243, %swap3A_244, %swap3A_245], %swap3A_248 {strides = array<i32>} : memref<16x256x64xbf16, #tpu.memory_space<vmem>>, vector<1x256x64xbf16>,
    %slice3A_249 = vector.extract_strided_slice %convert_element_type3A_159 {offsets = [0, 768], sizes = [256, 64], strides = [1, 1]} : vector<256x1024xbf16> to vector<256x64xbf16>
    %swap3A_250 = arith.constant 12 : index
    %swap3A_251 = arith.constant 0 : index
    %swap3A_252 = arith.constant 0 : index
    %swap3A_253 = vector.load %arg13[%swap3A_250, %swap3A_251, %swap3A_252] : memref<16x256x64xbf16, #tpu.memory_space<vmem>>, vector<1x256x64xbf16>
    %swap3A_254 = vector.shape_cast %swap3A_253 : vector<1x256x64xbf16> to vector<256x64xbf16>
    %swap3A_255 = vector.shape_cast %slice3A_249 : vector<256x64xbf16> to vector<1x256x64xbf16>
    tpu.vector_store %arg13[%swap3A_250, %swap3A_251, %swap3A_252], %swap3A_255 {strides = array<i32>} : memref<16x256x64xbf16, #tpu.memory_space<vmem>>, vector<1x256x64xbf16>,
    %slice3A_256 = vector.extract_strided_slice %convert_element_type3A_159 {offsets = [0, 832], sizes = [256, 64], strides = [1, 1]} : vector<256x1024xbf16> to vector<256x64xbf16>
    %swap3A_257 = arith.constant 13 : index
    %swap3A_258 = arith.constant 0 : index
    %swap3A_259 = arith.constant 0 : index
    %swap3A_260 = vector.load %arg13[%swap3A_257, %swap3A_258, %swap3A_259] : memref<16x256x64xbf16, #tpu.memory_space<vmem>>, vector<1x256x64xbf16>
    %swap3A_261 = vector.shape_cast %swap3A_260 : vector<1x256x64xbf16> to vector<256x64xbf16>
    %swap3A_262 = vector.shape_cast %slice3A_256 : vector<256x64xbf16> to vector<1x256x64xbf16>
    tpu.vector_store %arg13[%swap3A_257, %swap3A_258, %swap3A_259], %swap3A_262 {strides = array<i32>} : memref<16x256x64xbf16, #tpu.memory_space<vmem>>, vector<1x256x64xbf16>,
    %slice3A_263 = vector.extract_strided_slice %convert_element_type3A_159 {offsets = [0, 896], sizes = [256, 64], strides = [1, 1]} : vector<256x1024xbf16> to vector<256x64xbf16>
    %swap3A_264 = arith.constant 14 : index
    %swap3A_265 = arith.constant 0 : index
    %swap3A_266 = arith.constant 0 : index
    %swap3A_267 = vector.load %arg13[%swap3A_264, %swap3A_265, %swap3A_266] : memref<16x256x64xbf16, #tpu.memory_space<vmem>>, vector<1x256x64xbf16>
    %swap3A_268 = vector.shape_cast %swap3A_267 : vector<1x256x64xbf16> to vector<256x64xbf16>
    %swap3A_269 = vector.shape_cast %slice3A_263 : vector<256x64xbf16> to vector<1x256x64xbf16>
    tpu.vector_store %arg13[%swap3A_264, %swap3A_265, %swap3A_266], %swap3A_269 {strides = array<i32>} : memref<16x256x64xbf16, #tpu.memory_space<vmem>>, vector<1x256x64xbf16>,
    %slice3A_270 = vector.extract_strided_slice %convert_element_type3A_159 {offsets = [0, 960], sizes = [256, 64], strides = [1, 1]} : vector<256x1024xbf16> to vector<256x64xbf16>
    %swap3A_271 = arith.constant 15 : index
    %swap3A_272 = arith.constant 0 : index
    %swap3A_273 = arith.constant 0 : index
    %swap3A_274 = vector.load %arg13[%swap3A_271, %swap3A_272, %swap3A_273] : memref<16x256x64xbf16, #tpu.memory_space<vmem>>, vector<1x256x64xbf16>
    %swap3A_275 = vector.shape_cast %swap3A_274 : vector<1x256x64xbf16> to vector<256x64xbf16>
    %swap3A_276 = vector.shape_cast %slice3A_270 : vector<256x64xbf16> to vector<1x256x64xbf16>
    tpu.vector_store %arg13[%swap3A_271, %swap3A_272, %swap3A_273], %swap3A_276 {strides = array<i32>} : memref<16x256x64xbf16, #tpu.memory_space<vmem>>, vector<1x256x64xbf16>,
    %slice3A_277 = vector.extract_strided_slice %add3A_155 {offsets = [0, 0], sizes = [256, 64], strides = [1, 1]} : vector<256x256xf32> to vector<256x64xf32>
    %swap3A_278 = arith.constant 0 : index
    %swap3A_279 = arith.constant 0 : index
    %swap3A_280 = arith.constant 0 : index
    %swap3A_281 = arith.constant 0 : index
    %swap3A_282 = vector.load %arg14[%swap3A_278, %swap3A_279, %swap3A_280, %swap3A_281] : memref<1x4x256x64xf32, #tpu.memory_space<vmem>>, vector<1x1x256x64xf32>
    %swap3A_283 = vector.shape_cast %swap3A_282 : vector<1x1x256x64xf32> to vector<256x64xf32>
    %swap3A_284 = vector.shape_cast %slice3A_277 : vector<256x64xf32> to vector<1x1x256x64xf32>
    tpu.vector_store %arg14[%swap3A_278, %swap3A_279, %swap3A_280, %swap3A_281], %swap3A_284 {strides = array<i32>} : memref<1x4x256x64xf32, #tpu.memory_space<vmem>>, vector<1x1x256x64xf32>,
    %slice3A_285 = vector.extract_strided_slice %dot_general3A_27 {offsets = [0, 0], sizes = [256, 64], strides = [1, 1]} : vector<256x256xf32> to vector<256x64xf32>
    %swap3A_286 = arith.constant 0 : index
    %swap3A_287 = arith.constant 0 : index
    %swap3A_288 = arith.constant 0 : index
    %swap3A_289 = arith.constant 0 : index
    %swap3A_290 = vector.load %arg15[%swap3A_286, %swap3A_287, %swap3A_288, %swap3A_289] : memref<1x4x256x64xf32, #tpu.memory_space<vmem>>, vector<1x1x256x64xf32>
    %swap3A_291 = vector.shape_cast %swap3A_290 : vector<1x1x256x64xf32> to vector<256x64xf32>
    %swap3A_292 = vector.shape_cast %slice3A_285 : vector<256x64xf32> to vector<1x1x256x64xf32>
    tpu.vector_store %arg15[%swap3A_286, %swap3A_287, %swap3A_288, %swap3A_289], %swap3A_292 {strides = array<i32>} : memref<1x4x256x64xf32, #tpu.memory_space<vmem>>, vector<1x1x256x64xf32>,
    %slice3A_293 = vector.extract_strided_slice %convert_element_type3A_160 {offsets = [0, 0], sizes = [256, 64], strides = [1, 1]} : vector<256x256xbf16> to vector<256x64xbf16>
    %swap3A_294 = arith.constant 0 : index
    %swap3A_295 = arith.constant 0 : index
    %swap3A_296 = arith.constant 0 : index
    %swap3A_297 = vector.load %arg16[%swap3A_294, %swap3A_295, %swap3A_296] : memref<4x256x64xbf16, #tpu.memory_space<vmem>>, vector<1x256x64xbf16>
    %swap3A_298 = vector.shape_cast %swap3A_297 : vector<1x256x64xbf16> to vector<256x64xbf16>
    %swap3A_299 = vector.shape_cast %slice3A_293 : vector<256x64xbf16> to vector<1x256x64xbf16>
    tpu.vector_store %arg16[%swap3A_294, %swap3A_295, %swap3A_296], %swap3A_299 {strides = array<i32>} : memref<4x256x64xbf16, #tpu.memory_space<vmem>>, vector<1x256x64xbf16>,
    %slice3A_300 = vector.extract_strided_slice %convert_element_type3A_161 {offsets = [0, 0], sizes = [256, 64], strides = [1, 1]} : vector<256x256xbf16> to vector<256x64xbf16>
    %concatenate3A_301 = tpu.concatenate %slice3A_300, %broadcast_in_dim3A_163, %broadcast_in_dim3A_165 in 1 : vector<256x64xbf16>, vector<256x1xbf16>, vector<256x63xbf16> -> vector<256x128xbf16>
    %swap3A_302 = arith.constant 0 : index
    %swap3A_303 = arith.constant 0 : index
    %swap3A_304 = arith.constant 0 : index
    %swap3A_305 = vector.load %arg17[%swap3A_302, %swap3A_303, %swap3A_304] : memref<4x256x128xbf16, #tpu.memory_space<vmem>>, vector<1x256x128xbf16>
    %swap3A_306 = vector.shape_cast %swap3A_305 : vector<1x256x128xbf16> to vector<256x128xbf16>
    %swap3A_307 = vector.shape_cast %concatenate3A_301 : vector<256x128xbf16> to vector<1x256x128xbf16>
    tpu.vector_store %arg17[%swap3A_302, %swap3A_303, %swap3A_304], %swap3A_307 {strides = array<i32>} : memref<4x256x128xbf16, #tpu.memory_space<vmem>>, vector<1x256x128xbf16>,
    %slice3A_308 = vector.extract_strided_slice %add3A_155 {offsets = [0, 64], sizes = [256, 64], strides = [1, 1]} : vector<256x256xf32> to vector<256x64xf32>
    %swap3A_309 = arith.constant 0 : index
    %swap3A_310 = arith.constant 1 : index
    %swap3A_311 = arith.constant 0 : index
    %swap3A_312 = arith.constant 0 : index
    %swap3A_313 = vector.load %arg14[%swap3A_309, %swap3A_310, %swap3A_311, %swap3A_312] : memref<1x4x256x64xf32, #tpu.memory_space<vmem>>, vector<1x1x256x64xf32>
    %swap3A_314 = vector.shape_cast %swap3A_313 : vector<1x1x256x64xf32> to vector<256x64xf32>
    %swap3A_315 = vector.shape_cast %slice3A_308 : vector<256x64xf32> to vector<1x1x256x64xf32>
    tpu.vector_store %arg14[%swap3A_309, %swap3A_310, %swap3A_311, %swap3A_312], %swap3A_315 {strides = array<i32>} : memref<1x4x256x64xf32, #tpu.memory_space<vmem>>, vector<1x1x256x64xf32>,
    %slice3A_316 = vector.extract_strided_slice %dot_general3A_27 {offsets = [0, 64], sizes = [256, 64], strides = [1, 1]} : vector<256x256xf32> to vector<256x64xf32>
    %swap3A_317 = arith.constant 0 : index
    %swap3A_318 = arith.constant 1 : index
    %swap3A_319 = arith.constant 0 : index
    %swap3A_320 = arith.constant 0 : index
    %swap3A_321 = vector.load %arg15[%swap3A_317, %swap3A_318, %swap3A_319, %swap3A_320] : memref<1x4x256x64xf32, #tpu.memory_space<vmem>>, vector<1x1x256x64xf32>
    %swap3A_322 = vector.shape_cast %swap3A_321 : vector<1x1x256x64xf32> to vector<256x64xf32>
    %swap3A_323 = vector.shape_cast %slice3A_316 : vector<256x64xf32> to vector<1x1x256x64xf32>
    tpu.vector_store %arg15[%swap3A_317, %swap3A_318, %swap3A_319, %swap3A_320], %swap3A_323 {strides = array<i32>} : memref<1x4x256x64xf32, #tpu.memory_space<vmem>>, vector<1x1x256x64xf32>,
    %slice3A_324 = vector.extract_strided_slice %convert_element_type3A_160 {offsets = [0, 64], sizes = [256, 64], strides = [1, 1]} : vector<256x256xbf16> to vector<256x64xbf16>
    %swap3A_325 = arith.constant 1 : index
    %swap3A_326 = arith.constant 0 : index
    %swap3A_327 = arith.constant 0 : index
    %swap3A_328 = vector.load %arg16[%swap3A_325, %swap3A_326, %swap3A_327] : memref<4x256x64xbf16, #tpu.memory_space<vmem>>, vector<1x256x64xbf16>
    %swap3A_329 = vector.shape_cast %swap3A_328 : vector<1x256x64xbf16> to vector<256x64xbf16>
    %swap3A_330 = vector.shape_cast %slice3A_324 : vector<256x64xbf16> to vector<1x256x64xbf16>
    tpu.vector_store %arg16[%swap3A_325, %swap3A_326, %swap3A_327], %swap3A_330 {strides = array<i32>} : memref<4x256x64xbf16, #tpu.memory_space<vmem>>, vector<1x256x64xbf16>,
    %slice3A_331 = vector.extract_strided_slice %convert_element_type3A_161 {offsets = [0, 64], sizes = [256, 64], strides = [1, 1]} : vector<256x256xbf16> to vector<256x64xbf16>
    %concatenate3A_332 = tpu.concatenate %slice3A_331, %broadcast_in_dim3A_163, %broadcast_in_dim3A_165 in 1 : vector<256x64xbf16>, vector<256x1xbf16>, vector<256x63xbf16> -> vector<256x128xbf16>
    %swap3A_333 = arith.constant 1 : index
    %swap3A_334 = arith.constant 0 : index
    %swap3A_335 = arith.constant 0 : index
    %swap3A_336 = vector.load %arg17[%swap3A_333, %swap3A_334, %swap3A_335] : memref<4x256x128xbf16, #tpu.memory_space<vmem>>, vector<1x256x128xbf16>
    %swap3A_337 = vector.shape_cast %swap3A_336 : vector<1x256x128xbf16> to vector<256x128xbf16>
    %swap3A_338 = vector.shape_cast %concatenate3A_332 : vector<256x128xbf16> to vector<1x256x128xbf16>
    tpu.vector_store %arg17[%swap3A_333, %swap3A_334, %swap3A_335], %swap3A_338 {strides = array<i32>} : memref<4x256x128xbf16, #tpu.memory_space<vmem>>, vector<1x256x128xbf16>,
    %slice3A_339 = vector.extract_strided_slice %add3A_155 {offsets = [0, 128], sizes = [256, 64], strides = [1, 1]} : vector<256x256xf32> to vector<256x64xf32>
    %swap3A_340 = arith.constant 0 : index
    %swap3A_341 = arith.constant 2 : index
    %swap3A_342 = arith.constant 0 : index
    %swap3A_343 = arith.constant 0 : index
    %swap3A_344 = vector.load %arg14[%swap3A_340, %swap3A_341, %swap3A_342, %swap3A_343] : memref<1x4x256x64xf32, #tpu.memory_space<vmem>>, vector<1x1x256x64xf32>
    %swap3A_345 = vector.shape_cast %swap3A_344 : vector<1x1x256x64xf32> to vector<256x64xf32>
    %swap3A_346 = vector.shape_cast %slice3A_339 : vector<256x64xf32> to vector<1x1x256x64xf32>
    tpu.vector_store %arg14[%swap3A_340, %swap3A_341, %swap3A_342, %swap3A_343], %swap3A_346 {strides = array<i32>} : memref<1x4x256x64xf32, #tpu.memory_space<vmem>>, vector<1x1x256x64xf32>,
    %slice3A_347 = vector.extract_strided_slice %dot_general3A_27 {offsets = [0, 128], sizes = [256, 64], strides = [1, 1]} : vector<256x256xf32> to vector<256x64xf32>
    %swap3A_348 = arith.constant 0 : index
    %swap3A_349 = arith.constant 2 : index
    %swap3A_350 = arith.constant 0 : index
    %swap3A_351 = arith.constant 0 : index
    %swap3A_352 = vector.load %arg15[%swap3A_348, %swap3A_349, %swap3A_350, %swap3A_351] : memref<1x4x256x64xf32, #tpu.memory_space<vmem>>, vector<1x1x256x64xf32>
    %swap3A_353 = vector.shape_cast %swap3A_352 : vector<1x1x256x64xf32> to vector<256x64xf32>
    %swap3A_354 = vector.shape_cast %slice3A_347 : vector<256x64xf32> to vector<1x1x256x64xf32>
    tpu.vector_store %arg15[%swap3A_348, %swap3A_349, %swap3A_350, %swap3A_351], %swap3A_354 {strides = array<i32>} : memref<1x4x256x64xf32, #tpu.memory_space<vmem>>, vector<1x1x256x64xf32>,
    %slice3A_355 = vector.extract_strided_slice %convert_element_type3A_160 {offsets = [0, 128], sizes = [256, 64], strides = [1, 1]} : vector<256x256xbf16> to vector<256x64xbf16>
    %swap3A_356 = arith.constant 2 : index
    %swap3A_357 = arith.constant 0 : index
    %swap3A_358 = arith.constant 0 : index
    %swap3A_359 = vector.load %arg16[%swap3A_356, %swap3A_357, %swap3A_358] : memref<4x256x64xbf16, #tpu.memory_space<vmem>>, vector<1x256x64xbf16>
    %swap3A_360 = vector.shape_cast %swap3A_359 : vector<1x256x64xbf16> to vector<256x64xbf16>
    %swap3A_361 = vector.shape_cast %slice3A_355 : vector<256x64xbf16> to vector<1x256x64xbf16>
    tpu.vector_store %arg16[%swap3A_356, %swap3A_357, %swap3A_358], %swap3A_361 {strides = array<i32>} : memref<4x256x64xbf16, #tpu.memory_space<vmem>>, vector<1x256x64xbf16>,
    %slice3A_362 = vector.extract_strided_slice %convert_element_type3A_161 {offsets = [0, 128], sizes = [256, 64], strides = [1, 1]} : vector<256x256xbf16> to vector<256x64xbf16>
    %concatenate3A_363 = tpu.concatenate %slice3A_362, %broadcast_in_dim3A_163, %broadcast_in_dim3A_165 in 1 : vector<256x64xbf16>, vector<256x1xbf16>, vector<256x63xbf16> -> vector<256x128xbf16>
    %swap3A_364 = arith.constant 2 : index
    %swap3A_365 = arith.constant 0 : index
    %swap3A_366 = arith.constant 0 : index
    %swap3A_367 = vector.load %arg17[%swap3A_364, %swap3A_365, %swap3A_366] : memref<4x256x128xbf16, #tpu.memory_space<vmem>>, vector<1x256x128xbf16>
    %swap3A_368 = vector.shape_cast %swap3A_367 : vector<1x256x128xbf16> to vector<256x128xbf16>
    %swap3A_369 = vector.shape_cast %concatenate3A_363 : vector<256x128xbf16> to vector<1x256x128xbf16>
    tpu.vector_store %arg17[%swap3A_364, %swap3A_365, %swap3A_366], %swap3A_369 {strides = array<i32>} : memref<4x256x128xbf16, #tpu.memory_space<vmem>>, vector<1x256x128xbf16>,
    %slice3A_370 = vector.extract_strided_slice %add3A_155 {offsets = [0, 192], sizes = [256, 64], strides = [1, 1]} : vector<256x256xf32> to vector<256x64xf32>
    %swap3A_371 = arith.constant 0 : index
    %swap3A_372 = arith.constant 3 : index
    %swap3A_373 = arith.constant 0 : index
    %swap3A_374 = arith.constant 0 : index
    %swap3A_375 = vector.load %arg14[%swap3A_371, %swap3A_372, %swap3A_373, %swap3A_374] : memref<1x4x256x64xf32, #tpu.memory_space<vmem>>, vector<1x1x256x64xf32>
    %swap3A_376 = vector.shape_cast %swap3A_375 : vector<1x1x256x64xf32> to vector<256x64xf32>
    %swap3A_377 = vector.shape_cast %slice3A_370 : vector<256x64xf32> to vector<1x1x256x64xf32>
    tpu.vector_store %arg14[%swap3A_371, %swap3A_372, %swap3A_373, %swap3A_374], %swap3A_377 {strides = array<i32>} : memref<1x4x256x64xf32, #tpu.memory_space<vmem>>, vector<1x1x256x64xf32>,
    %slice3A_378 = vector.extract_strided_slice %dot_general3A_27 {offsets = [0, 192], sizes = [256, 64], strides = [1, 1]} : vector<256x256xf32> to vector<256x64xf32>
    %swap3A_379 = arith.constant 0 : index
    %swap3A_380 = arith.constant 3 : index
    %swap3A_381 = arith.constant 0 : index
    %swap3A_382 = arith.constant 0 : index
    %swap3A_383 = vector.load %arg15[%swap3A_379, %swap3A_380, %swap3A_381, %swap3A_382] : memref<1x4x256x64xf32, #tpu.memory_space<vmem>>, vector<1x1x256x64xf32>
    %swap3A_384 = vector.shape_cast %swap3A_383 : vector<1x1x256x64xf32> to vector<256x64xf32>
    %swap3A_385 = vector.shape_cast %slice3A_378 : vector<256x64xf32> to vector<1x1x256x64xf32>
    tpu.vector_store %arg15[%swap3A_379, %swap3A_380, %swap3A_381, %swap3A_382], %swap3A_385 {strides = array<i32>} : memref<1x4x256x64xf32, #tpu.memory_space<vmem>>, vector<1x1x256x64xf32>,
    %slice3A_386 = vector.extract_strided_slice %convert_element_type3A_160 {offsets = [0, 192], sizes = [256, 64], strides = [1, 1]} : vector<256x256xbf16> to vector<256x64xbf16>
    %swap3A_387 = arith.constant 3 : index
    %swap3A_388 = arith.constant 0 : index
    %swap3A_389 = arith.constant 0 : index
    %swap3A_390 = vector.load %arg16[%swap3A_387, %swap3A_388, %swap3A_389] : memref<4x256x64xbf16, #tpu.memory_space<vmem>>, vector<1x256x64xbf16>
    %swap3A_391 = vector.shape_cast %swap3A_390 : vector<1x256x64xbf16> to vector<256x64xbf16>
    %swap3A_392 = vector.shape_cast %slice3A_386 : vector<256x64xbf16> to vector<1x256x64xbf16>
    tpu.vector_store %arg16[%swap3A_387, %swap3A_388, %swap3A_389], %swap3A_392 {strides = array<i32>} : memref<4x256x64xbf16, #tpu.memory_space<vmem>>, vector<1x256x64xbf16>,
    %slice3A_393 = vector.extract_strided_slice %convert_element_type3A_161 {offsets = [0, 192], sizes = [256, 64], strides = [1, 1]} : vector<256x256xbf16> to vector<256x64xbf16>
    %concatenate3A_394 = tpu.concatenate %slice3A_393, %broadcast_in_dim3A_163, %broadcast_in_dim3A_165 in 1 : vector<256x64xbf16>, vector<256x1xbf16>, vector<256x63xbf16> -> vector<256x128xbf16>
    %swap3A_395 = arith.constant 3 : index
    %swap3A_396 = arith.constant 0 : index
    %swap3A_397 = arith.constant 0 : index
    %swap3A_398 = vector.load %arg17[%swap3A_395, %swap3A_396, %swap3A_397] : memref<4x256x128xbf16, #tpu.memory_space<vmem>>, vector<1x256x128xbf16>
    %swap3A_399 = vector.shape_cast %swap3A_398 : vector<1x256x128xbf16> to vector<256x128xbf16>
    %swap3A_400 = vector.shape_cast %concatenate3A_394 : vector<256x128xbf16> to vector<1x256x128xbf16>
    tpu.vector_store %arg17[%swap3A_395, %swap3A_396, %swap3A_397], %swap3A_400 {strides = array<i32>} : memref<4x256x128xbf16, #tpu.memory_space<vmem>>, vector<1x256x128xbf16>,
    return
  }
  func.func @transform_0(%arg0: i32) -> (i32, i32) {
    %c0_i32 = arith.constant 0 : i32
    %c0_i32_0 = arith.constant 0 : i32
    return %arg0, %c0_i32 : i32, i32
  }
  func.func @transform_1(%arg0: i32) -> (i32, i32) {
    %c0_i32 = arith.constant 0 : i32
    %c0_i32_0 = arith.constant 0 : i32
    %c0_i32_1 = arith.constant 0 : i32
    return %c0_i32, %c0_i32_0 : i32, i32
  }
  func.func @transform_2(%arg0: i32) -> (i32, i32) {
    %c0_i32 = arith.constant 0 : i32
    %c0_i32_0 = arith.constant 0 : i32
    %c0_i32_1 = arith.constant 0 : i32
    return %c0_i32, %c0_i32_0 : i32, i32
  }
  func.func @transform_3(%arg0: i32) -> (i32, i32) {
    %c0_i32 = arith.constant 0 : i32
    %c0_i32_0 = arith.constant 0 : i32
    %c0_i32_1 = arith.constant 0 : i32
    return %c0_i32, %c0_i32_0 : i32, i32
  }
  func.func @transform_4(%arg0: i32) -> (i32, i32) {
    %c0_i32 = arith.constant 0 : i32
    %c0_i32_0 = arith.constant 0 : i32
    %c0_i32_1 = arith.constant 0 : i32
    return %c0_i32, %c0_i32_0 : i32, i32
  }
  func.func @transform_5(%arg0: i32) -> (i32, i32) {
    %c0_i32 = arith.constant 0 : i32
    %c0_i32_0 = arith.constant 0 : i32
    %c0_i32_1 = arith.constant 0 : i32
    return %c0_i32, %c0_i32_0 : i32, i32
  }
  func.func @transform_6(%arg0: i32) -> (i32, i32) {
    %c0_i32 = arith.constant 0 : i32
    %c0_i32_0 = arith.constant 0 : i32
    %c0_i32_1 = arith.constant 0 : i32
    return %c0_i32, %c0_i32_0 : i32, i32
  }
  func.func @transform_7(%arg0: i32) -> (i32, i32) {
    %c0_i32 = arith.constant 0 : i32
    %c0_i32_0 = arith.constant 0 : i32
    %c0_i32_1 = arith.constant 0 : i32
    return %c0_i32, %c0_i32_0 : i32, i32
  }
  func.func @transform_8(%arg0: i32) -> (i32, i32) {
    %c0_i32 = arith.constant 0 : i32
    %c0_i32_0 = arith.constant 0 : i32
    %c0_i32_1 = arith.constant 0 : i32
    return %c0_i32, %c0_i32_0 : i32, i32
  }
  func.func @transform_9(%arg0: i32) -> (i32, i32) {
    %c0_i32 = arith.constant 0 : i32
    %c0_i32_0 = arith.constant 0 : i32
    %c0_i32_1 = arith.constant 0 : i32
    return %c0_i32, %c0_i32_0 : i32, i32
  }
  func.func @transform_10(%arg0: i32) -> (i32, i32) {
    %c0_i32 = arith.constant 0 : i32
    %c0_i32_0 = arith.constant 0 : i32
    %c0_i32_1 = arith.constant 0 : i32
    return %c0_i32, %c0_i32_0 : i32, i32
  }
  func.func @transform_11(%arg0: i32) -> (i32, i32) {
    %c0_i32 = arith.constant 0 : i32
    %c0_i32_0 = arith.constant 0 : i32
    %c0_i32_1 = arith.constant 0 : i32
    return %c0_i32, %c0_i32_0 : i32, i32
  }
  func.func @transform_12(%arg0: i32) -> (i32, i32, i32) {
    %c0_i32 = arith.constant 0 : i32
    %c0_i32_0 = arith.constant 0 : i32
    %c0_i32_1 = arith.constant 0 : i32
    return %c0_i32, %arg0, %c0_i32_0 : i32, i32, i32
  }
  func.func @transform_13(%arg0: i32) -> (i32, i32, i32, i32) {
    %c0_i32 = arith.constant 0 : i32
    %c0_i32_0 = arith.constant 0 : i32
    %c0_i32_1 = arith.constant 0 : i32
    %c0_i32_2 = arith.constant 0 : i32
    return %c0_i32, %c0_i32_0, %arg0, %c0_i32_1 : i32, i32, i32, i32
  }
  func.func @transform_14(%arg0: i32) -> (i32, i32, i32, i32) {
    %c0_i32 = arith.constant 0 : i32
    %c0_i32_0 = arith.constant 0 : i32
    %c0_i32_1 = arith.constant 0 : i32
    %c0_i32_2 = arith.constant 0 : i32
    return %c0_i32, %c0_i32_0, %arg0, %c0_i32_1 : i32, i32, i32, i32
  }
  func.func @transform_15(%arg0: i32) -> (i32, i32, i32) {
    %c0_i32 = arith.constant 0 : i32
    %c0_i32_0 = arith.constant 0 : i32
    %c0_i32_1 = arith.constant 0 : i32
    return %c0_i32, %arg0, %c0_i32_0 : i32, i32, i32
  }
  func.func @transform_16(%arg0: i32) -> (i32, i32, i32) {
    %c0_i32 = arith.constant 0 : i32
    %c0_i32_0 = arith.constant 0 : i32
    %c0_i32_1 = arith.constant 0 : i32
    return %c0_i32, %arg0, %c0_i32_0 : i32, i32, i32
  }
}

module attributes {stable_mosaic.version = 14 : i64} {
  func.func @_attn_body(%arg0: i32, %arg1: i32, %arg2: memref<1x1024x64xbf16, #tpu.memory_space<vmem>>, %arg3: memref<1x2048x64xbf16, #tpu.memory_space<vmem>>, %arg4: memref<1x2048x128xbf16, #tpu.memory_space<vmem>>, %arg5: memref<1x1024x64xbf16, #tpu.memory_space<vmem>>) attributes {dimension_semantics = [#tpu.dimension_semantics<arbitrary>, #tpu.dimension_semantics<arbitrary>], iteration_bounds = array<i64: 16, 2>, scalar_prefetch = 0 : i64, scratch_operands = 0 : i64, tpu.core_type = #tpu.core_type<tc>, window_params = [{transform_indices = @transform_0, window_bounds = array<i64: 1, 1024, 64>}, {transform_indices = @transform_1, window_bounds = array<i64: 1, 2048, 64>}, {transform_indices = @transform_2, window_bounds = array<i64: 1, 2048, 128>}, {transform_indices = @transform_3, window_bounds = array<i64: 1, 1024, 64>}]} {
    %get3A = arith.constant 0 : index
    %get3A_0 = arith.constant 0 : index
    %get3A_1 = arith.constant 0 : index
    %get3A_2 = vector.load %arg2[%get3A, %get3A_0, %get3A_1] : memref<1x1024x64xbf16, #tpu.memory_space<vmem>>, vector<1x1024x64xbf16>
    %get3A_3 = vector.shape_cast %get3A_2 : vector<1x1024x64xbf16> to vector<1024x64xbf16>
    %get3A_4 = arith.constant 0 : index
    %get3A_5 = arith.constant 0 : index
    %get3A_6 = arith.constant 0 : index
    %get3A_7 = vector.load %arg3[%get3A_4, %get3A_5, %get3A_6] : memref<1x2048x64xbf16, #tpu.memory_space<vmem>>, vector<1x2048x64xbf16>
    %get3A_8 = vector.shape_cast %get3A_7 : vector<1x2048x64xbf16> to vector<2048x64xbf16>
    %dot_general3A = arith.constant dense<0.000000e+00> : vector<1024x2048xf32>
    %dot_general3A_9 = tpu.matmul %get3A_3, %get3A_8, %dot_general3A {dimension_numbers = #tpu.dot_dimension_numbers<[1], [1], [0], [0], [0, 0, 1, 0], [], []>, transpose_lhs_hint = false} : vector<1024x64xbf16>, vector<2048x64xbf16>, vector<1024x2048xf32> -> vector<1024x2048xf32>
    %convert_element_type3A = arith.truncf %dot_general3A_9 : vector<1024x2048xf32> to vector<1024x2048xbf16>
    %exp3A = math.exp %convert_element_type3A : vector<1024x2048xbf16>
    %get3A_10 = arith.constant 0 : index
    %get3A_11 = arith.constant 0 : index
    %get3A_12 = arith.constant 0 : index
    %get3A_13 = vector.load %arg4[%get3A_10, %get3A_11, %get3A_12] : memref<1x2048x128xbf16, #tpu.memory_space<vmem>>, vector<1x2048x128xbf16>
    %get3A_14 = vector.shape_cast %get3A_13 : vector<1x2048x128xbf16> to vector<2048x128xbf16>
    %dot_general3A_15 = arith.constant dense<0.000000e+00> : vector<1024x128xf32>
    %dot_general3A_16 = tpu.matmul %exp3A, %get3A_14, %dot_general3A_15 {dimension_numbers = #tpu.dot_dimension_numbers<[1], [0], [0], [1], [0, 0, 1, 1], [], []>, transpose_lhs_hint = false} : vector<1024x2048xbf16>, vector<2048x128xbf16>, vector<1024x128xf32> -> vector<1024x128xf32>
    %slice3A = vector.extract_strided_slice %dot_general3A_16 {offsets = [0, 0], sizes = [1024, 64], strides = [1, 1]} : vector<1024x128xf32> to vector<1024x64xf32>
    %slice3A_17 = vector.extract_strided_slice %dot_general3A_16 {offsets = [0, 64], sizes = [1024, 1], strides = [1, 1]} : vector<1024x128xf32> to vector<1024x1xf32>
    %div3A = vector.broadcast %slice3A_17 : vector<1024x1xf32> to vector<1024x64xf32>
    %div3A_18 = arith.divf %slice3A, %div3A : vector<1024x64xf32>
    %convert_element_type3A_19 = arith.truncf %div3A_18 : vector<1024x64xf32> to vector<1024x64xbf16>
    %swap3A = arith.constant 0 : index
    %swap3A_20 = arith.constant 0 : index
    %swap3A_21 = arith.constant 0 : index
    %swap3A_22 = vector.load %arg5[%swap3A, %swap3A_20, %swap3A_21] : memref<1x1024x64xbf16, #tpu.memory_space<vmem>>, vector<1x1024x64xbf16>
    %swap3A_23 = vector.shape_cast %swap3A_22 : vector<1x1024x64xbf16> to vector<1024x64xbf16>
    %swap3A_24 = vector.shape_cast %convert_element_type3A_19 : vector<1024x64xbf16> to vector<1x1024x64xbf16>
    tpu.vector_store %arg5[%swap3A, %swap3A_20, %swap3A_21], %swap3A_24 {strides = array<i32>} : memref<1x1024x64xbf16, #tpu.memory_space<vmem>>, vector<1x1024x64xbf16>,
    return
  }
  func.func @transform_0(%arg0: i32, %arg1: i32) -> (i32, i32, i32) {
    %c0_i32 = arith.constant 0 : i32
    %c0_i32_0 = arith.constant 0 : i32
    return %arg0, %arg1, %c0_i32 : i32, i32, i32
  }
  func.func @transform_1(%arg0: i32, %arg1: i32) -> (i32, i32, i32) {
    %jit3A = arith.constant 4 : i32
    %div3A = arith.divsi %arg0, %jit3A : i32
    %sign3A = arith.constant 0 : i32
    %sign3A_0 = arith.cmpi sgt, %arg0, %sign3A : i32
    %sign3A_1 = arith.extui %sign3A_0 : i1 to i32
    %sign3A_2 = arith.constant 0 : i32
    %sign3A_3 = arith.cmpi slt, %arg0, %sign3A_2 : i32
    %sign3A_4 = arith.extui %sign3A_3 : i1 to i32
    %sign3A_5 = arith.subi %sign3A_1, %sign3A_4 : i32
    %sign3A_6 = arith.constant 0 : i32
    %sign3A_7 = arith.cmpi sgt, %jit3A, %sign3A_6 : i32
    %sign3A_8 = arith.extui %sign3A_7 : i1 to i32
    %sign3A_9 = arith.constant 0 : i32
    %sign3A_10 = arith.cmpi slt, %jit3A, %sign3A_9 : i32
    %sign3A_11 = arith.extui %sign3A_10 : i1 to i32
    %sign3A_12 = arith.subi %sign3A_8, %sign3A_11 : i32
    %ne3A = arith.cmpi ne, %sign3A_5, %sign3A_12 : i32
    %rem3A = arith.remsi %arg0, %jit3A : i32
    %ne3A_13 = arith.constant 0 : i32
    %ne3A_14 = arith.cmpi ne, %rem3A, %ne3A_13 : i32
    %and3A = arith.andi %ne3A, %ne3A_14 : i1
    %sub3A = arith.constant 1 : i32
    %sub3A_15 = arith.subi %div3A, %sub3A : i32
    %select_n3A = arith.select %and3A, %sub3A_15, %div3A : i32
    %c0_i32 = arith.constant 0 : i32
    %c0_i32_16 = arith.constant 0 : i32
    %c0_i32_17 = arith.constant 0 : i32
    return %select_n3A, %c0_i32, %c0_i32_16 : i32, i32, i32
  }
  func.func @transform_2(%arg0: i32, %arg1: i32) -> (i32, i32, i32) {
    %jit3A = arith.constant 4 : i32
    %div3A = arith.divsi %arg0, %jit3A : i32
    %sign3A = arith.constant 0 : i32
    %sign3A_0 = arith.cmpi sgt, %arg0, %sign3A : i32
    %sign3A_1 = arith.extui %sign3A_0 : i1 to i32
    %sign3A_2 = arith.constant 0 : i32
    %sign3A_3 = arith.cmpi slt, %arg0, %sign3A_2 : i32
    %sign3A_4 = arith.extui %sign3A_3 : i1 to i32
    %sign3A_5 = arith.subi %sign3A_1, %sign3A_4 : i32
    %sign3A_6 = arith.constant 0 : i32
    %sign3A_7 = arith.cmpi sgt, %jit3A, %sign3A_6 : i32
    %sign3A_8 = arith.extui %sign3A_7 : i1 to i32
    %sign3A_9 = arith.constant 0 : i32
    %sign3A_10 = arith.cmpi slt, %jit3A, %sign3A_9 : i32
    %sign3A_11 = arith.extui %sign3A_10 : i1 to i32
    %sign3A_12 = arith.subi %sign3A_8, %sign3A_11 : i32
    %ne3A = arith.cmpi ne, %sign3A_5, %sign3A_12 : i32
    %rem3A = arith.remsi %arg0, %jit3A : i32
    %ne3A_13 = arith.constant 0 : i32
    %ne3A_14 = arith.cmpi ne, %rem3A, %ne3A_13 : i32
    %and3A = arith.andi %ne3A, %ne3A_14 : i1
    %sub3A = arith.constant 1 : i32
    %sub3A_15 = arith.subi %div3A, %sub3A : i32
    %select_n3A = arith.select %and3A, %sub3A_15, %div3A : i32
    %c0_i32 = arith.constant 0 : i32
    %c0_i32_16 = arith.constant 0 : i32
    %c0_i32_17 = arith.constant 0 : i32
    return %select_n3A, %c0_i32, %c0_i32_16 : i32, i32, i32
  }
  func.func @transform_3(%arg0: i32, %arg1: i32) -> (i32, i32, i32) {
    %c0_i32 = arith.constant 0 : i32
    %c0_i32_0 = arith.constant 0 : i32
    return %arg0, %arg1, %c0_i32 : i32, i32, i32
  }
}

module attributes {stable_mosaic.version = 14 : i64} {
  func.func @_post_body(%arg0: i32, %arg1: memref<16x256x64xbf16, #tpu.memory_space<vmem>>, %arg2: memref<256x1024xf32, #tpu.memory_space<vmem>>, %arg3: memref<16x64x1024xf32, #tpu.memory_space<vmem>>, %arg4: memref<1x1024xf32, #tpu.memory_space<vmem>>, %arg5: memref<64x1024xf32, #tpu.memory_space<vmem>>, %arg6: memref<256x1024xf32, #tpu.memory_space<vmem>>, %arg7: memref<256x1024xf32, #tpu.memory_space<vmem>>, %arg8: memref<256x64xf32, #tpu.memory_space<vmem>>) attributes {dimension_semantics = [#tpu.dimension_semantics<arbitrary>], iteration_bounds = array<i64: 8>, scalar_prefetch = 0 : i64, scratch_operands = 0 : i64, tpu.core_type = #tpu.core_type<tc>, window_params = [{transform_indices = @transform_0, window_bounds = array<i64: 16, 256, 64>}, {transform_indices = @transform_1, window_bounds = array<i64: 256, 1024>}, {pipeline_mode = #tpu.pipeline_mode<synchronous>, transform_indices = @transform_2, window_bounds = array<i64: 16, 64, 1024>}, {pipeline_mode = #tpu.pipeline_mode<synchronous>, transform_indices = @transform_3, window_bounds = array<i64: 1, 1024>}, {pipeline_mode = #tpu.pipeline_mode<synchronous>, transform_indices = @transform_4, window_bounds = array<i64: 64, 1024>}, {transform_indices = @transform_5, window_bounds = array<i64: 256, 1024>}, {transform_indices = @transform_6, window_bounds = array<i64: 256, 1024>}, {transform_indices = @transform_7, window_bounds = array<i64: 256, 64>}]} {
    %get3A = arith.constant 0 : index
    %get3A_0 = arith.constant 0 : index
    %get3A_1 = arith.constant 0 : index
    %get3A_2 = vector.load %arg1[%get3A, %get3A_0, %get3A_1] : memref<16x256x64xbf16, #tpu.memory_space<vmem>>, vector<16x256x64xbf16>
    %get3A_3 = arith.constant 0 : index
    %get3A_4 = arith.constant 0 : index
    %get3A_5 = arith.constant 0 : index
    %get3A_6 = vector.load %arg3[%get3A_3, %get3A_4, %get3A_5] : memref<16x64x1024xf32, #tpu.memory_space<vmem>>, vector<16x64x1024xf32>
    %convert_element_type3A = arith.truncf %get3A_6 : vector<16x64x1024xf32> to vector<16x64x1024xbf16>
    %dot_general3A = arith.constant dense<0.000000e+00> : vector<16x256x1024xf32>
    %dot_general3A_7 = tpu.matmul %get3A_2, %convert_element_type3A, %dot_general3A {dimension_numbers = #tpu.dot_dimension_numbers<[2], [1], [1], [2], [0, 0, 0, 1, 1, 2], [0], [0]>, transpose_lhs_hint = false} : vector<16x256x64xbf16>, vector<16x64x1024xbf16>, vector<16x256x1024xf32> -> vector<16x256x1024xf32>
    %reduce_sum3A = arith.constant dense<0.000000e+00> : vector<256x1024xf32>
    %reduce_sum3A_8 = vector.multi_reduction <add>, %dot_general3A_7, %reduce_sum3A [0] : vector<16x256x1024xf32> to vector<256x1024xf32>
    %get3A_9 = arith.constant 0 : index
    %get3A_10 = arith.constant 0 : index
    %get3A_11 = vector.load %arg2[%get3A_9, %get3A_10] : memref<256x1024xf32, #tpu.memory_space<vmem>>, vector<256x1024xf32>
    %add3A = arith.addf %reduce_sum3A_8, %get3A_11 : vector<256x1024xf32>
    %swap3A = arith.constant 0 : index
    %swap3A_12 = arith.constant 0 : index
    %swap3A_13 = vector.load %arg6[%swap3A, %swap3A_12] : memref<256x1024xf32, #tpu.memory_space<vmem>>, vector<256x1024xf32>
    tpu.vector_store %arg6[%swap3A, %swap3A_12], %add3A {strides = array<i32>} : memref<256x1024xf32, #tpu.memory_space<vmem>>, vector<256x1024xf32>,
    %mul3A = arith.mulf %add3A, %add3A : vector<256x1024xf32>
    %reduce_sum3A_14 = arith.constant dense<0.000000e+00> : vector<256xf32>
    %reduce_sum3A_15 = vector.multi_reduction <add>, %mul3A, %reduce_sum3A_14 [1] : vector<256x1024xf32> to vector<256xf32>
    %broadcast_in_dim3A = vector.shape_cast %reduce_sum3A_15 : vector<256xf32> to vector<256x1xf32>
    %div3A = arith.constant 1.024000e+03 : f32
    %div3A_16 = vector.broadcast %div3A : f32 to vector<256x1xf32>
    %div3A_17 = arith.divf %broadcast_in_dim3A, %div3A_16 : vector<256x1xf32>
    %add3A_18 = arith.constant 9.99999997E-7 : f32
    %add3A_19 = vector.broadcast %add3A_18 : f32 to vector<256x1xf32>
    %add3A_20 = arith.addf %div3A_17, %add3A_19 : vector<256x1xf32>
    %rsqrt3A = math.rsqrt %add3A_20 : vector<256x1xf32>
    %mul3A_21 = vector.broadcast %rsqrt3A : vector<256x1xf32> to vector<256x1024xf32>
    %mul3A_22 = arith.mulf %add3A, %mul3A_21 : vector<256x1024xf32>
    %get3A_23 = arith.constant 0 : index
    %get3A_24 = arith.constant 0 : index
    %get3A_25 = vector.load %arg4[%get3A_23, %get3A_24] : memref<1x1024xf32, #tpu.memory_space<vmem>>, vector<1x1024xf32>
    %mul3A_26 = vector.broadcast %get3A_25 : vector<1x1024xf32> to vector<256x1024xf32>
    %mul3A_27 = arith.mulf %mul3A_22, %mul3A_26 : vector<256x1024xf32>
    %swap3A_28 = arith.constant 0 : index
    %swap3A_29 = arith.constant 0 : index
    %swap3A_30 = vector.load %arg7[%swap3A_28, %swap3A_29] : memref<256x1024xf32, #tpu.memory_space<vmem>>, vector<256x1024xf32>
    tpu.vector_store %arg7[%swap3A_28, %swap3A_29], %mul3A_27 {strides = array<i32>} : memref<256x1024xf32, #tpu.memory_space<vmem>>, vector<256x1024xf32>,
    %get3A_31 = arith.constant 0 : index
    %get3A_32 = arith.constant 0 : index
    %get3A_33 = vector.load %arg5[%get3A_31, %get3A_32] : memref<64x1024xf32, #tpu.memory_space<vmem>>, vector<64x1024xf32>
    %dot_general3A_34 = arith.constant dense<0.000000e+00> : vector<256x64xf32>
    %dot_general3A_35 = tpu.matmul %mul3A_27, %get3A_33, %dot_general3A_34 {dimension_numbers = #tpu.dot_dimension_numbers<[1], [1], [0], [0], [0, 0, 1, 0], [], []>, transpose_lhs_hint = false} : vector<256x1024xf32>, vector<64x1024xf32>, vector<256x64xf32> -> vector<256x64xf32>
    %swap3A_36 = arith.constant 0 : index
    %swap3A_37 = arith.constant 0 : index
    %swap3A_38 = vector.load %arg8[%swap3A_36, %swap3A_37] : memref<256x64xf32, #tpu.memory_space<vmem>>, vector<256x64xf32>
    tpu.vector_store %arg8[%swap3A_36, %swap3A_37], %dot_general3A_35 {strides = array<i32>} : memref<256x64xf32, #tpu.memory_space<vmem>>, vector<256x64xf32>,
    return
  }
  func.func @transform_0(%arg0: i32) -> (i32, i32, i32) {
    %c0_i32 = arith.constant 0 : i32
    %c0_i32_0 = arith.constant 0 : i32
    %c0_i32_1 = arith.constant 0 : i32
    return %c0_i32, %arg0, %c0_i32_0 : i32, i32, i32
  }
  func.func @transform_1(%arg0: i32) -> (i32, i32) {
    %c0_i32 = arith.constant 0 : i32
    %c0_i32_0 = arith.constant 0 : i32
    return %arg0, %c0_i32 : i32, i32
  }
  func.func @transform_2(%arg0: i32) -> (i32, i32, i32) {
    %c0_i32 = arith.constant 0 : i32
    %c0_i32_0 = arith.constant 0 : i32
    %c0_i32_1 = arith.constant 0 : i32
    %c0_i32_2 = arith.constant 0 : i32
    return %c0_i32, %c0_i32_0, %c0_i32_1 : i32, i32, i32
  }
  func.func @transform_3(%arg0: i32) -> (i32, i32) {
    %c0_i32 = arith.constant 0 : i32
    %c0_i32_0 = arith.constant 0 : i32
    %c0_i32_1 = arith.constant 0 : i32
    return %c0_i32, %c0_i32_0 : i32, i32
  }
  func.func @transform_4(%arg0: i32) -> (i32, i32) {
    %c0_i32 = arith.constant 0 : i32
    %c0_i32_0 = arith.constant 0 : i32
    %c0_i32_1 = arith.constant 0 : i32
    return %c0_i32, %c0_i32_0 : i32, i32
  }
  func.func @transform_5(%arg0: i32) -> (i32, i32) {
    %c0_i32 = arith.constant 0 : i32
    %c0_i32_0 = arith.constant 0 : i32
    return %arg0, %c0_i32 : i32, i32
  }
  func.func @transform_6(%arg0: i32) -> (i32, i32) {
    %c0_i32 = arith.constant 0 : i32
    %c0_i32_0 = arith.constant 0 : i32
    return %arg0, %c0_i32 : i32, i32
  }
  func.func @transform_7(%arg0: i32) -> (i32, i32) {
    %c0_i32 = arith.constant 0 : i32
    %c0_i32_0 = arith.constant 0 : i32
    return %arg0, %c0_i32 : i32, i32
  }
}

module attributes {stable_mosaic.version = 14 : i64} {
  func.func @_route_body(%arg0: memref<2048x64xf32, #tpu.memory_space<vmem>>, %arg1: memref<2048x1xi32, #tpu.memory_space<vmem>>, %arg2: memref<2048x1xi32, #tpu.memory_space<vmem>>, %arg3: memref<2048x1xf32, #tpu.memory_space<vmem>>, %arg4: memref<2048x1xf32, #tpu.memory_space<vmem>>, %arg5: memref<96x1xi32, #tpu.memory_space<vmem>>, %arg6: memref<96x1xi32, #tpu.memory_space<vmem>>) attributes {dimension_semantics = [], scalar_prefetch = 0 : i64, scratch_operands = 0 : i64, tpu.core_type = #tpu.core_type<tc>} {
    %get3A = arith.constant 0 : index
    %get3A_0 = arith.constant 0 : index
    %get3A_1 = vector.load %arg0[%get3A, %get3A_0] : memref<2048x64xf32, #tpu.memory_space<vmem>>, vector<2048x64xf32>
    %iota3A = tpu.iota {dimensions = array<i32: 1>} : vector<2048x64xi32>
    %reduce_max3A = arith.constant dense<0xFF800000> : vector<2048xf32>
    %reduce_max3A_2 = vector.multi_reduction <maximumf>, %get3A_1, %reduce_max3A [1] : vector<2048x64xf32> to vector<2048xf32>
    %broadcast_in_dim3A = vector.shape_cast %reduce_max3A_2 : vector<2048xf32> to vector<2048x1xf32>
    %eq3A = vector.broadcast %broadcast_in_dim3A : vector<2048x1xf32> to vector<2048x64xf32>
    %eq3A_3 = arith.cmpf oeq, %get3A_1, %eq3A : vector<2048x64xf32>
    %jit3A = arith.constant 64 : i32
    %broadcast_in_dim3A_4 = vector.broadcast %jit3A : i32 to vector<2048x64xi32>
    %select_n3A = arith.select %eq3A_3, %iota3A, %broadcast_in_dim3A_4 : vector<2048x64xi1>, vector<2048x64xi32>
    %reduce_min3A = arith.constant dense<2147483647> : vector<2048xi32>
    %reduce_min3A_5 = vector.multi_reduction <minsi>, %select_n3A, %reduce_min3A [1] : vector<2048x64xi32> to vector<2048xi32>
    %broadcast_in_dim3A_6 = vector.shape_cast %reduce_min3A_5 : vector<2048xi32> to vector<2048x1xi32>
    %eq3A_7 = vector.broadcast %broadcast_in_dim3A_6 : vector<2048x1xi32> to vector<2048x64xi32>
    %eq3A_8 = arith.cmpi eq, %iota3A, %eq3A_7 : vector<2048x64xi32>
    %convert_element_type3A = arith.extui %eq3A_8 : vector<2048x64xi1> to vector<2048x64xi32>
    %convert_element_type3A_9 = arith.sitofp %convert_element_type3A : vector<2048x64xi32> to vector<2048x64xf32>
    %gt3A = arith.constant 0.000000e+00 : f32
    %gt3A_10 = vector.broadcast %gt3A : f32 to vector<2048x64xf32>
    %gt3A_11 = arith.cmpf ogt, %convert_element_type3A_9, %gt3A_10 : vector<2048x64xf32>
    %jit3A_12 = arith.constant -1.000000e+30 : f32
    %broadcast_in_dim3A_13 = vector.broadcast %jit3A_12 : f32 to vector<2048x64xf32>
    %select_n3A_14 = arith.select %gt3A_11, %broadcast_in_dim3A_13, %get3A_1 : vector<2048x64xi1>, vector<2048x64xf32>
    %reduce_max3A_15 = arith.constant dense<0xFF800000> : vector<2048xf32>
    %reduce_max3A_16 = vector.multi_reduction <maximumf>, %select_n3A_14, %reduce_max3A_15 [1] : vector<2048x64xf32> to vector<2048xf32>
    %broadcast_in_dim3A_17 = vector.shape_cast %reduce_max3A_16 : vector<2048xf32> to vector<2048x1xf32>
    %eq3A_18 = vector.broadcast %broadcast_in_dim3A_17 : vector<2048x1xf32> to vector<2048x64xf32>
    %eq3A_19 = arith.cmpf oeq, %select_n3A_14, %eq3A_18 : vector<2048x64xf32>
    %jit3A_20 = arith.constant 64 : i32
    %broadcast_in_dim3A_21 = vector.broadcast %jit3A_20 : i32 to vector<2048x64xi32>
    %select_n3A_22 = arith.select %eq3A_19, %iota3A, %broadcast_in_dim3A_21 : vector<2048x64xi1>, vector<2048x64xi32>
    %reduce_min3A_23 = arith.constant dense<2147483647> : vector<2048xi32>
    %reduce_min3A_24 = vector.multi_reduction <minsi>, %select_n3A_22, %reduce_min3A_23 [1] : vector<2048x64xi32> to vector<2048xi32>
    %broadcast_in_dim3A_25 = vector.shape_cast %reduce_min3A_24 : vector<2048xi32> to vector<2048x1xi32>
    %eq3A_26 = vector.broadcast %broadcast_in_dim3A_25 : vector<2048x1xi32> to vector<2048x64xi32>
    %eq3A_27 = arith.cmpi eq, %iota3A, %eq3A_26 : vector<2048x64xi32>
    %convert_element_type3A_28 = arith.extui %eq3A_27 : vector<2048x64xi1> to vector<2048x64xi32>
    %convert_element_type3A_29 = arith.sitofp %convert_element_type3A_28 : vector<2048x64xi32> to vector<2048x64xf32>
    %sub3A = arith.subf %broadcast_in_dim3A_17, %broadcast_in_dim3A : vector<2048x1xf32>
    %exp3A = math.exp %sub3A : vector<2048x1xf32>
    %add3A = arith.constant 1.000000e+00 : f32
    %add3A_30 = vector.broadcast %add3A : f32 to vector<2048x1xf32>
    %add3A_31 = arith.addf %add3A_30, %exp3A : vector<2048x1xf32>
    %div3A = arith.constant 1.000000e+00 : f32
    %div3A_32 = vector.broadcast %div3A : f32 to vector<2048x1xf32>
    %div3A_33 = arith.divf %div3A_32, %add3A_31 : vector<2048x1xf32>
    %sub3A_34 = arith.constant 1.000000e+00 : f32
    %sub3A_35 = vector.broadcast %sub3A_34 : f32 to vector<2048x1xf32>
    %sub3A_36 = arith.subf %sub3A_35, %div3A_33 : vector<2048x1xf32>
    %iota3A_37 = tpu.iota {dimensions = array<i32: 0>} : vector<256x256xi32>
    %iota3A_38 = tpu.iota {dimensions = array<i32: 1>} : vector<256x256xi32>
    %gt3A_39 = arith.cmpi sgt, %iota3A_37, %iota3A_38 : vector<256x256xi32>
    %convert_element_type3A_40 = arith.extui %gt3A_39 : vector<256x256xi1> to vector<256x256xi32>
    %convert_element_type3A_41 = arith.sitofp %convert_element_type3A_40 : vector<256x256xi32> to vector<256x256xf32>
    %broadcast_in_dim3A_42 = arith.constant 0.000000e+00 : f32
    %broadcast_in_dim3A_43 = vector.broadcast %broadcast_in_dim3A_42 : f32 to vector<1x64xf32>
    %broadcast_in_dim3A_44 = arith.constant 0.000000e+00 : f32
    %broadcast_in_dim3A_45 = vector.broadcast %broadcast_in_dim3A_44 : f32 to vector<1x64xf32>
    %slice3A = vector.extract_strided_slice %convert_element_type3A_9 {offsets = [0, 0], sizes = [256, 64], strides = [1, 1]} : vector<2048x64xf32> to vector<256x64xf32>
    %slice3A_46 = vector.extract_strided_slice %convert_element_type3A_29 {offsets = [0, 0], sizes = [256, 64], strides = [1, 1]} : vector<2048x64xf32> to vector<256x64xf32>
    %dot_general3A = arith.constant dense<0.000000e+00> : vector<256x64xf32>
    %dot_general3A_47 = tpu.matmul %convert_element_type3A_41, %slice3A, %dot_general3A {dimension_numbers = #tpu.dot_dimension_numbers<[1], [0], [0], [1], [0, 0, 1, 1], [], []>, transpose_lhs_hint = false} : vector<256x256xf32>, vector<256x64xf32>, vector<256x64xf32> -> vector<256x64xf32>
    %add3A_48 = vector.broadcast %broadcast_in_dim3A_43 : vector<1x64xf32> to vector<256x64xf32>
    %add3A_49 = arith.addf %dot_general3A_47, %add3A_48 : vector<256x64xf32>
    %dot_general3A_50 = arith.constant dense<0.000000e+00> : vector<256x64xf32>
    %dot_general3A_51 = tpu.matmul %convert_element_type3A_41, %slice3A_46, %dot_general3A_50 {dimension_numbers = #tpu.dot_dimension_numbers<[1], [0], [0], [1], [0, 0, 1, 1], [], []>, transpose_lhs_hint = false} : vector<256x256xf32>, vector<256x64xf32>, vector<256x64xf32> -> vector<256x64xf32>
    %add3A_52 = vector.broadcast %broadcast_in_dim3A_45 : vector<1x64xf32> to vector<256x64xf32>
    %add3A_53 = arith.addf %dot_general3A_51, %add3A_52 : vector<256x64xf32>
    %mul3A = arith.mulf %slice3A, %add3A_49 : vector<256x64xf32>
    %reduce_sum3A = arith.constant dense<0.000000e+00> : vector<256xf32>
    %reduce_sum3A_54 = vector.multi_reduction <add>, %mul3A, %reduce_sum3A [1] : vector<256x64xf32> to vector<256xf32>
    %broadcast_in_dim3A_55 = vector.shape_cast %reduce_sum3A_54 : vector<256xf32> to vector<256x1xf32>
    %mul3A_56 = arith.mulf %slice3A_46, %add3A_53 : vector<256x64xf32>
    %reduce_sum3A_57 = arith.constant dense<0.000000e+00> : vector<256xf32>
    %reduce_sum3A_58 = vector.multi_reduction <add>, %mul3A_56, %reduce_sum3A_57 [1] : vector<256x64xf32> to vector<256xf32>
    %broadcast_in_dim3A_59 = vector.shape_cast %reduce_sum3A_58 : vector<256xf32> to vector<256x1xf32>
    %reduce_sum3A_60 = arith.constant dense<0.000000e+00> : vector<64xf32>
    %reduce_sum3A_61 = vector.multi_reduction <add>, %slice3A, %reduce_sum3A_60 [0] : vector<256x64xf32> to vector<64xf32>
    %broadcast_in_dim3A_62 = vector.shape_cast %reduce_sum3A_61 : vector<64xf32> to vector<1x64xf32>
    %add3A_63 = arith.addf %broadcast_in_dim3A_43, %broadcast_in_dim3A_62 : vector<1x64xf32>
    %reduce_sum3A_64 = arith.constant dense<0.000000e+00> : vector<64xf32>
    %reduce_sum3A_65 = vector.multi_reduction <add>, %slice3A_46, %reduce_sum3A_64 [0] : vector<256x64xf32> to vector<64xf32>
    %broadcast_in_dim3A_66 = vector.shape_cast %reduce_sum3A_65 : vector<64xf32> to vector<1x64xf32>
    %add3A_67 = arith.addf %broadcast_in_dim3A_45, %broadcast_in_dim3A_66 : vector<1x64xf32>
    %slice3A_68 = vector.extract_strided_slice %convert_element_type3A_9 {offsets = [256, 0], sizes = [256, 64], strides = [1, 1]} : vector<2048x64xf32> to vector<256x64xf32>
    %slice3A_69 = vector.extract_strided_slice %convert_element_type3A_29 {offsets = [256, 0], sizes = [256, 64], strides = [1, 1]} : vector<2048x64xf32> to vector<256x64xf32>
    %dot_general3A_70 = arith.constant dense<0.000000e+00> : vector<256x64xf32>
    %dot_general3A_71 = tpu.matmul %convert_element_type3A_41, %slice3A_68, %dot_general3A_70 {dimension_numbers = #tpu.dot_dimension_numbers<[1], [0], [0], [1], [0, 0, 1, 1], [], []>, transpose_lhs_hint = false} : vector<256x256xf32>, vector<256x64xf32>, vector<256x64xf32> -> vector<256x64xf32>
    %add3A_72 = vector.broadcast %add3A_63 : vector<1x64xf32> to vector<256x64xf32>
    %add3A_73 = arith.addf %dot_general3A_71, %add3A_72 : vector<256x64xf32>
    %dot_general3A_74 = arith.constant dense<0.000000e+00> : vector<256x64xf32>
    %dot_general3A_75 = tpu.matmul %convert_element_type3A_41, %slice3A_69, %dot_general3A_74 {dimension_numbers = #tpu.dot_dimension_numbers<[1], [0], [0], [1], [0, 0, 1, 1], [], []>, transpose_lhs_hint = false} : vector<256x256xf32>, vector<256x64xf32>, vector<256x64xf32> -> vector<256x64xf32>
    %add3A_76 = vector.broadcast %add3A_67 : vector<1x64xf32> to vector<256x64xf32>
    %add3A_77 = arith.addf %dot_general3A_75, %add3A_76 : vector<256x64xf32>
    %mul3A_78 = arith.mulf %slice3A_68, %add3A_73 : vector<256x64xf32>
    %reduce_sum3A_79 = arith.constant dense<0.000000e+00> : vector<256xf32>
    %reduce_sum3A_80 = vector.multi_reduction <add>, %mul3A_78, %reduce_sum3A_79 [1] : vector<256x64xf32> to vector<256xf32>
    %broadcast_in_dim3A_81 = vector.shape_cast %reduce_sum3A_80 : vector<256xf32> to vector<256x1xf32>
    %mul3A_82 = arith.mulf %slice3A_69, %add3A_77 : vector<256x64xf32>
    %reduce_sum3A_83 = arith.constant dense<0.000000e+00> : vector<256xf32>
    %reduce_sum3A_84 = vector.multi_reduction <add>, %mul3A_82, %reduce_sum3A_83 [1] : vector<256x64xf32> to vector<256xf32>
    %broadcast_in_dim3A_85 = vector.shape_cast %reduce_sum3A_84 : vector<256xf32> to vector<256x1xf32>
    %reduce_sum3A_86 = arith.constant dense<0.000000e+00> : vector<64xf32>
    %reduce_sum3A_87 = vector.multi_reduction <add>, %slice3A_68, %reduce_sum3A_86 [0] : vector<256x64xf32> to vector<64xf32>
    %broadcast_in_dim3A_88 = vector.shape_cast %reduce_sum3A_87 : vector<64xf32> to vector<1x64xf32>
    %add3A_89 = arith.addf %add3A_63, %broadcast_in_dim3A_88 : vector<1x64xf32>
    %reduce_sum3A_90 = arith.constant dense<0.000000e+00> : vector<64xf32>
    %reduce_sum3A_91 = vector.multi_reduction <add>, %slice3A_69, %reduce_sum3A_90 [0] : vector<256x64xf32> to vector<64xf32>
    %broadcast_in_dim3A_92 = vector.shape_cast %reduce_sum3A_91 : vector<64xf32> to vector<1x64xf32>
    %add3A_93 = arith.addf %add3A_67, %broadcast_in_dim3A_92 : vector<1x64xf32>
    %slice3A_94 = vector.extract_strided_slice %convert_element_type3A_9 {offsets = [512, 0], sizes = [256, 64], strides = [1, 1]} : vector<2048x64xf32> to vector<256x64xf32>
    %slice3A_95 = vector.extract_strided_slice %convert_element_type3A_29 {offsets = [512, 0], sizes = [256, 64], strides = [1, 1]} : vector<2048x64xf32> to vector<256x64xf32>
    %dot_general3A_96 = arith.constant dense<0.000000e+00> : vector<256x64xf32>
    %dot_general3A_97 = tpu.matmul %convert_element_type3A_41, %slice3A_94, %dot_general3A_96 {dimension_numbers = #tpu.dot_dimension_numbers<[1], [0], [0], [1], [0, 0, 1, 1], [], []>, transpose_lhs_hint = false} : vector<256x256xf32>, vector<256x64xf32>, vector<256x64xf32> -> vector<256x64xf32>
    %add3A_98 = vector.broadcast %add3A_89 : vector<1x64xf32> to vector<256x64xf32>
    %add3A_99 = arith.addf %dot_general3A_97, %add3A_98 : vector<256x64xf32>
    %dot_general3A_100 = arith.constant dense<0.000000e+00> : vector<256x64xf32>
    %dot_general3A_101 = tpu.matmul %convert_element_type3A_41, %slice3A_95, %dot_general3A_100 {dimension_numbers = #tpu.dot_dimension_numbers<[1], [0], [0], [1], [0, 0, 1, 1], [], []>, transpose_lhs_hint = false} : vector<256x256xf32>, vector<256x64xf32>, vector<256x64xf32> -> vector<256x64xf32>
    %add3A_102 = vector.broadcast %add3A_93 : vector<1x64xf32> to vector<256x64xf32>
    %add3A_103 = arith.addf %dot_general3A_101, %add3A_102 : vector<256x64xf32>
    %mul3A_104 = arith.mulf %slice3A_94, %add3A_99 : vector<256x64xf32>
    %reduce_sum3A_105 = arith.constant dense<0.000000e+00> : vector<256xf32>
    %reduce_sum3A_106 = vector.multi_reduction <add>, %mul3A_104, %reduce_sum3A_105 [1] : vector<256x64xf32> to vector<256xf32>
    %broadcast_in_dim3A_107 = vector.shape_cast %reduce_sum3A_106 : vector<256xf32> to vector<256x1xf32>
    %mul3A_108 = arith.mulf %slice3A_95, %add3A_103 : vector<256x64xf32>
    %reduce_sum3A_109 = arith.constant dense<0.000000e+00> : vector<256xf32>
    %reduce_sum3A_110 = vector.multi_reduction <add>, %mul3A_108, %reduce_sum3A_109 [1] : vector<256x64xf32> to vector<256xf32>
    %broadcast_in_dim3A_111 = vector.shape_cast %reduce_sum3A_110 : vector<256xf32> to vector<256x1xf32>
    %reduce_sum3A_112 = arith.constant dense<0.000000e+00> : vector<64xf32>
    %reduce_sum3A_113 = vector.multi_reduction <add>, %slice3A_94, %reduce_sum3A_112 [0] : vector<256x64xf32> to vector<64xf32>
    %broadcast_in_dim3A_114 = vector.shape_cast %reduce_sum3A_113 : vector<64xf32> to vector<1x64xf32>
    %add3A_115 = arith.addf %add3A_89, %broadcast_in_dim3A_114 : vector<1x64xf32>
    %reduce_sum3A_116 = arith.constant dense<0.000000e+00> : vector<64xf32>
    %reduce_sum3A_117 = vector.multi_reduction <add>, %slice3A_95, %reduce_sum3A_116 [0] : vector<256x64xf32> to vector<64xf32>
    %broadcast_in_dim3A_118 = vector.shape_cast %reduce_sum3A_117 : vector<64xf32> to vector<1x64xf32>
    %add3A_119 = arith.addf %add3A_93, %broadcast_in_dim3A_118 : vector<1x64xf32>
    %slice3A_120 = vector.extract_strided_slice %convert_element_type3A_9 {offsets = [768, 0], sizes = [256, 64], strides = [1, 1]} : vector<2048x64xf32> to vector<256x64xf32>
    %slice3A_121 = vector.extract_strided_slice %convert_element_type3A_29 {offsets = [768, 0], sizes = [256, 64], strides = [1, 1]} : vector<2048x64xf32> to vector<256x64xf32>
    %dot_general3A_122 = arith.constant dense<0.000000e+00> : vector<256x64xf32>
    %dot_general3A_123 = tpu.matmul %convert_element_type3A_41, %slice3A_120, %dot_general3A_122 {dimension_numbers = #tpu.dot_dimension_numbers<[1], [0], [0], [1], [0, 0, 1, 1], [], []>, transpose_lhs_hint = false} : vector<256x256xf32>, vector<256x64xf32>, vector<256x64xf32> -> vector<256x64xf32>
    %add3A_124 = vector.broadcast %add3A_115 : vector<1x64xf32> to vector<256x64xf32>
    %add3A_125 = arith.addf %dot_general3A_123, %add3A_124 : vector<256x64xf32>
    %dot_general3A_126 = arith.constant dense<0.000000e+00> : vector<256x64xf32>
    %dot_general3A_127 = tpu.matmul %convert_element_type3A_41, %slice3A_121, %dot_general3A_126 {dimension_numbers = #tpu.dot_dimension_numbers<[1], [0], [0], [1], [0, 0, 1, 1], [], []>, transpose_lhs_hint = false} : vector<256x256xf32>, vector<256x64xf32>, vector<256x64xf32> -> vector<256x64xf32>
    %add3A_128 = vector.broadcast %add3A_119 : vector<1x64xf32> to vector<256x64xf32>
    %add3A_129 = arith.addf %dot_general3A_127, %add3A_128 : vector<256x64xf32>
    %mul3A_130 = arith.mulf %slice3A_120, %add3A_125 : vector<256x64xf32>
    %reduce_sum3A_131 = arith.constant dense<0.000000e+00> : vector<256xf32>
    %reduce_sum3A_132 = vector.multi_reduction <add>, %mul3A_130, %reduce_sum3A_131 [1] : vector<256x64xf32> to vector<256xf32>
    %broadcast_in_dim3A_133 = vector.shape_cast %reduce_sum3A_132 : vector<256xf32> to vector<256x1xf32>
    %mul3A_134 = arith.mulf %slice3A_121, %add3A_129 : vector<256x64xf32>
    %reduce_sum3A_135 = arith.constant dense<0.000000e+00> : vector<256xf32>
    %reduce_sum3A_136 = vector.multi_reduction <add>, %mul3A_134, %reduce_sum3A_135 [1] : vector<256x64xf32> to vector<256xf32>
    %broadcast_in_dim3A_137 = vector.shape_cast %reduce_sum3A_136 : vector<256xf32> to vector<256x1xf32>
    %reduce_sum3A_138 = arith.constant dense<0.000000e+00> : vector<64xf32>
    %reduce_sum3A_139 = vector.multi_reduction <add>, %slice3A_120, %reduce_sum3A_138 [0] : vector<256x64xf32> to vector<64xf32>
    %broadcast_in_dim3A_140 = vector.shape_cast %reduce_sum3A_139 : vector<64xf32> to vector<1x64xf32>
    %add3A_141 = arith.addf %add3A_115, %broadcast_in_dim3A_140 : vector<1x64xf32>
    %reduce_sum3A_142 = arith.constant dense<0.000000e+00> : vector<64xf32>
    %reduce_sum3A_143 = vector.multi_reduction <add>, %slice3A_121, %reduce_sum3A_142 [0] : vector<256x64xf32> to vector<64xf32>
    %broadcast_in_dim3A_144 = vector.shape_cast %reduce_sum3A_143 : vector<64xf32> to vector<1x64xf32>
    %add3A_145 = arith.addf %add3A_119, %broadcast_in_dim3A_144 : vector<1x64xf32>
    %slice3A_146 = vector.extract_strided_slice %convert_element_type3A_9 {offsets = [1024, 0], sizes = [256, 64], strides = [1, 1]} : vector<2048x64xf32> to vector<256x64xf32>
    %slice3A_147 = vector.extract_strided_slice %convert_element_type3A_29 {offsets = [1024, 0], sizes = [256, 64], strides = [1, 1]} : vector<2048x64xf32> to vector<256x64xf32>
    %dot_general3A_148 = arith.constant dense<0.000000e+00> : vector<256x64xf32>
    %dot_general3A_149 = tpu.matmul %convert_element_type3A_41, %slice3A_146, %dot_general3A_148 {dimension_numbers = #tpu.dot_dimension_numbers<[1], [0], [0], [1], [0, 0, 1, 1], [], []>, transpose_lhs_hint = false} : vector<256x256xf32>, vector<256x64xf32>, vector<256x64xf32> -> vector<256x64xf32>
    %add3A_150 = vector.broadcast %add3A_141 : vector<1x64xf32> to vector<256x64xf32>
    %add3A_151 = arith.addf %dot_general3A_149, %add3A_150 : vector<256x64xf32>
    %dot_general3A_152 = arith.constant dense<0.000000e+00> : vector<256x64xf32>
    %dot_general3A_153 = tpu.matmul %convert_element_type3A_41, %slice3A_147, %dot_general3A_152 {dimension_numbers = #tpu.dot_dimension_numbers<[1], [0], [0], [1], [0, 0, 1, 1], [], []>, transpose_lhs_hint = false} : vector<256x256xf32>, vector<256x64xf32>, vector<256x64xf32> -> vector<256x64xf32>
    %add3A_154 = vector.broadcast %add3A_145 : vector<1x64xf32> to vector<256x64xf32>
    %add3A_155 = arith.addf %dot_general3A_153, %add3A_154 : vector<256x64xf32>
    %mul3A_156 = arith.mulf %slice3A_146, %add3A_151 : vector<256x64xf32>
    %reduce_sum3A_157 = arith.constant dense<0.000000e+00> : vector<256xf32>
    %reduce_sum3A_158 = vector.multi_reduction <add>, %mul3A_156, %reduce_sum3A_157 [1] : vector<256x64xf32> to vector<256xf32>
    %broadcast_in_dim3A_159 = vector.shape_cast %reduce_sum3A_158 : vector<256xf32> to vector<256x1xf32>
    %mul3A_160 = arith.mulf %slice3A_147, %add3A_155 : vector<256x64xf32>
    %reduce_sum3A_161 = arith.constant dense<0.000000e+00> : vector<256xf32>
    %reduce_sum3A_162 = vector.multi_reduction <add>, %mul3A_160, %reduce_sum3A_161 [1] : vector<256x64xf32> to vector<256xf32>
    %broadcast_in_dim3A_163 = vector.shape_cast %reduce_sum3A_162 : vector<256xf32> to vector<256x1xf32>
    %reduce_sum3A_164 = arith.constant dense<0.000000e+00> : vector<64xf32>
    %reduce_sum3A_165 = vector.multi_reduction <add>, %slice3A_146, %reduce_sum3A_164 [0] : vector<256x64xf32> to vector<64xf32>
    %broadcast_in_dim3A_166 = vector.shape_cast %reduce_sum3A_165 : vector<64xf32> to vector<1x64xf32>
    %add3A_167 = arith.addf %add3A_141, %broadcast_in_dim3A_166 : vector<1x64xf32>
    %reduce_sum3A_168 = arith.constant dense<0.000000e+00> : vector<64xf32>
    %reduce_sum3A_169 = vector.multi_reduction <add>, %slice3A_147, %reduce_sum3A_168 [0] : vector<256x64xf32> to vector<64xf32>
    %broadcast_in_dim3A_170 = vector.shape_cast %reduce_sum3A_169 : vector<64xf32> to vector<1x64xf32>
    %add3A_171 = arith.addf %add3A_145, %broadcast_in_dim3A_170 : vector<1x64xf32>
    %slice3A_172 = vector.extract_strided_slice %convert_element_type3A_9 {offsets = [1280, 0], sizes = [256, 64], strides = [1, 1]} : vector<2048x64xf32> to vector<256x64xf32>
    %slice3A_173 = vector.extract_strided_slice %convert_element_type3A_29 {offsets = [1280, 0], sizes = [256, 64], strides = [1, 1]} : vector<2048x64xf32> to vector<256x64xf32>
    %dot_general3A_174 = arith.constant dense<0.000000e+00> : vector<256x64xf32>
    %dot_general3A_175 = tpu.matmul %convert_element_type3A_41, %slice3A_172, %dot_general3A_174 {dimension_numbers = #tpu.dot_dimension_numbers<[1], [0], [0], [1], [0, 0, 1, 1], [], []>, transpose_lhs_hint = false} : vector<256x256xf32>, vector<256x64xf32>, vector<256x64xf32> -> vector<256x64xf32>
    %add3A_176 = vector.broadcast %add3A_167 : vector<1x64xf32> to vector<256x64xf32>
    %add3A_177 = arith.addf %dot_general3A_175, %add3A_176 : vector<256x64xf32>
    %dot_general3A_178 = arith.constant dense<0.000000e+00> : vector<256x64xf32>
    %dot_general3A_179 = tpu.matmul %convert_element_type3A_41, %slice3A_173, %dot_general3A_178 {dimension_numbers = #tpu.dot_dimension_numbers<[1], [0], [0], [1], [0, 0, 1, 1], [], []>, transpose_lhs_hint = false} : vector<256x256xf32>, vector<256x64xf32>, vector<256x64xf32> -> vector<256x64xf32>
    %add3A_180 = vector.broadcast %add3A_171 : vector<1x64xf32> to vector<256x64xf32>
    %add3A_181 = arith.addf %dot_general3A_179, %add3A_180 : vector<256x64xf32>
    %mul3A_182 = arith.mulf %slice3A_172, %add3A_177 : vector<256x64xf32>
    %reduce_sum3A_183 = arith.constant dense<0.000000e+00> : vector<256xf32>
    %reduce_sum3A_184 = vector.multi_reduction <add>, %mul3A_182, %reduce_sum3A_183 [1] : vector<256x64xf32> to vector<256xf32>
    %broadcast_in_dim3A_185 = vector.shape_cast %reduce_sum3A_184 : vector<256xf32> to vector<256x1xf32>
    %mul3A_186 = arith.mulf %slice3A_173, %add3A_181 : vector<256x64xf32>
    %reduce_sum3A_187 = arith.constant dense<0.000000e+00> : vector<256xf32>
    %reduce_sum3A_188 = vector.multi_reduction <add>, %mul3A_186, %reduce_sum3A_187 [1] : vector<256x64xf32> to vector<256xf32>
    %broadcast_in_dim3A_189 = vector.shape_cast %reduce_sum3A_188 : vector<256xf32> to vector<256x1xf32>
    %reduce_sum3A_190 = arith.constant dense<0.000000e+00> : vector<64xf32>
    %reduce_sum3A_191 = vector.multi_reduction <add>, %slice3A_172, %reduce_sum3A_190 [0] : vector<256x64xf32> to vector<64xf32>
    %broadcast_in_dim3A_192 = vector.shape_cast %reduce_sum3A_191 : vector<64xf32> to vector<1x64xf32>
    %add3A_193 = arith.addf %add3A_167, %broadcast_in_dim3A_192 : vector<1x64xf32>
    %reduce_sum3A_194 = arith.constant dense<0.000000e+00> : vector<64xf32>
    %reduce_sum3A_195 = vector.multi_reduction <add>, %slice3A_173, %reduce_sum3A_194 [0] : vector<256x64xf32> to vector<64xf32>
    %broadcast_in_dim3A_196 = vector.shape_cast %reduce_sum3A_195 : vector<64xf32> to vector<1x64xf32>
    %add3A_197 = arith.addf %add3A_171, %broadcast_in_dim3A_196 : vector<1x64xf32>
    %slice3A_198 = vector.extract_strided_slice %convert_element_type3A_9 {offsets = [1536, 0], sizes = [256, 64], strides = [1, 1]} : vector<2048x64xf32> to vector<256x64xf32>
    %slice3A_199 = vector.extract_strided_slice %convert_element_type3A_29 {offsets = [1536, 0], sizes = [256, 64], strides = [1, 1]} : vector<2048x64xf32> to vector<256x64xf32>
    %dot_general3A_200 = arith.constant dense<0.000000e+00> : vector<256x64xf32>
    %dot_general3A_201 = tpu.matmul %convert_element_type3A_41, %slice3A_198, %dot_general3A_200 {dimension_numbers = #tpu.dot_dimension_numbers<[1], [0], [0], [1], [0, 0, 1, 1], [], []>, transpose_lhs_hint = false} : vector<256x256xf32>, vector<256x64xf32>, vector<256x64xf32> -> vector<256x64xf32>
    %add3A_202 = vector.broadcast %add3A_193 : vector<1x64xf32> to vector<256x64xf32>
    %add3A_203 = arith.addf %dot_general3A_201, %add3A_202 : vector<256x64xf32>
    %dot_general3A_204 = arith.constant dense<0.000000e+00> : vector<256x64xf32>
    %dot_general3A_205 = tpu.matmul %convert_element_type3A_41, %slice3A_199, %dot_general3A_204 {dimension_numbers = #tpu.dot_dimension_numbers<[1], [0], [0], [1], [0, 0, 1, 1], [], []>, transpose_lhs_hint = false} : vector<256x256xf32>, vector<256x64xf32>, vector<256x64xf32> -> vector<256x64xf32>
    %add3A_206 = vector.broadcast %add3A_197 : vector<1x64xf32> to vector<256x64xf32>
    %add3A_207 = arith.addf %dot_general3A_205, %add3A_206 : vector<256x64xf32>
    %mul3A_208 = arith.mulf %slice3A_198, %add3A_203 : vector<256x64xf32>
    %reduce_sum3A_209 = arith.constant dense<0.000000e+00> : vector<256xf32>
    %reduce_sum3A_210 = vector.multi_reduction <add>, %mul3A_208, %reduce_sum3A_209 [1] : vector<256x64xf32> to vector<256xf32>
    %broadcast_in_dim3A_211 = vector.shape_cast %reduce_sum3A_210 : vector<256xf32> to vector<256x1xf32>
    %mul3A_212 = arith.mulf %slice3A_199, %add3A_207 : vector<256x64xf32>
    %reduce_sum3A_213 = arith.constant dense<0.000000e+00> : vector<256xf32>
    %reduce_sum3A_214 = vector.multi_reduction <add>, %mul3A_212, %reduce_sum3A_213 [1] : vector<256x64xf32> to vector<256xf32>
    %broadcast_in_dim3A_215 = vector.shape_cast %reduce_sum3A_214 : vector<256xf32> to vector<256x1xf32>
    %reduce_sum3A_216 = arith.constant dense<0.000000e+00> : vector<64xf32>
    %reduce_sum3A_217 = vector.multi_reduction <add>, %slice3A_198, %reduce_sum3A_216 [0] : vector<256x64xf32> to vector<64xf32>
    %broadcast_in_dim3A_218 = vector.shape_cast %reduce_sum3A_217 : vector<64xf32> to vector<1x64xf32>
    %add3A_219 = arith.addf %add3A_193, %broadcast_in_dim3A_218 : vector<1x64xf32>
    %reduce_sum3A_220 = arith.constant dense<0.000000e+00> : vector<64xf32>
    %reduce_sum3A_221 = vector.multi_reduction <add>, %slice3A_199, %reduce_sum3A_220 [0] : vector<256x64xf32> to vector<64xf32>
    %broadcast_in_dim3A_222 = vector.shape_cast %reduce_sum3A_221 : vector<64xf32> to vector<1x64xf32>
    %add3A_223 = arith.addf %add3A_197, %broadcast_in_dim3A_222 : vector<1x64xf32>
    %slice3A_224 = vector.extract_strided_slice %convert_element_type3A_9 {offsets = [1792, 0], sizes = [256, 64], strides = [1, 1]} : vector<2048x64xf32> to vector<256x64xf32>
    %slice3A_225 = vector.extract_strided_slice %convert_element_type3A_29 {offsets = [1792, 0], sizes = [256, 64], strides = [1, 1]} : vector<2048x64xf32> to vector<256x64xf32>
    %dot_general3A_226 = arith.constant dense<0.000000e+00> : vector<256x64xf32>
    %dot_general3A_227 = tpu.matmul %convert_element_type3A_41, %slice3A_224, %dot_general3A_226 {dimension_numbers = #tpu.dot_dimension_numbers<[1], [0], [0], [1], [0, 0, 1, 1], [], []>, transpose_lhs_hint = false} : vector<256x256xf32>, vector<256x64xf32>, vector<256x64xf32> -> vector<256x64xf32>
    %add3A_228 = vector.broadcast %add3A_219 : vector<1x64xf32> to vector<256x64xf32>
    %add3A_229 = arith.addf %dot_general3A_227, %add3A_228 : vector<256x64xf32>
    %dot_general3A_230 = arith.constant dense<0.000000e+00> : vector<256x64xf32>
    %dot_general3A_231 = tpu.matmul %convert_element_type3A_41, %slice3A_225, %dot_general3A_230 {dimension_numbers = #tpu.dot_dimension_numbers<[1], [0], [0], [1], [0, 0, 1, 1], [], []>, transpose_lhs_hint = false} : vector<256x256xf32>, vector<256x64xf32>, vector<256x64xf32> -> vector<256x64xf32>
    %add3A_232 = vector.broadcast %add3A_223 : vector<1x64xf32> to vector<256x64xf32>
    %add3A_233 = arith.addf %dot_general3A_231, %add3A_232 : vector<256x64xf32>
    %mul3A_234 = arith.mulf %slice3A_224, %add3A_229 : vector<256x64xf32>
    %reduce_sum3A_235 = arith.constant dense<0.000000e+00> : vector<256xf32>
    %reduce_sum3A_236 = vector.multi_reduction <add>, %mul3A_234, %reduce_sum3A_235 [1] : vector<256x64xf32> to vector<256xf32>
    %broadcast_in_dim3A_237 = vector.shape_cast %reduce_sum3A_236 : vector<256xf32> to vector<256x1xf32>
    %mul3A_238 = arith.mulf %slice3A_225, %add3A_233 : vector<256x64xf32>
    %reduce_sum3A_239 = arith.constant dense<0.000000e+00> : vector<256xf32>
    %reduce_sum3A_240 = vector.multi_reduction <add>, %mul3A_238, %reduce_sum3A_239 [1] : vector<256x64xf32> to vector<256xf32>
    %broadcast_in_dim3A_241 = vector.shape_cast %reduce_sum3A_240 : vector<256xf32> to vector<256x1xf32>
    %reduce_sum3A_242 = arith.constant dense<0.000000e+00> : vector<64xf32>
    %reduce_sum3A_243 = vector.multi_reduction <add>, %slice3A_224, %reduce_sum3A_242 [0] : vector<256x64xf32> to vector<64xf32>
    %broadcast_in_dim3A_244 = vector.shape_cast %reduce_sum3A_243 : vector<64xf32> to vector<1x64xf32>
    %add3A_245 = arith.addf %add3A_219, %broadcast_in_dim3A_244 : vector<1x64xf32>
    %reduce_sum3A_246 = arith.constant dense<0.000000e+00> : vector<64xf32>
    %reduce_sum3A_247 = vector.multi_reduction <add>, %slice3A_225, %reduce_sum3A_246 [0] : vector<256x64xf32> to vector<64xf32>
    %broadcast_in_dim3A_248 = vector.shape_cast %reduce_sum3A_247 : vector<64xf32> to vector<1x64xf32>
    %add3A_249 = arith.addf %add3A_223, %broadcast_in_dim3A_248 : vector<1x64xf32>
    %concatenate3A = tpu.concatenate %broadcast_in_dim3A_55, %broadcast_in_dim3A_81, %broadcast_in_dim3A_107, %broadcast_in_dim3A_133, %broadcast_in_dim3A_159, %broadcast_in_dim3A_185, %broadcast_in_dim3A_211, %broadcast_in_dim3A_237 in 0 : vector<256x1xf32>, vector<256x1xf32>, vector<256x1xf32>, vector<256x1xf32>, vector<256x1xf32>, vector<256x1xf32>, vector<256x1xf32>, vector<256x1xf32> -> vector<2048x1xf32>
    %concatenate3A_250 = tpu.concatenate %broadcast_in_dim3A_59, %broadcast_in_dim3A_85, %broadcast_in_dim3A_111, %broadcast_in_dim3A_137, %broadcast_in_dim3A_163, %broadcast_in_dim3A_189, %broadcast_in_dim3A_215, %broadcast_in_dim3A_241 in 0 : vector<256x1xf32>, vector<256x1xf32>, vector<256x1xf32>, vector<256x1xf32>, vector<256x1xf32>, vector<256x1xf32>, vector<256x1xf32>, vector<256x1xf32> -> vector<2048x1xf32>
    %add3A_251 = arith.addf %add3A_245, %add3A_249 : vector<1x64xf32>
    %add3A_252 = arith.constant 1.270000e+02 : f32
    %add3A_253 = vector.broadcast %add3A_252 : f32 to vector<1x64xf32>
    %add3A_254 = arith.addf %add3A_251, %add3A_253 : vector<1x64xf32>
    %mul3A_255 = arith.constant 7.812500e-03 : f32
    %mul3A_256 = vector.broadcast %mul3A_255 : f32 to vector<1x64xf32>
    %mul3A_257 = arith.mulf %add3A_254, %mul3A_256 : vector<1x64xf32>
    %floor3A = math.floor %mul3A_257 : vector<1x64xf32>
    %iota3A_258 = tpu.iota {dimensions = array<i32: 0>} : vector<64x64xi32>
    %iota3A_259 = tpu.iota {dimensions = array<i32: 1>} : vector<64x64xi32>
    %lt3A = arith.cmpi slt, %iota3A_258, %iota3A_259 : vector<64x64xi32>
    %convert_element_type3A_260 = arith.extui %lt3A : vector<64x64xi1> to vector<64x64xi32>
    %convert_element_type3A_261 = arith.sitofp %convert_element_type3A_260 : vector<64x64xi32> to vector<64x64xf32>
    %dot_general3A_262 = arith.constant dense<0.000000e+00> : vector<1x64xf32>
    %dot_general3A_263 = tpu.matmul %floor3A, %convert_element_type3A_261, %dot_general3A_262 {dimension_numbers = #tpu.dot_dimension_numbers<[1], [0], [0], [1], [0, 0, 1, 1], [], []>, precision = #tpu.contract_precision<fp32>, transpose_lhs_hint = false} : vector<1x64xf32>, vector<64x64xf32>, vector<1x64xf32> -> vector<1x64xf32>
    %mul3A_264 = arith.constant 1.280000e+02 : f32
    %mul3A_265 = vector.broadcast %mul3A_264 : f32 to vector<1x64xf32>
    %mul3A_266 = arith.mulf %dot_general3A_263, %mul3A_265 : vector<1x64xf32>
    %iota3A_267 = tpu.iota {dimensions = array<i32: 0>} : vector<96x1xi32>
    %convert_element_type3A_268 = arith.sitofp %iota3A_267 : vector<96x1xi32> to vector<96x1xf32>
    %le3A = vector.broadcast %dot_general3A_263 : vector<1x64xf32> to vector<96x64xf32>
    %le3A_269 = vector.broadcast %convert_element_type3A_268 : vector<96x1xf32> to vector<96x64xf32>
    %le3A_270 = arith.cmpf ole, %le3A, %le3A_269 : vector<96x64xf32>
    %convert_element_type3A_271 = arith.extui %le3A_270 : vector<96x64xi1> to vector<96x64xi32>
    %convert_element_type3A_272 = arith.sitofp %convert_element_type3A_271 : vector<96x64xi32> to vector<96x64xf32>
    %reduce_sum3A_273 = arith.constant dense<0.000000e+00> : vector<96xf32>
    %reduce_sum3A_274 = vector.multi_reduction <add>, %convert_element_type3A_272, %reduce_sum3A_273 [1] : vector<96x64xf32> to vector<96xf32>
    %broadcast_in_dim3A_275 = vector.shape_cast %reduce_sum3A_274 : vector<96xf32> to vector<96x1xf32>
    %sub3A_276 = arith.constant 1.000000e+00 : f32
    %sub3A_277 = vector.broadcast %sub3A_276 : f32 to vector<96x1xf32>
    %sub3A_278 = arith.subf %broadcast_in_dim3A_275, %sub3A_277 : vector<96x1xf32>
    %reduce_sum3A_279 = arith.constant dense<0.000000e+00> : vector<1xf32>
    %reduce_sum3A_280 = vector.multi_reduction <add>, %floor3A, %reduce_sum3A_279 [1] : vector<1x64xf32> to vector<1xf32>
    %broadcast_in_dim3A_281 = vector.shape_cast %reduce_sum3A_280 : vector<1xf32> to vector<1x1xf32>
    %lt3A_282 = vector.broadcast %broadcast_in_dim3A_281 : vector<1x1xf32> to vector<96x1xf32>
    %lt3A_283 = arith.cmpf olt, %convert_element_type3A_268, %lt3A_282 : vector<96x1xf32>
    %slice3A_284 = vector.extract_strided_slice %sub3A_278 {offsets = [0, 0], sizes = [1, 1], strides = [1, 1]} : vector<96x1xf32> to vector<1x1xf32>
    %broadcast_in_dim3A_285 = vector.shape_cast %slice3A_284 : vector<1x1xf32> to vector<1x1xf32>
    %broadcast_in_dim3A_286 = vector.broadcast %broadcast_in_dim3A_285 : vector<1x1xf32> to vector<96x1xf32>
    %select_n3A_287 = arith.select %lt3A_283, %sub3A_278, %broadcast_in_dim3A_286 : vector<96x1xi1>, vector<96x1xf32>
    %jit3A_288 = arith.constant 0.000000e+00 : f32
    %broadcast_in_dim3A_289 = vector.broadcast %jit3A_288 : f32 to vector<96x1xf32>
    %select_n3A_290 = arith.select %lt3A_283, %convert_element_type3A_268, %broadcast_in_dim3A_289 : vector<96x1xi1>, vector<96x1xf32>
    %mul3A_291 = vector.broadcast %mul3A_266 : vector<1x64xf32> to vector<2048x64xf32>
    %mul3A_292 = arith.mulf %convert_element_type3A_9, %mul3A_291 : vector<2048x64xf32>
    %reduce_sum3A_293 = arith.constant dense<0.000000e+00> : vector<2048xf32>
    %reduce_sum3A_294 = vector.multi_reduction <add>, %mul3A_292, %reduce_sum3A_293 [1] : vector<2048x64xf32> to vector<2048xf32>
    %broadcast_in_dim3A_295 = vector.shape_cast %reduce_sum3A_294 : vector<2048xf32> to vector<2048x1xf32>
    %add3A_296 = arith.addf %broadcast_in_dim3A_295, %concatenate3A : vector<2048x1xf32>
    %add3A_297 = arith.addf %mul3A_266, %add3A_245 : vector<1x64xf32>
    %mul3A_298 = vector.broadcast %add3A_297 : vector<1x64xf32> to vector<2048x64xf32>
    %mul3A_299 = arith.mulf %convert_element_type3A_29, %mul3A_298 : vector<2048x64xf32>
    %reduce_sum3A_300 = arith.constant dense<0.000000e+00> : vector<2048xf32>
    %reduce_sum3A_301 = vector.multi_reduction <add>, %mul3A_299, %reduce_sum3A_300 [1] : vector<2048x64xf32> to vector<2048xf32>
    %broadcast_in_dim3A_302 = vector.shape_cast %reduce_sum3A_301 : vector<2048xf32> to vector<2048x1xf32>
    %add3A_303 = arith.addf %broadcast_in_dim3A_302, %concatenate3A_250 : vector<2048x1xf32>
    %convert_element_type3A_304 = arith.fptosi %add3A_296 : vector<2048x1xf32> to vector<2048x1xi32>
    %swap3A = arith.constant 0 : index
    %swap3A_305 = arith.constant 0 : index
    %swap3A_306 = vector.load %arg1[%swap3A, %swap3A_305] : memref<2048x1xi32, #tpu.memory_space<vmem>>, vector<2048x1xi32>
    tpu.vector_store %arg1[%swap3A, %swap3A_305], %convert_element_type3A_304 {strides = array<i32>} : memref<2048x1xi32, #tpu.memory_space<vmem>>, vector<2048x1xi32>,
    %convert_element_type3A_307 = arith.fptosi %add3A_303 : vector<2048x1xf32> to vector<2048x1xi32>
    %swap3A_308 = arith.constant 0 : index
    %swap3A_309 = arith.constant 0 : index
    %swap3A_310 = vector.load %arg2[%swap3A_308, %swap3A_309] : memref<2048x1xi32, #tpu.memory_space<vmem>>, vector<2048x1xi32>
    tpu.vector_store %arg2[%swap3A_308, %swap3A_309], %convert_element_type3A_307 {strides = array<i32>} : memref<2048x1xi32, #tpu.memory_space<vmem>>, vector<2048x1xi32>,
    %swap3A_311 = arith.constant 0 : index
    %swap3A_312 = arith.constant 0 : index
    %swap3A_313 = vector.load %arg3[%swap3A_311, %swap3A_312] : memref<2048x1xf32, #tpu.memory_space<vmem>>, vector<2048x1xf32>
    tpu.vector_store %arg3[%swap3A_311, %swap3A_312], %div3A_33 {strides = array<i32>} : memref<2048x1xf32, #tpu.memory_space<vmem>>, vector<2048x1xf32>,
    %swap3A_314 = arith.constant 0 : index
    %swap3A_315 = arith.constant 0 : index
    %swap3A_316 = vector.load %arg4[%swap3A_314, %swap3A_315] : memref<2048x1xf32, #tpu.memory_space<vmem>>, vector<2048x1xf32>
    tpu.vector_store %arg4[%swap3A_314, %swap3A_315], %sub3A_36 {strides = array<i32>} : memref<2048x1xf32, #tpu.memory_space<vmem>>, vector<2048x1xf32>,
    %convert_element_type3A_317 = arith.fptosi %select_n3A_287 : vector<96x1xf32> to vector<96x1xi32>
    %swap3A_318 = arith.constant 0 : index
    %swap3A_319 = arith.constant 0 : index
    %swap3A_320 = vector.load %arg5[%swap3A_318, %swap3A_319] : memref<96x1xi32, #tpu.memory_space<vmem>>, vector<96x1xi32>
    tpu.vector_store %arg5[%swap3A_318, %swap3A_319], %convert_element_type3A_317 {strides = array<i32>} : memref<96x1xi32, #tpu.memory_space<vmem>>, vector<96x1xi32>,
    %convert_element_type3A_321 = arith.fptosi %select_n3A_290 : vector<96x1xf32> to vector<96x1xi32>
    %swap3A_322 = arith.constant 0 : index
    %swap3A_323 = arith.constant 0 : index
    %swap3A_324 = vector.load %arg6[%swap3A_322, %swap3A_323] : memref<96x1xi32, #tpu.memory_space<vmem>>, vector<96x1xi32>
    tpu.vector_store %arg6[%swap3A_322, %swap3A_323], %convert_element_type3A_321 {strides = array<i32>} : memref<96x1xi32, #tpu.memory_space<vmem>>, vector<96x1xi32>,
    return
  }
}

module attributes {stable_mosaic.version = 14 : i64} {
  func.func @_expert_body(%arg0: i32, %arg1: memref<96xi32, #tpu.memory_space<smem>>, %arg2: memref<96xi32, #tpu.memory_space<smem>>, %arg3: memref<1x512x1024xf32, #tpu.memory_space<vmem>>, %arg4: memref<1x1024x256xf32, #tpu.memory_space<vmem>>, %arg5: memref<128x1024xf32, #tpu.memory_space<vmem>>, %arg6: memref<128x1024xf32, #tpu.memory_space<vmem>>) attributes {dimension_semantics = [#tpu.dimension_semantics<arbitrary>], iteration_bounds = array<i64: 96>, scalar_prefetch = 2 : i64, scratch_operands = 0 : i64, tpu.core_type = #tpu.core_type<tc>, window_params = [{transform_indices = @transform_0, window_bounds = array<i64: 1, 512, 1024>}, {transform_indices = @transform_1, window_bounds = array<i64: 1, 1024, 256>}, {transform_indices = @transform_2, window_bounds = array<i64: 128, 1024>}, {transform_indices = @transform_3, window_bounds = array<i64: 128, 1024>}]} {
    %get3A = arith.constant 0 : index
    %get3A_0 = arith.constant 0 : index
    %get3A_1 = vector.load %arg5[%get3A, %get3A_0] : memref<128x1024xf32, #tpu.memory_space<vmem>>, vector<128x1024xf32>
    %convert_element_type3A = arith.truncf %get3A_1 : vector<128x1024xf32> to vector<128x1024xbf16>
    %get3A_2 = arith.constant 0 : index
    %get3A_3 = arith.constant 0 : index
    %get3A_4 = arith.constant 0 : index
    %get3A_5 = vector.load %arg3[%get3A_2, %get3A_3, %get3A_4] : memref<1x512x1024xf32, #tpu.memory_space<vmem>>, vector<1x512x1024xf32>
    %get3A_6 = vector.shape_cast %get3A_5 : vector<1x512x1024xf32> to vector<512x1024xf32>
    %convert_element_type3A_7 = arith.truncf %get3A_6 : vector<512x1024xf32> to vector<512x1024xbf16>
    %dot_general3A = arith.constant dense<0.000000e+00> : vector<128x512xf32>
    %dot_general3A_8 = tpu.matmul %convert_element_type3A, %convert_element_type3A_7, %dot_general3A {dimension_numbers = #tpu.dot_dimension_numbers<[1], [1], [0], [0], [0, 0, 1, 0], [], []>, transpose_lhs_hint = false} : vector<128x1024xbf16>, vector<512x1024xbf16>, vector<128x512xf32> -> vector<128x512xf32>
    %slice3A = vector.extract_strided_slice %dot_general3A_8 {offsets = [0, 0], sizes = [128, 256], strides = [1, 1]} : vector<128x512xf32> to vector<128x256xf32>
    %slice3A_9 = vector.extract_strided_slice %dot_general3A_8 {offsets = [0, 256], sizes = [128, 256], strides = [1, 1]} : vector<128x512xf32> to vector<128x256xf32>
    %neg3A = arith.constant 0.000000e+00 : f32
    %neg3A_10 = vector.broadcast %neg3A : f32 to vector<128x256xf32>
    %neg3A_11 = arith.subf %neg3A_10, %slice3A : vector<128x256xf32>
    %exp3A = math.exp %neg3A_11 : vector<128x256xf32>
    %add3A = arith.constant 1.000000e+00 : f32
    %add3A_12 = vector.broadcast %add3A : f32 to vector<128x256xf32>
    %add3A_13 = arith.addf %add3A_12, %exp3A : vector<128x256xf32>
    %div3A = arith.constant 1.000000e+00 : f32
    %div3A_14 = vector.broadcast %div3A : f32 to vector<128x256xf32>
    %div3A_15 = arith.divf %div3A_14, %add3A_13 : vector<128x256xf32>
    %mul3A = arith.mulf %slice3A, %div3A_15 : vector<128x256xf32>
    %mul3A_16 = arith.mulf %mul3A, %slice3A_9 : vector<128x256xf32>
    %convert_element_type3A_17 = arith.truncf %mul3A_16 : vector<128x256xf32> to vector<128x256xbf16>
    %get3A_18 = arith.constant 0 : index
    %get3A_19 = arith.constant 0 : index
    %get3A_20 = arith.constant 0 : index
    %get3A_21 = vector.load %arg4[%get3A_18, %get3A_19, %get3A_20] : memref<1x1024x256xf32, #tpu.memory_space<vmem>>, vector<1x1024x256xf32>
    %get3A_22 = vector.shape_cast %get3A_21 : vector<1x1024x256xf32> to vector<1024x256xf32>
    %convert_element_type3A_23 = arith.truncf %get3A_22 : vector<1024x256xf32> to vector<1024x256xbf16>
    %dot_general3A_24 = arith.constant dense<0.000000e+00> : vector<128x1024xf32>
    %dot_general3A_25 = tpu.matmul %convert_element_type3A_17, %convert_element_type3A_23, %dot_general3A_24 {dimension_numbers = #tpu.dot_dimension_numbers<[1], [1], [0], [0], [0, 0, 1, 0], [], []>, transpose_lhs_hint = false} : vector<128x256xbf16>, vector<1024x256xbf16>, vector<128x1024xf32> -> vector<128x1024xf32>
    %swap3A = arith.constant 0 : index
    %swap3A_26 = arith.constant 0 : index
    %swap3A_27 = vector.load %arg6[%swap3A, %swap3A_26] : memref<128x1024xf32, #tpu.memory_space<vmem>>, vector<128x1024xf32>
    tpu.vector_store %arg6[%swap3A, %swap3A_26], %dot_general3A_25 {strides = array<i32>} : memref<128x1024xf32, #tpu.memory_space<vmem>>, vector<128x1024xf32>,
    return
  }
  func.func @transform_0(%arg0: i32, %arg1: memref<96xi32, #tpu.memory_space<smem>>, %arg2: memref<96xi32, #tpu.memory_space<smem>>) -> (i32, i32, i32) {
    %get3A = arith.index_cast %arg0 : i32 to index
    %get3A_0 = memref.load %arg1[%get3A] : memref<96xi32, #tpu.memory_space<smem>>
    %c0_i32 = arith.constant 0 : i32
    %c0_i32_1 = arith.constant 0 : i32
    %c0_i32_2 = arith.constant 0 : i32
    return %get3A_0, %c0_i32, %c0_i32_1 : i32, i32, i32
  }
  func.func @transform_1(%arg0: i32, %arg1: memref<96xi32, #tpu.memory_space<smem>>, %arg2: memref<96xi32, #tpu.memory_space<smem>>) -> (i32, i32, i32) {
    %get3A = arith.index_cast %arg0 : i32 to index
    %get3A_0 = memref.load %arg1[%get3A] : memref<96xi32, #tpu.memory_space<smem>>
    %c0_i32 = arith.constant 0 : i32
    %c0_i32_1 = arith.constant 0 : i32
    %c0_i32_2 = arith.constant 0 : i32
    return %get3A_0, %c0_i32, %c0_i32_1 : i32, i32, i32
  }
  func.func @transform_2(%arg0: i32, %arg1: memref<96xi32, #tpu.memory_space<smem>>, %arg2: memref<96xi32, #tpu.memory_space<smem>>) -> (i32, i32) {
    %get3A = arith.index_cast %arg0 : i32 to index
    %get3A_0 = memref.load %arg2[%get3A] : memref<96xi32, #tpu.memory_space<smem>>
    %c0_i32 = arith.constant 0 : i32
    %c0_i32_1 = arith.constant 0 : i32
    return %get3A_0, %c0_i32 : i32, i32
  }
  func.func @transform_3(%arg0: i32, %arg1: memref<96xi32, #tpu.memory_space<smem>>, %arg2: memref<96xi32, #tpu.memory_space<smem>>) -> (i32, i32) {
    %get3A = arith.index_cast %arg0 : i32 to index
    %get3A_0 = memref.load %arg2[%get3A] : memref<96xi32, #tpu.memory_space<smem>>
    %c0_i32 = arith.constant 0 : i32
    %c0_i32_1 = arith.constant 0 : i32
    return %get3A_0, %c0_i32 : i32, i32
  }
}

module attributes {stable_mosaic.version = 14 : i64} {
  func.func @_final_body(%arg0: i32, %arg1: memref<256x1024xf32, #tpu.memory_space<vmem>>, %arg2: memref<256x1024xf32, #tpu.memory_space<vmem>>, %arg3: memref<256x1xf32, #tpu.memory_space<vmem>>, %arg4: memref<256x1xf32, #tpu.memory_space<vmem>>, %arg5: memref<256x1024xf32, #tpu.memory_space<vmem>>, %arg6: memref<256x1024xf32, #tpu.memory_space<vmem>>) attributes {dimension_semantics = [#tpu.dimension_semantics<arbitrary>], iteration_bounds = array<i64: 8>, scalar_prefetch = 0 : i64, scratch_operands = 0 : i64, tpu.core_type = #tpu.core_type<tc>, window_params = [{transform_indices = @transform_0, window_bounds = array<i64: 256, 1024>}, {transform_indices = @transform_1, window_bounds = array<i64: 256, 1024>}, {transform_indices = @transform_2, window_bounds = array<i64: 256, 1>}, {transform_indices = @transform_3, window_bounds = array<i64: 256, 1>}, {transform_indices = @transform_4, window_bounds = array<i64: 256, 1024>}, {transform_indices = @transform_5, window_bounds = array<i64: 256, 1024>}]} {
    %get3A = arith.constant 0 : index
    %get3A_0 = arith.constant 0 : index
    %get3A_1 = vector.load %arg1[%get3A, %get3A_0] : memref<256x1024xf32, #tpu.memory_space<vmem>>, vector<256x1024xf32>
    %get3A_2 = arith.constant 0 : index
    %get3A_3 = arith.constant 0 : index
    %get3A_4 = vector.load %arg3[%get3A_2, %get3A_3] : memref<256x1xf32, #tpu.memory_space<vmem>>, vector<256x1xf32>
    %mul3A = vector.broadcast %get3A_4 : vector<256x1xf32> to vector<256x1024xf32>
    %mul3A_5 = arith.mulf %get3A_1, %mul3A : vector<256x1024xf32>
    %get3A_6 = arith.constant 0 : index
    %get3A_7 = arith.constant 0 : index
    %get3A_8 = vector.load %arg2[%get3A_6, %get3A_7] : memref<256x1024xf32, #tpu.memory_space<vmem>>, vector<256x1024xf32>
    %get3A_9 = arith.constant 0 : index
    %get3A_10 = arith.constant 0 : index
    %get3A_11 = vector.load %arg4[%get3A_9, %get3A_10] : memref<256x1xf32, #tpu.memory_space<vmem>>, vector<256x1xf32>
    %mul3A_12 = vector.broadcast %get3A_11 : vector<256x1xf32> to vector<256x1024xf32>
    %mul3A_13 = arith.mulf %get3A_8, %mul3A_12 : vector<256x1024xf32>
    %add3A = arith.addf %mul3A_5, %mul3A_13 : vector<256x1024xf32>
    %get3A_14 = arith.constant 0 : index
    %get3A_15 = arith.constant 0 : index
    %get3A_16 = vector.load %arg5[%get3A_14, %get3A_15] : memref<256x1024xf32, #tpu.memory_space<vmem>>, vector<256x1024xf32>
    %add3A_17 = arith.addf %add3A, %get3A_16 : vector<256x1024xf32>
    %swap3A = arith.constant 0 : index
    %swap3A_18 = arith.constant 0 : index
    %swap3A_19 = vector.load %arg6[%swap3A, %swap3A_18] : memref<256x1024xf32, #tpu.memory_space<vmem>>, vector<256x1024xf32>
    tpu.vector_store %arg6[%swap3A, %swap3A_18], %add3A_17 {strides = array<i32>} : memref<256x1024xf32, #tpu.memory_space<vmem>>, vector<256x1024xf32>,
    return
  }
  func.func @transform_0(%arg0: i32) -> (i32, i32) {
    %c0_i32 = arith.constant 0 : i32
    %c0_i32_0 = arith.constant 0 : i32
    return %arg0, %c0_i32 : i32, i32
  }
  func.func @transform_1(%arg0: i32) -> (i32, i32) {
    %c0_i32 = arith.constant 0 : i32
    %c0_i32_0 = arith.constant 0 : i32
    return %arg0, %c0_i32 : i32, i32
  }
  func.func @transform_2(%arg0: i32) -> (i32, i32) {
    %c0_i32 = arith.constant 0 : i32
    %c0_i32_0 = arith.constant 0 : i32
    return %arg0, %c0_i32 : i32, i32
  }
  func.func @transform_3(%arg0: i32) -> (i32, i32) {
    %c0_i32 = arith.constant 0 : i32
    %c0_i32_0 = arith.constant 0 : i32
    return %arg0, %c0_i32 : i32, i32
  }
  func.func @transform_4(%arg0: i32) -> (i32, i32) {
    %c0_i32 = arith.constant 0 : i32
    %c0_i32_0 = arith.constant 0 : i32
    return %arg0, %c0_i32 : i32, i32
  }
  func.func @transform_5(%arg0: i32) -> (i32, i32) {
    %c0_i32 = arith.constant 0 : i32
    %c0_i32_0 = arith.constant 0 : i32
    return %arg0, %c0_i32 : i32, i32
  }
}

</mosaic_0001>

<sc_bundles>
// kernel: _block.10.cloned.1.call-start
scs
__scs_entry_jumppad:
0x0: {  	(pc) =	sbr.rel $0x88, $3  }
0x1: {  	(tag) =	ssettag $0x0;
	lr =	simm.s32 $0x1  }
0x2: {  	[smem:$0x3F95] =	sst lr;
	_ =	strace $0xD0000000  }
0x3: {  	_ = 	snop  }
0x4: {  	_ = 	snop  }
0x5: {  	_ = 	snop  }
0x6: {  	_ = 	snop  }
0x7: {  	_ = 	snop  }
__scs_overlays_trampoline_lowered:
0x8: {  	[smem:$0x3FA4] =	sst s0  }
0x9: {  	[smem:$0x3FA5] =	sst s1  }
0xa: {  	[smem:$0x3FA6] =	sst s2  }
0xb: {  	[smem:$0x3FA7] =	sst s3  }
0xc: {  	[smem:$0x3FA8] =	sst s4  }
0xd: {  	[smem:$0x3FA9] =	sst s5  }
0xe: {  	[smem:$0x3FAA] =	sst s6  }
0xf: {  	[smem:$0x3FAB] =	sst s7  }
0x10: {  	[smem:$0x3FAC] =	sst s8  }
0x11: {  	[smem:$0x3FAD] =	sst s9;
	s0 =	simm.s32 @!p0 $0x0  }
0x12: {  	s1 =	sld [smem:$0x3F93];
	s0 =	simm.s32 @p0 $0x1  }
0x13: {  	[smem:$0x3FAE] =	sst s0;
	s0 =	simm.s32 @!p1 $0x0  }
0x14: {  	s2 =	sld [smem:$0x3F92];
	s0 =	simm.s32 @p1 $0x1  }
0x15: {  	[smem:$0x3FAF] =	sst s0;
	s0 =	simm.s32 @!p2 $0x0  }
0x16: {  	s3 =	sld [smem:$0x3FDB];
	s0 =	simm.s32 @p2 $0x1  }
0x17: {  	s4 =	simm.s32 $0x1BF5;
	[smem:$0x3FB1] =	sst s0  }
0x18: {  	s0 =	sld [smem:$0x3F94];
	_ =	swait.ge [sflag:s4], $0x0  }
0x19: {  	s7 =	sld [smem:$0x3F95]  }
0x1a: {  	s8 =	sadd.s32 $0xFFFFE003, lr  }
0x1b: {  	s9 =	sadd.s32 $0xFFFFFEF7, lr;
	s5 =	simm.s32 $0xFFFFFFFF;
	p2 =	slt.u32 s8, $0xFFFFF086  }
0x1c: {  	p1 =	slt.u32 s9, $0xF7A;
	s5 =	simm.s32 @!p2 $0x0  }
0x1d: {  	s5 =	simm.s32 @p1 $0x1;
	p0 =	seq.s32 s7, s2  }
0x1e: {  	s7 =	smul.u32 @!p0 $0xF7A, s2;
	p2 =	seq.s32 @!p0 s5, $0x0  }
0x1f: {  	s9 =	smul.u32 $0xF7A, s1;
	s8 =	simm.s32 @!p0 $0x1BF5;
	p2 =	por !p2, p0  }
0x20: {  	[sflag:s8] =	ssyncset.s32 @!p0 $0xFFFFF086;
	s6 =	sadd.s32 @!p0 s3, s7;
	s7 =	simm.s32 @!p0 $0x108  }
0x21: {  	s3 =	sadd.s32 s3, s9;
	s6 =	sadd.s32 @!p0 $0x88, s6;
	s7 =	simm.s32 @p2 $0x1082  }
0x22: {  	[simem:s7], [sflag:s8] =	dma.local @!p0 [hbm:s6], $0xF7A  }
0x23: {  	s9 =	sor.u32 $0xD0000000, s2;
	s6 =	simm.s32 $0x108;
	_ =	swait.ge @!p0 [sflag:s8], $0x0  }
0x24: {  	s3 =	sadd.s32 $0x88, s3;
	s6 =	simm.s32 @!p1 $0x1082;
	[sflag:s4] =	ssyncset.s32 $0xFFFFF086  }
0x25: {  	[simem:s6], [sflag:s4] =	dma.local [hbm:s3], $0xF7A  }
0x26: {  	[smem:$0x3F95] =	sst s1;
	(tag) =	ssettag s2;
	_ =	strace s9  }
0x27: {  	s1 =	sld [smem:$0x3FA5]  }
0x28: {  	s2 =	sld [smem:$0x3FA6]  }
0x29: {  	s4 =	sld [smem:$0x3FA8]  }
0x2a: {  	p0 =	seq.s32 s5, $0x0;
	s5 =	sld [smem:$0x3FA9]  }
0x2b: {  	s6 =	sld [smem:$0x3FAA]  }
0x2c: {  	s7 =	sld [smem:$0x3FAB]  }
0x2d: {  	s3 =	simm.s32 $0x108;
	s8 =	sld [smem:$0x3FAC]  }
0x2e: {  	s3 =	simm.s32 @!p0 $0x1082;
	s9 =	sld [smem:$0x3FAD]  }
0x2f: {  	lr =	sadd.s32 s0, s3;
	s0 =	sld [smem:$0x3FA4]  }
0x30: {  	s3 =	sld [smem:$0x3FA7]  }
0x31: {  	[smem:$0x3FB0] =	sst s10  }
0x32: {  	s10 =	sld [smem:$0x3FAE];
	_ =	sdelay $0x3  }
0x33: {  	p0 =	seq.s32 s10, $0x1;
	s10 =	sld [smem:$0x3FB0];
	_ =	sdelay $0x3  }
0x34: {  	[smem:$0x3FB0] =	sst s10  }
0x35: {  	s10 =	sld [smem:$0x3FAF];
	_ =	sdelay $0x3  }
0x36: {  	p1 =	seq.s32 s10, $0x1;
	s10 =	sld [smem:$0x3FB0];
	_ =	sdelay $0x3  }
0x37: {  	[smem:$0x3FB0] =	sst s10  }
0x38: {  	s10 =	sld [smem:$0x3FB1]  }
0x39: {  	_ = 	snop;
	(pc) =	sbr.ind lr, $3  }
0x3a: {  	_ = 	snop  }
0x3b: {  	_ = 	snop  }
0x3c: {  	p2 =	seq.s32 s10, $0x1;
	s10 =	sld [smem:$0x3FB0]  }
0x3d: {  	_ =	shalt  }
0x3e: {  	_ =	shalt  }
0x3f: {  	_ =	shalt  }
0x40: {  	_ =	shalt  }
0x41: {  	_ =	shalt  }
0x42: {  	_ =	shalt  }
0x43: {  	_ =	shalt  }
0x44: {  	_ =	shalt  }
0x45: {  	_ =	shalt  }
0x46: {  	_ =	shalt  }
0x47: {  	_ =	shalt  }
0x48: {  	_ =	shalt  }
0x49: {  	_ =	shalt  }
0x4a: {  	_ =	shalt  }
0x4b: {  	_ =	shalt  }
0x4c: {  	_ =	shalt  }
0x4d: {  	_ =	shalt  }
0x4e: {  	_ =	shalt  }
0x4f: {  	_ =	shalt  }
0x50: {  	_ =	shalt  }
0x51: {  	_ =	shalt  }
0x52: {  	_ =	shalt  }
0x53: {  	_ =	shalt  }
0x54: {  	_ =	shalt  }
0x55: {  	_ =	shalt  }
0x56: {  	_ =	shalt  }
0x57: {  	_ =	shalt  }
0x58: {  	_ =	shalt  }
0x59: {  	_ =	shalt  }
0x5a: {  	_ =	shalt  }
0x5b: {  	_ =	shalt  }
0x5c: {  	_ =	shalt  }
0x5d: {  	_ =	shalt  }
0x5e: {  	_ =	shalt  }
0x5f: {  	_ =	shalt  }
0x60: {  	_ =	shalt  }
0x61: {  	_ =	shalt  }
0x62: {  	_ =	shalt  }
0x63: {  	_ =	shalt  }
0x64: {  	_ =	shalt  }
0x65: {  	_ =	shalt  }
0x66: {  	_ =	shalt  }
0x67: {  	_ =	shalt  }
0x68: {  	_ =	shalt  }
0x69: {  	_ =	shalt  }
0x6a: {  	_ =	shalt  }
0x6b: {  	_ =	shalt  }
0x6c: {  	_ =	shalt  }
0x6d: {  	_ =	shalt  }
0x6e: {  	_ =	shalt  }
0x6f: {  	_ =	shalt  }
0x70: {  	_ =	shalt  }
0x71: {  	_ =	shalt  }
0x72: {  	_ =	shalt  }
0x73: {  	_ =	shalt  }
0x74: {  	_ =	shalt  }
0x75: {  	_ =	shalt  }
0x76: {  	_ =	shalt  }
0x77: {  	_ =	shalt  }
0x78: {  	_ =	shalt  }
0x79: {  	_ =	shalt  }
0x7a: {  	_ =	shalt  }
0x7b: {  	_ =	shalt  }
0x7c: {  	_ =	shalt  }
0x7d: {  	_ =	shalt  }
0x7e: {  	_ =	shalt  }
0x7f: {  	_ =	shalt  }
0x80: {  	_ =	shalt  }
0x81: {  	_ =	shalt  }
0x82: {  	_ =	shalt  }
0x83: {  	_ =	shalt  }
0x84: {  	_ =	shalt  }
0x85: {  	_ =	shalt  }
0x86: {  	_ =	shalt  }
0x87: {  	_ =	shalt  }
.Lfunc_end0:
.L_simem_size_0:
called_computation_lowered:
.L_overlay_start_0:
0x88: {  	s2 =	sld [smem:$0x3FD9]  }
0x89: {  	s3 =	sld [smem:$0x3FFE];
	_ =	sdelay $0x1  }
0x8a: {  	s1 =	srdreg.scid  }
0x8b: {  	s0 =	sand.u32 $0x1, s1  }
0x8c: {  	s14 =	sshll.u32 s0, $0xA;
	s2 =	sadd.s32 s3, s2  }
0x8d: {  	s2 =	sadd.s32 s2, s14  }
0x8e: {  	[smem:$0x3FBC] =	sst s2  }
0x8f: {  	_ = 	snop  }
0x90: {  	s2 =	sld [smem:$0x3FD0];
	_ =	sdelay $0x2  }
0x91: {  	s15 =	simm.s32 $0xA;
	s4 =	simm.s32 $0x10  }
0x92: {  	[smem:s4], [sflag:s15] =	dma.local [hbm:s2], $0x1  }
0x93: {  	_ =	swait.eq [sflag:s15], $0x1  }
0x94: {  	[sflag:s15] =	ssyncset.done $0x0  }
0x95: {  	[sflag:s15] =	ssyncadd.s32 $0xFFFFFFFF  }
0x96: {  	s16 =	sld [smem:$0x10];
	(tm) =	ssettm $0x1  }
0x97: {  	s17 =	sld [smem:$0x3FFB];
	_ =	sdelay $0x3  }
0x98: {  	_ =	strace s17  }
0x99: {  	s3 =	sld [smem:$0x3FFC];
	_ =	sdelay $0x3  }
0x9a: {  	_ =	strace s3  }
0x9b: {  	s3 =	sld [smem:$0x3FFD];
	_ =	sdelay $0x3  }
0x9c: {  	_ =	strace s3  }
0x9d: {  	_ =	strace $0x8FFFFFFF  }
0x9e: {  	s18 =	sld [smem:$0x3FDB];
	_ =	sdelay $0x1  }
0x9f: {  	s19 =	simm.s32 $_scs_section_size  }
0xa0: {  	s5 =	simm.s32 $_size__tile_overlayer_lowered;
	s6 =	simm.s32 $_tile_overlayer_lowered  }
0xa1: {  	s22 =	simm.s32 $0x1BFF;
	s21 =	sshll.u32 s6, $0x1;
	s3 =	sadd.s32 s19, s18  }
0xa2: {  	s7 =	simm.s32 $0x0;
	s20 =	sshll.u32 s5, $0x1;
	s5 =	sadd.s32 s21, s3  }
0xa3: {  	[timem:s7], [sflag:s22] =	dma.local [hbm:s5], s20  }
0xa4: {  	_ =	swait.ge [sflag:s22], s20  }
0xa5: {  	s4 =	ssub.s32 $0x0, s20;
	[sflag:s22] =	ssyncset.done $0x0  }
0xa6: {  	[sflag:s22] =	ssyncadd.s32 s4;
	_ =	sdelay $0x1  }
0xa7: {  	s23 =	simm.s32 $0x1B8B  }
0xa8: {  	_ =	swait.ge [sflag:s23], $0x1  }
0xa9: {  	[sflag:s23] =	ssyncset.done $0x0  }
0xaa: {  	s25 =	simm.s32 $0x1B8E;
	s24 =	sld [smem:$0x3FFE];
	[sflag:s23] =	ssyncadd.s32 $0xFFFFFFFF  }
0xab: {  	s26 =	simm.s32 $execute0_lowered;
	[smem:$0x3FD2] =	sst s25  }
0xac: {  	s5 =	sshll.u32 s26, $0x1;
	_ =	strace $0x80000046;
	[dreg:$0x1] =	wrdreg $0xFFFFFFFF  }
0xad: {  	s28 =	simm.s32 $_size_execute0_lowered;
	s3 =	sadd.s32 s3, s5;
	[dreg:$0x0] =	wrdreg $0x0  }
0xae: {  	s5 =	sshll.u32 s28, $0x1;
	[dreg:$0x2] =	wrdreg s3  }
0xaf: {  	[dreg:$0x3] =	wrdreg s5  }
0xb0: {  	[dreg:$0x4] =	wrdreg $0xC0  }
0xb1: {  	_ =	task [dreg:s7], $0x5FFFF  }
0xb2: {  	[dreg:$0x1] =	wrdreg $0xFFFFFFFF  }
0xb3: {  	[dreg:$0x0] =	wrdreg $0x60  }
0xb4: {  	[dreg:$0x2] =	wrdreg s16  }
0xb5: {  	[dreg:$0x3] =	wrdreg s24  }
0xb6: {  	[dreg:$0x4] =	wrdreg $0x9  }
0xb7: {  	_ =	task.clear_ibuf [dreg:s7], $0x5FFFF;
	_ =	strace $0x90000046  }
0xb8: {  	s29 =	simm.s32 $0x9;
	_ =	strace $0x80000048  }
0xb9: {  	_ =	swait.ge [sflag:s29], $0x1  }
0xba: {  	[sflag:s29] =	ssyncadd.s32 $0xFFFFFFFF  }
0xbb: {  	_ =	strace $0x90000048  }
0xbc: {  	_ =	sfence  }
0xbd: {  	s30 =	sld [smem:$0x0];
	_ =	sdelay $0x2  }
0xbe: {  	s31 =	sshll.u32 s1, $0xD;
	s1 =	sshrl.u32 s1, $0x2  }
0xbf: {  	s3 =	sand.u32 $0x4000, s31;
	s1 =	sadd.s32 s1, s30  }
0xc0: {  	s0 =	sor.u32 s3, s0;
	s1 =	sshll.u32 s1, $0x11  }
0xc1: {  	s0 =	sor.u32 s1, s0  }
0xc2: {  	s0 =	sadd.s32 $0x8F2B, s0  }
0xc3: {  	[sflag:s0] =	ssyncadd.remote.s32 $0x1  }
0xc4: {  	_ =	sfence.sel $0xFFFF  }
0xc5: {  	[dreg:$0x0] =	wrdreg $0xFFFFFFFF;
	(pc) =	sbr.abs _section_cstart, $3  }
0xc6: {  	[dreg:$0x1] =	wrdreg $0xFFFFFFFF  }
0xc7: {  	_ =	task.clear_ibuf [dreg:s7], $0x2FFFF;
	_ =	strace $0x9FFFFFFF  }
0xc8: {  	(tm) =	ssettm $0x7FFFFFFF  }
0xc9: {  	_ =	shalt  }
tec
execute0_lowered:
.L_overlay_start_1:
0x0: {  	(tag) =	ssettag $0x1  }
0x1: {  	s0 =	srdreg.scid;
	s1 =	rddreg [dreg:$0x0]  }
0x2: {  	s2 =	stileid.u32;
	s6 =	rddreg [dreg:$0x1];
	s9 =	simm.s32 $0x2  }
0x3: {  	s18 =	simm.s32 $0x1;
	s20 =	simm.s32 $0x880;
	s21 =	simm.s32 $0x1080  }
0x4: {  	s22 =	simm.s32 $0x1880;
	s28 =	simm.s32 $0x4080;
	s29 =	simm.s32 $0x4880  }
0x5: {  	s30 =	simm.s32 $0x5080;
	s31 =	simm.s32 $0x5880;
	s10 =	simm.s32 $0x7080  }
0x6: {  	s11 =	simm.s32 $0x7880;
	s12 =	simm.s32 $0x8080;
	s13 =	simm.s32 $0x8880  }
0x7: {  	s14 =	simm.s32 $0x9080;
	s15 =	simm.s32 $0x9880;
	s16 =	simm.s32 $0xA080  }
0x8: {  	s17 =	simm.s32 $0xA880;
	s0 =	sand.u32 $0x1, s0;
	s3 =	sshll.u32 s2, $0x7  }
0x9: {  	s2 =	simm.s32 $0x0;
	s5 =	sadd.s32 $0x92600, s6;
	s4 =	sshll.u32 s0, $0x6  }
0xa: {  	[smem:$0x7FF] =	sst s2;
	s0 =	ssub.s32 $0x2, s0;
	s3 =	sor.u32 s4, s3  }
0xb: {  	_ =	strace $0x80000047;
	s24 =	sshrl.u32 s0, $0x1;
	s4 =	sshrl.u32 s3, $0x3  }
0xc: {  	s23 =	sshll.u32 s3, $0x7;
	s3 =	sadd.s32 $0x92400, s6;
	s0 =	ssub.s32 s0, s24  }
0xd: {  	s24 =	simm.s32 $0x2880;
	s7 =	sadd.s32 s4, s6;
	s1 =	sadd.s32 s1, s23  }
0xe: {  	s4 =	sadd.s32 $0x92500, s6;
	s6 =	sadd.s32 $0x92700, s6;
	s23 =	simm.s32 $0x2080  }
0xf: {  	v2 =	vlaneseq.u32;
	[dreg:$0x3] =	wrdreg s1;
	s25 =	sadd.s32 $0x92000, s7;
	s26 =	sadd.s32 $0x92200, s7  }
0x10: {  	vm0 =	vmmov $0xffff;
	v1 =	vshrl.u32 v2, $0x3;
	s7 =	smax.u32 s0, $0x1;
	s1 =	simm.s32 $0x6080;
	[dreg:$0x4] =	wrdreg s25  }
0x11: {  	v0 =	vand.u32 $0x7, v2;
	v2 =	vor.u32 $0x8, v2;
	v1 =	vmul.u32 $0x8, v1;
	[dreg:$0x5] =	wrdreg s26;
	s25 =	simm.s32 $0x3080;
	s26 =	simm.s32 $0x3880  }
.LBB2_1:
0x12: {  	s19 =	rddreg [dreg:$0x3];
	s0 =	simm.s32 $0x80  }
0x13: {  	[tilespmem:s0], [sflag:$0x2] =	stream.linear.gather [hbm4b:s19+s2], $0x10000, $0x38;
	[tilespmem:$0x10080] =	vst v63  }
0x14: {  	_ =	swait.ge [sflag:s9], $0x10000  }
0x15: {  	[sflag:s9] =	ssyncset.done $0x0  }
0x16: {  	s8 =	rddreg [dreg:$0x4];
	[sflag:s9] =	ssyncadd.s32 $0xFFFF0000  }
0x17: {  	[tilespmem:s2], [sflag:$0x2] =	stream.linear.gather [hbm4b:s8+s2], $0x40, $0x38;
	[tilespmem:$0x10080] =	vst v63  }
0x18: {  	_ =	swait.ge [sflag:s9], $0x40  }
0x19: {  	[sflag:s9] =	ssyncset.done $0x0  }
0x1a: {  	[sflag:s9] =	ssyncadd.s32 $0xFFFFFFC0  }
0x1b: {  	v3 =	vld [tilespmem:$0x0];
	_ =	sdelay $0x4  }
0x1c: {  	v4 =	vshll.u32 v3, $0x3  }
0x1d: {  	v3 =	vand.u32 $0x7, v3;
	v4 =	vand.u32 $0xFFFFFFC0, v4  }
0x1e: {  	v3 =	vor.u32 v3, v4  }
0x1f: {  	v4 =	vperm.xlane v3, v0;
	_ =	sdelay $0x1  }
0x20: {  	v4 =	vadd.s32 v1, v4;
	_ =	sdelay $0x4  }
0x21: {  	[hbm4b:s3+s2] =	stream.indirect_vreg.scatter [tilespmem:s0], [sflag:$0x1], $0x80, v4, vm0, $0xb8;
	[tilespmem:$0x10080] =	vst v63  }
0x22: {  	v3 =	vperm.xlane v3, v2  }
0x23: {  	[hbm4b:s4+s2] =	stream.indirect_vreg.scatter [tilespmem:s20], [sflag:$0x1], $0x80, v4, vm0, $0xb8;
	[tilespmem:$0x10080] =	vst v63  }
0x24: {  	v3 =	vadd.s32 v1, v3  }
0x25: {  	[hbm4b:s5+s2] =	stream.indirect_vreg.scatter [tilespmem:s21], [sflag:$0x1], $0x80, v4, vm0, $0xb8;
	[tilespmem:$0x10080] =	vst v63  }
0x26: {  	_ = 	snop  }
0x27: {  	[hbm4b:s6+s2] =	stream.indirect_vreg.scatter [tilespmem:s22], [sflag:$0x1], $0x80, v4, vm0, $0xb8;
	[tilespmem:$0x10080] =	vst v63  }
0x28: {  	_ = 	snop  }
0x29: {  	[hbm4b:s3+s2] =	stream.indirect_vreg.scatter [tilespmem:s23], [sflag:$0x1], $0x80, v3, vm0, $0xb8;
	[tilespmem:$0x10080] =	vst v63  }
0x2a: {  	_ = 	snop  }
0x2b: {  	[hbm4b:s4+s2] =	stream.indirect_vreg.scatter [tilespmem:s24], [sflag:$0x1], $0x80, v3, vm0, $0xb8;
	[tilespmem:$0x10080] =	vst v63  }
0x2c: {  	_ = 	snop  }
0x2d: {  	[hbm4b:s5+s2] =	stream.indirect_vreg.scatter [tilespmem:s25], [sflag:$0x1], $0x80, v3, vm0, $0xb8;
	[tilespmem:$0x10080] =	vst v63  }
0x2e: {  	_ = 	snop  }
0x2f: {  	[hbm4b:s6+s2] =	stream.indirect_vreg.scatter [tilespmem:s26], [sflag:$0x1], $0x80, v3, vm0, $0xb8;
	[tilespmem:$0x10080] =	vst v63  }
0x30: {  	v3 =	vld [tilespmem:$0x10];
	_ =	sdelay $0x4  }
0x31: {  	v57 =	vshll.u32 v3, $0x3  }
0x32: {  	v3 =	vand.u32 $0x7, v3;
	v4 =	vand.u32 $0xFFFFFFC0, v57  }
0x33: {  	v3 =	vor.u32 v3, v4  }
0x34: {  	v4 =	vperm.xlane v3, v0;
	_ =	sdelay $0x1  }
0x35: {  	v4 =	vadd.s32 v1, v4;
	_ =	sdelay $0x4  }
0x36: {  	[hbm4b:s3+s2] =	stream.indirect_vreg.scatter [tilespmem:s28], [sflag:$0x1], $0x80, v4, vm0, $0xb8;
	[tilespmem:$0x10080] =	vst v63  }
0x37: {  	v3 =	vperm.xlane v3, v2  }
0x38: {  	[hbm4b:s4+s2] =	stream.indirect_vreg.scatter [tilespmem:s29], [sflag:$0x1], $0x80, v4, vm0, $0xb8;
	[tilespmem:$0x10080] =	vst v63  }
0x39: {  	v3 =	vadd.s32 v1, v3  }
0x3a: {  	[hbm4b:s5+s2] =	stream.indirect_vreg.scatter [tilespmem:s30], [sflag:$0x1], $0x80, v4, vm0, $0xb8;
	[tilespmem:$0x10080] =	vst v63  }
0x3b: {  	_ = 	snop  }
0x3c: {  	[hbm4b:s6+s2] =	stream.indirect_vreg.scatter [tilespmem:s31], [sflag:$0x1], $0x80, v4, vm0, $0xb8;
	[tilespmem:$0x10080] =	vst v63  }
0x3d: {  	_ = 	snop  }
0x3e: {  	[hbm4b:s3+s2] =	stream.indirect_vreg.scatter [tilespmem:s1], [sflag:$0x1], $0x80, v3, vm0, $0xb8;
	[tilespmem:$0x10080] =	vst v63  }
0x3f: {  	s8 =	simm.s32 $0x6880  }
0x40: {  	[hbm4b:s4+s2] =	stream.indirect_vreg.scatter [tilespmem:s8], [sflag:$0x1], $0x80, v3, vm0, $0xb8;
	[tilespmem:$0x10080] =	vst v63  }
0x41: {  	_ = 	snop  }
0x42: {  	[hbm4b:s5+s2] =	stream.indirect_vreg.scatter [tilespmem:s10], [sflag:$0x1], $0x80, v3, vm0, $0xb8;
	[tilespmem:$0x10080] =	vst v63  }
0x43: {  	_ = 	snop  }
0x44: {  	[hbm4b:s6+s2] =	stream.indirect_vreg.scatter [tilespmem:s11], [sflag:$0x1], $0x80, v3, vm0, $0xb8;
	[tilespmem:$0x10080] =	vst v63  }
0x45: {  	v3 =	vld [tilespmem:$0x20];
	_ =	sdelay $0x4  }
0x46: {  	v58 =	vshll.u32 v3, $0x3  }
0x47: {  	v3 =	vand.u32 $0x7, v3;
	v4 =	vand.u32 $0xFFFFFFC0, v58  }
0x48: {  	v3 =	vor.u32 v3, v4  }
0x49: {  	v4 =	vperm.xlane v3, v0;
	_ =	sdelay $0x1  }
0x4a: {  	v4 =	vadd.s32 v1, v4;
	_ =	sdelay $0x4  }
0x4b: {  	[hbm4b:s3+s2] =	stream.indirect_vreg.scatter [tilespmem:s12], [sflag:$0x1], $0x80, v4, vm0, $0xb8;
	[tilespmem:$0x10080] =	vst v63  }
0x4c: {  	v3 =	vperm.xlane v3, v2  }
0x4d: {  	[hbm4b:s4+s2] =	stream.indirect_vreg.scatter [tilespmem:s13], [sflag:$0x1], $0x80, v4, vm0, $0xb8;
	[tilespmem:$0x10080] =	vst v63  }
0x4e: {  	v3 =	vadd.s32 v1, v3  }
0x4f: {  	[hbm4b:s5+s2] =	stream.indirect_vreg.scatter [tilespmem:s14], [sflag:$0x1], $0x80, v4, vm0, $0xb8;
	[tilespmem:$0x10080] =	vst v63  }
0x50: {  	_ = 	snop  }
0x51: {  	[hbm4b:s6+s2] =	stream.indirect_vreg.scatter [tilespmem:s15], [sflag:$0x1], $0x80, v4, vm0, $0xb8;
	[tilespmem:$0x10080] =	vst v63  }
0x52: {  	_ = 	snop  }
0x53: {  	[hbm4b:s3+s2] =	stream.indirect_vreg.scatter [tilespmem:s16], [sflag:$0x1], $0x80, v3, vm0, $0xb8;
	[tilespmem:$0x10080] =	vst v63  }
0x54: {  	_ = 	snop  }
0x55: {  	[hbm4b:s4+s2] =	stream.indirect_vreg.scatter [tilespmem:s17], [sflag:$0x1], $0x80, v3, vm0, $0xb8;
	[tilespmem:$0x10080] =	vst v63  }
0x56: {  	s8 =	simm.s32 $0xB080  }
0x57: {  	[hbm4b:s5+s2] =	stream.indirect_vreg.scatter [tilespmem:s8], [sflag:$0x1], $0x80, v3, vm0, $0xb8;
	[tilespmem:$0x10080] =	vst v63  }
0x58: {  	s19 =	simm.s32 $0xB880  }
0x59: {  	[hbm4b:s6+s2] =	stream.indirect_vreg.scatter [tilespmem:s19], [sflag:$0x1], $0x80, v3, vm0, $0xb8;
	[tilespmem:$0x10080] =	vst v63  }
0x5a: {  	v3 =	vld [tilespmem:$0x30];
	_ =	sdelay $0x4  }
0x5b: {  	v59 =	vshll.u32 v3, $0x3  }
0x5c: {  	v3 =	vand.u32 $0x7, v3;
	v4 =	vand.u32 $0xFFFFFFC0, v59  }
0x5d: {  	v3 =	vor.u32 v3, v4  }
0x5e: {  	v4 =	vperm.xlane v3, v0;
	_ =	sdelay $0x1  }
0x5f: {  	v4 =	vadd.s32 v1, v4;
	_ =	sdelay $0x3  }
0x60: {  	s19 =	simm.s32 $0xC080  }
0x61: {  	[hbm4b:s3+s2] =	stream.indirect_vreg.scatter [tilespmem:s19], [sflag:$0x1], $0x80, v4, vm0, $0xb8;
	[tilespmem:$0x10080] =	vst v63  }
0x62: {  	v3 =	vperm.xlane v3, v2;
	s19 =	simm.s32 $0xC880  }
0x63: {  	[hbm4b:s4+s2] =	stream.indirect_vreg.scatter [tilespmem:s19], [sflag:$0x1], $0x80, v4, vm0, $0xb8;
	[tilespmem:$0x10080] =	vst v63  }
0x64: {  	v3 =	vadd.s32 v1, v3;
	s19 =	simm.s32 $0xD080  }
0x65: {  	[hbm4b:s5+s2] =	stream.indirect_vreg.scatter [tilespmem:s19], [sflag:$0x1], $0x80, v4, vm0, $0xb8;
	[tilespmem:$0x10080] =	vst v63  }
0x66: {  	s19 =	simm.s32 $0xD880  }
0x67: {  	[hbm4b:s6+s2] =	stream.indirect_vreg.scatter [tilespmem:s19], [sflag:$0x1], $0x80, v4, vm0, $0xb8;
	[tilespmem:$0x10080] =	vst v63  }
0x68: {  	s19 =	simm.s32 $0xE080  }
0x69: {  	[hbm4b:s3+s2] =	stream.indirect_vreg.scatter [tilespmem:s19], [sflag:$0x1], $0x80, v3, vm0, $0xb8;
	[tilespmem:$0x10080] =	vst v63  }
0x6a: {  	s19 =	simm.s32 $0xE880  }
0x6b: {  	[hbm4b:s4+s2] =	stream.indirect_vreg.scatter [tilespmem:s19], [sflag:$0x1], $0x80, v3, vm0, $0xb8;
	[tilespmem:$0x10080] =	vst v63  }
0x6c: {  	s19 =	simm.s32 $0xF080  }
0x6d: {  	[hbm4b:s5+s2] =	stream.indirect_vreg.scatter [tilespmem:s19], [sflag:$0x1], $0x80, v3, vm0, $0xb8;
	[tilespmem:$0x10080] =	vst v63  }
0x6e: {  	s19 =	simm.s32 $0xF880  }
0x6f: {  	[hbm4b:s6+s2] =	stream.indirect_vreg.scatter [tilespmem:s19], [sflag:$0x1], $0x80, v3, vm0, $0xb8;
	[tilespmem:$0x10080] =	vst v63  }
0x70: {  	_ =	swait.ge [sflag:s18], $0x10000  }
0x71: {  	[sflag:s18] =	ssyncset.done $0x0  }
0x72: {  	s19 =	rddreg [dreg:$0x5];
	[sflag:s18] =	ssyncadd.s32 $0xFFFF0000  }
0x73: {  	[tilespmem:s2], [sflag:$0x2] =	stream.linear.gather [hbm4b:s19+s2], $0x40, $0x38;
	[tilespmem:$0x10080] =	vst v63  }
0x74: {  	_ =	swait.ge [sflag:s9], $0x40  }
0x75: {  	[sflag:s9] =	ssyncset.done $0x0  }
0x76: {  	[sflag:s9] =	ssyncadd.s32 $0xFFFFFFC0  }
0x77: {  	v3 =	vld [tilespmem:$0x0];
	_ =	sdelay $0x4  }
0x78: {  	v60 =	vshll.u32 v3, $0x3  }
0x79: {  	v3 =	vand.u32 $0x7, v3;
	v4 =	vand.u32 $0xFFFFFFC0, v60  }
0x7a: {  	v3 =	vor.u32 v3, v4  }
0x7b: {  	v4 =	vperm.xlane v3, v0;
	_ =	sdelay $0x1  }
0x7c: {  	v4 =	vadd.s32 v1, v4;
	_ =	sdelay $0x4  }
0x7d: {  	[hbm4b:s3+s2] =	stream.indirect_vreg.scatter [tilespmem:s0], [sflag:$0x1], $0x80, v4, vm0, $0xb8;
	[tilespmem:$0x10080] =	vst v63  }
0x7e: {  	v3 =	vperm.xlane v3, v2  }
0x7f: {  	[hbm4b:s4+s2] =	stream.indirect_vreg.scatter [tilespmem:s20], [sflag:$0x1], $0x80, v4, vm0, $0xb8;
	[tilespmem:$0x10080] =	vst v63  }
0x80: {  	v3 =	vadd.s32 v1, v3  }
0x81: {  	[hbm4b:s5+s2] =	stream.indirect_vreg.scatter [tilespmem:s21], [sflag:$0x1], $0x80, v4, vm0, $0xb8;
	[tilespmem:$0x10080] =	vst v63  }
0x82: {  	_ = 	snop  }
0x83: {  	[hbm4b:s6+s2] =	stream.indirect_vreg.scatter [tilespmem:s22], [sflag:$0x1], $0x80, v4, vm0, $0xb8;
	[tilespmem:$0x10080] =	vst v63  }
0x84: {  	_ = 	snop  }
0x85: {  	[hbm4b:s3+s2] =	stream.indirect_vreg.scatter [tilespmem:s23], [sflag:$0x1], $0x80, v3, vm0, $0xb8;
	[tilespmem:$0x10080] =	vst v63  }
0x86: {  	_ = 	snop  }
0x87: {  	[hbm4b:s4+s2] =	stream.indirect_vreg.scatter [tilespmem:s24], [sflag:$0x1], $0x80, v3, vm0, $0xb8;
	[tilespmem:$0x10080] =	vst v63  }
0x88: {  	_ = 	snop  }
0x89: {  	[hbm4b:s5+s2] =	stream.indirect_vreg.scatter [tilespmem:s25], [sflag:$0x1], $0x80, v3, vm0, $0xb8;
	[tilespmem:$0x10080] =	vst v63  }
0x8a: {  	_ = 	snop  }
0x8b: {  	[hbm4b:s6+s2] =	stream.indirect_vreg.scatter [tilespmem:s26], [sflag:$0x1], $0x80, v3, vm0, $0xb8;
	[tilespmem:$0x10080] =	vst v63  }
0x8c: {  	v3 =	vld [tilespmem:$0x10];
	_ =	sdelay $0x4  }
0x8d: {  	v61 =	vshll.u32 v3, $0x3  }
0x8e: {  	v3 =	vand.u32 $0x7, v3;
	v4 =	vand.u32 $0xFFFFFFC0, v61  }
0x8f: {  	v3 =	vor.u32 v3, v4  }
0x90: {  	v4 =	vperm.xlane v3, v0;
	_ =	sdelay $0x1  }
0x91: {  	v4 =	vadd.s32 v1, v4;
	_ =	sdelay $0x4  }
0x92: {  	[hbm4b:s3+s2] =	stream.indirect_vreg.scatter [tilespmem:s28], [sflag:$0x1], $0x80, v4, vm0, $0xb8;
	[tilespmem:$0x10080] =	vst v63  }
0x93: {  	v3 =	vperm.xlane v3, v2  }
0x94: {  	[hbm4b:s4+s2] =	stream.indirect_vreg.scatter [tilespmem:s29], [sflag:$0x1], $0x80, v4, vm0, $0xb8;
	[tilespmem:$0x10080] =	vst v63  }
0x95: {  	v3 =	vadd.s32 v1, v3  }
0x96: {  	[hbm4b:s5+s2] =	stream.indirect_vreg.scatter [tilespmem:s30], [sflag:$0x1], $0x80, v4, vm0, $0xb8;
	[tilespmem:$0x10080] =	vst v63  }
0x97: {  	_ = 	snop  }
0x98: {  	[hbm4b:s6+s2] =	stream.indirect_vreg.scatter [tilespmem:s31], [sflag:$0x1], $0x80, v4, vm0, $0xb8;
	[tilespmem:$0x10080] =	vst v63  }
0x99: {  	_ = 	snop  }
0x9a: {  	[hbm4b:s3+s2] =	stream.indirect_vreg.scatter [tilespmem:s1], [sflag:$0x1], $0x80, v3, vm0, $0xb8;
	[tilespmem:$0x10080] =	vst v63  }
0x9b: {  	s19 =	simm.s32 $0x6880  }
0x9c: {  	[hbm4b:s4+s2] =	stream.indirect_vreg.scatter [tilespmem:s19], [sflag:$0x1], $0x80, v3, vm0, $0xb8;
	[tilespmem:$0x10080] =	vst v63  }
0x9d: {  	_ = 	snop  }
0x9e: {  	[hbm4b:s5+s2] =	stream.indirect_vreg.scatter [tilespmem:s10], [sflag:$0x1], $0x80, v3, vm0, $0xb8;
	[tilespmem:$0x10080] =	vst v63  }
0x9f: {  	_ = 	snop  }
0xa0: {  	[hbm4b:s6+s2] =	stream.indirect_vreg.scatter [tilespmem:s11], [sflag:$0x1], $0x80, v3, vm0, $0xb8;
	[tilespmem:$0x10080] =	vst v63  }
0xa1: {  	v3 =	vld [tilespmem:$0x20];
	_ =	sdelay $0x4  }
0xa2: {  	v62 =	vshll.u32 v3, $0x3  }
0xa3: {  	v3 =	vand.u32 $0x7, v3;
	v4 =	vand.u32 $0xFFFFFFC0, v62  }
0xa4: {  	v3 =	vor.u32 v3, v4  }
0xa5: {  	v4 =	vperm.xlane v3, v0;
	_ =	sdelay $0x1  }
0xa6: {  	v4 =	vadd.s32 v1, v4;
	_ =	sdelay $0x4  }
0xa7: {  	[hbm4b:s3+s2] =	stream.indirect_vreg.scatter [tilespmem:s12], [sflag:$0x1], $0x80, v4, vm0, $0xb8;
	[tilespmem:$0x10080] =	vst v63  }
0xa8: {  	v3 =	vperm.xlane v3, v2  }
0xa9: {  	[hbm4b:s4+s2] =	stream.indirect_vreg.scatter [tilespmem:s13], [sflag:$0x1], $0x80, v4, vm0, $0xb8;
	[tilespmem:$0x10080] =	vst v63  }
0xaa: {  	v3 =	vadd.s32 v1, v3  }
0xab: {  	[hbm4b:s5+s2] =	stream.indirect_vreg.scatter [tilespmem:s14], [sflag:$0x1], $0x80, v4, vm0, $0xb8;
	[tilespmem:$0x10080] =	vst v63  }
0xac: {  	_ = 	snop  }
0xad: {  	[hbm4b:s6+s2] =	stream.indirect_vreg.scatter [tilespmem:s15], [sflag:$0x1], $0x80, v4, vm0, $0xb8;
	[tilespmem:$0x10080] =	vst v63  }
0xae: {  	_ = 	snop  }
0xaf: {  	[hbm4b:s3+s2] =	stream.indirect_vreg.scatter [tilespmem:s16], [sflag:$0x1], $0x80, v3, vm0, $0xb8;
	[tilespmem:$0x10080] =	vst v63  }
0xb0: {  	_ = 	snop  }
0xb1: {  	[hbm4b:s4+s2] =	stream.indirect_vreg.scatter [tilespmem:s17], [sflag:$0x1], $0x80, v3, vm0, $0xb8;
	[tilespmem:$0x10080] =	vst v63  }
0xb2: {  	_ = 	snop  }
0xb3: {  	[hbm4b:s5+s2] =	stream.indirect_vreg.scatter [tilespmem:s8], [sflag:$0x1], $0x80, v3, vm0, $0xb8;
	[tilespmem:$0x10080] =	vst v63  }
0xb4: {  	s19 =	simm.s32 $0xB880  }
0xb5: {  	[hbm4b:s6+s2] =	stream.indirect_vreg.scatter [tilespmem:s19], [sflag:$0x1], $0x80, v3, vm0, $0xb8;
	[tilespmem:$0x10080] =	vst v63  }
0xb6: {  	v3 =	vld [tilespmem:$0x30];
	_ =	sdelay $0x4  }
0xb7: {  	v63 =	vshll.u32 v3, $0x3  }
0xb8: {  	v3 =	vand.u32 $0x7, v3;
	v4 =	vand.u32 $0xFFFFFFC0, v63  }
0xb9: {  	v3 =	vor.u32 v3, v4  }
0xba: {  	v4 =	vperm.xlane v3, v0;
	_ =	sdelay $0x1  }
0xbb: {  	v4 =	vadd.s32 v1, v4;
	_ =	sdelay $0x3  }
0xbc: {  	s8 =	simm.s32 $0xC080  }
0xbd: {  	[hbm4b:s3+s2] =	stream.indirect_vreg.scatter [tilespmem:s8], [sflag:$0x1], $0x80, v4, vm0, $0xb8;
	[tilespmem:$0x10080] =	vst v63  }
0xbe: {  	s19 =	simm.s32 $0xC880;
	v3 =	vperm.xlane v3, v2  }
0xbf: {  	[hbm4b:s4+s2] =	stream.indirect_vreg.scatter [tilespmem:s19], [sflag:$0x1], $0x80, v4, vm0, $0xb8;
	[tilespmem:$0x10080] =	vst v63  }
0xc0: {  	v3 =	vadd.s32 v1, v3;
	s8 =	simm.s32 $0xD080  }
0xc1: {  	[hbm4b:s5+s2] =	stream.indirect_vreg.scatter [tilespmem:s8], [sflag:$0x1], $0x80, v4, vm0, $0xb8;
	[tilespmem:$0x10080] =	vst v63  }
0xc2: {  	s19 =	simm.s32 $0xD880  }
0xc3: {  	[hbm4b:s6+s2] =	stream.indirect_vreg.scatter [tilespmem:s19], [sflag:$0x1], $0x80, v4, vm0, $0xb8;
	[tilespmem:$0x10080] =	vst v63  }
0xc4: {  	s8 =	simm.s32 $0xE080  }
0xc5: {  	[hbm4b:s3+s2] =	stream.indirect_vreg.scatter [tilespmem:s8], [sflag:$0x1], $0x80, v3, vm0, $0xb8;
	[tilespmem:$0x10080] =	vst v63  }
0xc6: {  	s19 =	simm.s32 $0xE880  }
0xc7: {  	[hbm4b:s4+s2] =	stream.indirect_vreg.scatter [tilespmem:s19], [sflag:$0x1], $0x80, v3, vm0, $0xb8;
	[tilespmem:$0x10080] =	vst v63  }
0xc8: {  	p0 =	sne.s32 s7, $0x1;
	s8 =	simm.s32 $0xF080  }
0xc9: {  	[hbm4b:s5+s2] =	stream.indirect_vreg.scatter [tilespmem:s8], [sflag:$0x1], $0x80, v3, vm0, $0xb8;
	[tilespmem:$0x10080] =	vst v63  }
.Ltmp0:
0xca: {  	s19 =	simm.s32 $0xF880;
	(pc) =	sbr.rel @p0 .LBB2_1-.Ltmp0, $4  }
0xcb: {  	[hbm4b:s6+s2] =	stream.indirect_vreg.scatter [tilespmem:s19], [sflag:$0x1], $0x80, v3, vm0, $0xb8;
	[tilespmem:$0x10080] =	vst v63  }
0xcc: {  	_ =	swait.ge [sflag:s18], $0x10000  }
0xcd: {  	[sflag:s18] =	ssyncset.done $0x0  }
0xce: {  	s7 =	sadd.s32 $0xFFFFFFFF, s7;
	[sflag:s18] =	ssyncadd.s32 $0xFFFF0000  }
0xcf: {  	_ =	sfence.sel $0x180000  }
0xd0: {  	[bflag:$0x0] =	sbarrier.arrive $0xFFFF  }
0xd1: {  	_ =	strace $0x90000047  }
0xd2: {  	s0 =	stileid.u32;
	[bflag:$0x2] =	sbarrier.arrive $0xFFFF  }
0xd3: {  	p0 =	sne.s32 s0, $0x0;
	s0 =	rddreg [dreg:$0x2]  }
0xd4: {  	s0 =	sadd.s32 @!p0 $0x100000, s0  }
0xd5: {  	[sflag:s0] =	ssyncadd.tile.s32 @!p0 $0x1;
	_ =	shalt  }
.Lfunc_end2:
_tile_overlayer_lowered:
.L_overlay_start_2:
0xd6: {  	(tag) =	ssettag $0x2  }
0xd7: {  	s0 =	rddreg [dreg:$0x0];
	s2 =	stileid.u32  }
0xd8: {  	s1 =	rddreg [dreg:$0x1];
	p0 =	sne.s32 s2, $0x0  }
0xd9: {  	s3 =	rddreg [dreg:$0x2];
	[bflag:$0x3] =	sbarrier.arrive $0xFFFF;
	s2 =	simm.s32 @!p0 $0x1C02  }
0xda: {  	[timem:s3], [sflag:s2] =	dma.local @!p0 [hbm:s0], s1  }
0xdb: {  	s0 =	simm.s32 @!p0 $0x2  }
0xdc: {  	_ =	swait.ge @!p0 [sflag:s0], s1  }
0xdd: {  	s1 =	ssub.s32 @!p0 $0x0, s1;
	[sflag:s0] =	ssyncset.done @!p0 $0x0  }
0xde: {  	[sflag:s0] =	ssyncadd.s32 @!p0 s1  }
0xdf: {  	[bflag:$0x3] =	sbarrier.arrive $0xFFFF  }
0xe0: {  	_ =	shalt  }

// kernel: _block.13.cloned.1.call-start
scs
__scs_entry_jumppad:
0x0: {  	(pc) =	sbr.rel $0x88, $3  }
0x1: {  	(tag) =	ssettag $0x0;
	lr =	simm.s32 $0x1  }
0x2: {  	[smem:$0x3F95] =	sst lr;
	_ =	strace $0xD0000000  }
0x3: {  	_ = 	snop  }
0x4: {  	_ = 	snop  }
0x5: {  	_ = 	snop  }
0x6: {  	_ = 	snop  }
0x7: {  	_ = 	snop  }
__scs_overlays_trampoline_lowered:
0x8: {  	[smem:$0x3FA4] =	sst s0  }
0x9: {  	[smem:$0x3FA5] =	sst s1  }
0xa: {  	[smem:$0x3FA6] =	sst s2  }
0xb: {  	[smem:$0x3FA7] =	sst s3  }
0xc: {  	[smem:$0x3FA8] =	sst s4  }
0xd: {  	[smem:$0x3FA9] =	sst s5  }
0xe: {  	[smem:$0x3FAA] =	sst s6  }
0xf: {  	[smem:$0x3FAB] =	sst s7  }
0x10: {  	[smem:$0x3FAC] =	sst s8  }
0x11: {  	[smem:$0x3FAD] =	sst s9;
	s0 =	simm.s32 @!p0 $0x0  }
0x12: {  	s1 =	sld [smem:$0x3F93];
	s0 =	simm.s32 @p0 $0x1  }
0x13: {  	[smem:$0x3FAE] =	sst s0;
	s0 =	simm.s32 @!p1 $0x0  }
0x14: {  	s2 =	sld [smem:$0x3F92];
	s0 =	simm.s32 @p1 $0x1  }
0x15: {  	[smem:$0x3FAF] =	sst s0;
	s0 =	simm.s32 @!p2 $0x0  }
0x16: {  	s3 =	sld [smem:$0x3FDB];
	s0 =	simm.s32 @p2 $0x1  }
0x17: {  	s4 =	simm.s32 $0x1BF5;
	[smem:$0x3FB1] =	sst s0  }
0x18: {  	s0 =	sld [smem:$0x3F94];
	_ =	swait.ge [sflag:s4], $0x0  }
0x19: {  	s7 =	sld [smem:$0x3F95]  }
0x1a: {  	s8 =	sadd.s32 $0xFFFFE003, lr  }
0x1b: {  	s9 =	sadd.s32 $0xFFFFFEF7, lr;
	s5 =	simm.s32 $0xFFFFFFFF;
	p2 =	slt.u32 s8, $0xFFFFF086  }
0x1c: {  	p1 =	slt.u32 s9, $0xF7A;
	s5 =	simm.s32 @!p2 $0x0  }
0x1d: {  	s5 =	simm.s32 @p1 $0x1;
	p0 =	seq.s32 s7, s2  }
0x1e: {  	s7 =	smul.u32 @!p0 $0xF7A, s2;
	p2 =	seq.s32 @!p0 s5, $0x0  }
0x1f: {  	s9 =	smul.u32 $0xF7A, s1;
	s8 =	simm.s32 @!p0 $0x1BF5;
	p2 =	por !p2, p0  }
0x20: {  	[sflag:s8] =	ssyncset.s32 @!p0 $0xFFFFF086;
	s6 =	sadd.s32 @!p0 s3, s7;
	s7 =	simm.s32 @!p0 $0x108  }
0x21: {  	s3 =	sadd.s32 s3, s9;
	s6 =	sadd.s32 @!p0 $0x88, s6;
	s7 =	simm.s32 @p2 $0x1082  }
0x22: {  	[simem:s7], [sflag:s8] =	dma.local @!p0 [hbm:s6], $0xF7A  }
0x23: {  	s9 =	sor.u32 $0xD0000000, s2;
	s6 =	simm.s32 $0x108;
	_ =	swait.ge @!p0 [sflag:s8], $0x0  }
0x24: {  	s3 =	sadd.s32 $0x88, s3;
	s6 =	simm.s32 @!p1 $0x1082;
	[sflag:s4] =	ssyncset.s32 $0xFFFFF086  }
0x25: {  	[simem:s6], [sflag:s4] =	dma.local [hbm:s3], $0xF7A  }
0x26: {  	[smem:$0x3F95] =	sst s1;
	(tag) =	ssettag s2;
	_ =	strace s9  }
0x27: {  	s1 =	sld [smem:$0x3FA5]  }
0x28: {  	s2 =	sld [smem:$0x3FA6]  }
0x29: {  	s4 =	sld [smem:$0x3FA8]  }
0x2a: {  	p0 =	seq.s32 s5, $0x0;
	s5 =	sld [smem:$0x3FA9]  }
0x2b: {  	s6 =	sld [smem:$0x3FAA]  }
0x2c: {  	s7 =	sld [smem:$0x3FAB]  }
0x2d: {  	s3 =	simm.s32 $0x108;
	s8 =	sld [smem:$0x3FAC]  }
0x2e: {  	s3 =	simm.s32 @!p0 $0x1082;
	s9 =	sld [smem:$0x3FAD]  }
0x2f: {  	lr =	sadd.s32 s0, s3;
	s0 =	sld [smem:$0x3FA4]  }
0x30: {  	s3 =	sld [smem:$0x3FA7]  }
0x31: {  	[smem:$0x3FB0] =	sst s10  }
0x32: {  	s10 =	sld [smem:$0x3FAE];
	_ =	sdelay $0x3  }
0x33: {  	p0 =	seq.s32 s10, $0x1;
	s10 =	sld [smem:$0x3FB0];
	_ =	sdelay $0x3  }
0x34: {  	[smem:$0x3FB0] =	sst s10  }
0x35: {  	s10 =	sld [smem:$0x3FAF];
	_ =	sdelay $0x3  }
0x36: {  	p1 =	seq.s32 s10, $0x1;
	s10 =	sld [smem:$0x3FB0];
	_ =	sdelay $0x3  }
0x37: {  	[smem:$0x3FB0] =	sst s10  }
0x38: {  	s10 =	sld [smem:$0x3FB1]  }
0x39: {  	_ = 	snop;
	(pc) =	sbr.ind lr, $3  }
0x3a: {  	_ = 	snop  }
0x3b: {  	_ = 	snop  }
0x3c: {  	p2 =	seq.s32 s10, $0x1;
	s10 =	sld [smem:$0x3FB0]  }
0x3d: {  	_ =	shalt  }
0x3e: {  	_ =	shalt  }
0x3f: {  	_ =	shalt  }
0x40: {  	_ =	shalt  }
0x41: {  	_ =	shalt  }
0x42: {  	_ =	shalt  }
0x43: {  	_ =	shalt  }
0x44: {  	_ =	shalt  }
0x45: {  	_ =	shalt  }
0x46: {  	_ =	shalt  }
0x47: {  	_ =	shalt  }
0x48: {  	_ =	shalt  }
0x49: {  	_ =	shalt  }
0x4a: {  	_ =	shalt  }
0x4b: {  	_ =	shalt  }
0x4c: {  	_ =	shalt  }
0x4d: {  	_ =	shalt  }
0x4e: {  	_ =	shalt  }
0x4f: {  	_ =	shalt  }
0x50: {  	_ =	shalt  }
0x51: {  	_ =	shalt  }
0x52: {  	_ =	shalt  }
0x53: {  	_ =	shalt  }
0x54: {  	_ =	shalt  }
0x55: {  	_ =	shalt  }
0x56: {  	_ =	shalt  }
0x57: {  	_ =	shalt  }
0x58: {  	_ =	shalt  }
0x59: {  	_ =	shalt  }
0x5a: {  	_ =	shalt  }
0x5b: {  	_ =	shalt  }
0x5c: {  	_ =	shalt  }
0x5d: {  	_ =	shalt  }
0x5e: {  	_ =	shalt  }
0x5f: {  	_ =	shalt  }
0x60: {  	_ =	shalt  }
0x61: {  	_ =	shalt  }
0x62: {  	_ =	shalt  }
0x63: {  	_ =	shalt  }
0x64: {  	_ =	shalt  }
0x65: {  	_ =	shalt  }
0x66: {  	_ =	shalt  }
0x67: {  	_ =	shalt  }
0x68: {  	_ =	shalt  }
0x69: {  	_ =	shalt  }
0x6a: {  	_ =	shalt  }
0x6b: {  	_ =	shalt  }
0x6c: {  	_ =	shalt  }
0x6d: {  	_ =	shalt  }
0x6e: {  	_ =	shalt  }
0x6f: {  	_ =	shalt  }
0x70: {  	_ =	shalt  }
0x71: {  	_ =	shalt  }
0x72: {  	_ =	shalt  }
0x73: {  	_ =	shalt  }
0x74: {  	_ =	shalt  }
0x75: {  	_ =	shalt  }
0x76: {  	_ =	shalt  }
0x77: {  	_ =	shalt  }
0x78: {  	_ =	shalt  }
0x79: {  	_ =	shalt  }
0x7a: {  	_ =	shalt  }
0x7b: {  	_ =	shalt  }
0x7c: {  	_ =	shalt  }
0x7d: {  	_ =	shalt  }
0x7e: {  	_ =	shalt  }
0x7f: {  	_ =	shalt  }
0x80: {  	_ =	shalt  }
0x81: {  	_ =	shalt  }
0x82: {  	_ =	shalt  }
0x83: {  	_ =	shalt  }
0x84: {  	_ =	shalt  }
0x85: {  	_ =	shalt  }
0x86: {  	_ =	shalt  }
0x87: {  	_ =	shalt  }
.Lfunc_end0:
.L_simem_size_0:
called_computation.1_lowered:
.L_overlay_start_0:
0x88: {  	s2 =	sld [smem:$0x3FD9]  }
0x89: {  	s3 =	sld [smem:$0x3FFE];
	_ =	sdelay $0x1  }
0x8a: {  	s1 =	srdreg.scid  }
0x8b: {  	s0 =	sand.u32 $0x1, s1  }
0x8c: {  	s14 =	sshll.u32 s0, $0xA;
	s2 =	sadd.s32 s3, s2  }
0x8d: {  	s2 =	sadd.s32 s2, s14  }
0x8e: {  	[smem:$0x3FBC] =	sst s2  }
0x8f: {  	_ = 	snop  }
0x90: {  	s2 =	sld [smem:$0x3FD0];
	_ =	sdelay $0x2  }
0x91: {  	s15 =	simm.s32 $0xA;
	s4 =	simm.s32 $0x10  }
0x92: {  	[smem:s4], [sflag:s15] =	dma.local [hbm:s2], $0x1  }
0x93: {  	_ =	swait.eq [sflag:s15], $0x1  }
0x94: {  	[sflag:s15] =	ssyncset.done $0x0  }
0x95: {  	[sflag:s15] =	ssyncadd.s32 $0xFFFFFFFF  }
0x96: {  	s16 =	sld [smem:$0x10];
	(tm) =	ssettm $0x1  }
0x97: {  	s17 =	sld [smem:$0x3FFB];
	_ =	sdelay $0x3  }
0x98: {  	_ =	strace s17  }
0x99: {  	s3 =	sld [smem:$0x3FFC];
	_ =	sdelay $0x3  }
0x9a: {  	_ =	strace s3  }
0x9b: {  	s3 =	sld [smem:$0x3FFD];
	_ =	sdelay $0x3  }
0x9c: {  	_ =	strace s3  }
0x9d: {  	_ =	strace $0x8FFFFFFF  }
0x9e: {  	s18 =	sld [smem:$0x3FDB];
	_ =	sdelay $0x1  }
0x9f: {  	s19 =	simm.s32 $_scs_section_size  }
0xa0: {  	s5 =	simm.s32 $_size__tile_overlayer_lowered;
	s6 =	simm.s32 $_tile_overlayer_lowered  }
0xa1: {  	s22 =	simm.s32 $0x1BFF;
	s21 =	sshll.u32 s6, $0x1;
	s3 =	sadd.s32 s19, s18  }
0xa2: {  	s7 =	simm.s32 $0x0;
	s20 =	sshll.u32 s5, $0x1;
	s5 =	sadd.s32 s21, s3  }
0xa3: {  	[timem:s7], [sflag:s22] =	dma.local [hbm:s5], s20  }
0xa4: {  	_ =	swait.ge [sflag:s22], s20  }
0xa5: {  	s4 =	ssub.s32 $0x0, s20;
	[sflag:s22] =	ssyncset.done $0x0  }
0xa6: {  	[sflag:s22] =	ssyncadd.s32 s4;
	_ =	sdelay $0x1  }
0xa7: {  	s23 =	simm.s32 $0x1B8B  }
0xa8: {  	_ =	swait.ge [sflag:s23], $0x1  }
0xa9: {  	[sflag:s23] =	ssyncset.done $0x0  }
0xaa: {  	s25 =	simm.s32 $0x1B8E;
	s24 =	sld [smem:$0x3FFE];
	[sflag:s23] =	ssyncadd.s32 $0xFFFFFFFF  }
0xab: {  	s26 =	simm.s32 $execute0_lowered;
	[smem:$0x3FD2] =	sst s25  }
0xac: {  	s5 =	sshll.u32 s26, $0x1;
	_ =	strace $0x80000049;
	[dreg:$0x1] =	wrdreg $0xFFFFFFFF  }
0xad: {  	s28 =	simm.s32 $_size_execute0_lowered;
	s3 =	sadd.s32 s3, s5;
	[dreg:$0x0] =	wrdreg $0x0  }
0xae: {  	s5 =	sshll.u32 s28, $0x1;
	[dreg:$0x2] =	wrdreg s3  }
0xaf: {  	[dreg:$0x3] =	wrdreg s5  }
0xb0: {  	[dreg:$0x4] =	wrdreg $0xC0  }
0xb1: {  	_ =	task [dreg:s7], $0x5FFFF  }
0xb2: {  	[dreg:$0x1] =	wrdreg $0xFFFFFFFF  }
0xb3: {  	[dreg:$0x0] =	wrdreg $0x60  }
0xb4: {  	[dreg:$0x2] =	wrdreg s24  }
0xb5: {  	[dreg:$0x3] =	wrdreg s16  }
0xb6: {  	[dreg:$0x4] =	wrdreg $0x9  }
0xb7: {  	_ =	task.clear_ibuf [dreg:s7], $0x5FFFF;
	_ =	strace $0x90000049  }
0xb8: {  	s29 =	simm.s32 $0x9;
	_ =	strace $0x8000004B  }
0xb9: {  	_ =	swait.ge [sflag:s29], $0x1  }
0xba: {  	[sflag:s29] =	ssyncadd.s32 $0xFFFFFFFF  }
0xbb: {  	_ =	strace $0x9000004B  }
0xbc: {  	_ =	sfence  }
0xbd: {  	s30 =	sld [smem:$0x0];
	_ =	sdelay $0x2  }
0xbe: {  	s31 =	sshll.u32 s1, $0xD;
	s1 =	sshrl.u32 s1, $0x2  }
0xbf: {  	s3 =	sand.u32 $0x4000, s31;
	s1 =	sadd.s32 s1, s30  }
0xc0: {  	s0 =	sor.u32 s3, s0;
	s1 =	sshll.u32 s1, $0x11  }
0xc1: {  	s0 =	sor.u32 s1, s0  }
0xc2: {  	s0 =	sadd.s32 $0x8F2B, s0  }
0xc3: {  	[sflag:s0] =	ssyncadd.remote.s32 $0x1  }
0xc4: {  	_ =	sfence.sel $0xFFFF  }
0xc5: {  	[dreg:$0x0] =	wrdreg $0xFFFFFFFF;
	(pc) =	sbr.abs _section_cstart, $3  }
0xc6: {  	[dreg:$0x1] =	wrdreg $0xFFFFFFFF  }
0xc7: {  	_ =	task.clear_ibuf [dreg:s7], $0x2FFFF;
	_ =	strace $0x9FFFFFFF  }
0xc8: {  	(tm) =	ssettm $0x7FFFFFFF  }
0xc9: {  	_ =	shalt  }
tec
execute0_lowered:
.L_overlay_start_1:
0x0: {  	(tag) =	ssettag $0x1  }
0x1: {  	s0 =	rddreg [dreg:$0x0]  }
0x2: {  	s1 =	rddreg [dreg:$0x1];
	s3 =	srdreg.scid  }
0x3: {  	s2 =	simm.s32 $0x0;
	s5 =	stileid.u32;
	s18 =	simm.s32 $0x1  }
0x4: {  	s20 =	simm.s32 $0x880;
	s21 =	simm.s32 $0x1080;
	s28 =	simm.s32 $0x4080  }
0x5: {  	s29 =	simm.s32 $0x4880;
	s30 =	simm.s32 $0x5080;
	s31 =	simm.s32 $0x5880  }
0x6: {  	s10 =	simm.s32 $0x7080;
	s11 =	simm.s32 $0x7880;
	s12 =	simm.s32 $0x8080  }
0x7: {  	s13 =	simm.s32 $0x8880;
	s14 =	simm.s32 $0x9080;
	s15 =	simm.s32 $0x9880  }
0x8: {  	s16 =	simm.s32 $0xA080;
	s17 =	simm.s32 $0xA880;
	s9 =	simm.s32 $0xB080  }
0x9: {  	s4 =	sand.u32 $0x1, s3;
	[smem:$0x7FF] =	sst s2;
	s22 =	sshll.u32 s5, $0x7  }
0xa: {  	s3 =	sadd.s32 $0x212400, s0;
	s23 =	sshll.u32 s4, $0x6;
	s4 =	ssub.s32 $0x2, s4  }
0xb: {  	_ =	strace $0x8000004A;
	s5 =	sor.u32 s23, s22;
	s7 =	sshrl.u32 s4, $0x1  }
0xc: {  	s22 =	simm.s32 $0x1880;
	s23 =	simm.s32 $0x2080;
	s6 =	sshrl.u32 s5, $0x3  }
0xd: {  	s5 =	sshll.u32 s5, $0x7;
	s7 =	ssub.s32 s4, s7;
	s4 =	sadd.s32 $0x212500, s0  }
0xe: {  	s6 =	sadd.s32 s6, s0;
	s8 =	sadd.s32 s5, s0;
	s1 =	sadd.s32 s1, s5  }
0xf: {  	s5 =	sadd.s32 $0x212600, s0;
	s24 =	sadd.s32 $0x92000, s6;
	[dreg:$0x4] =	wrdreg s1  }
0x10: {  	s7 =	smax.u32 s7, $0x1;
	s25 =	sadd.s32 $0x92200, s6;
	[dreg:$0x3] =	wrdreg s24  }
0x11: {  	v2 =	vlaneseq.u32;
	s6 =	sadd.s32 $0x212700, s0;
	s26 =	sadd.s32 $0x92400, s8;
	[dreg:$0x5] =	wrdreg s25  }
0x12: {  	vm0 =	vmmov $0xffff;
	v1 =	vshrl.u32 v2, $0x3;
	s8 =	simm.s32 $0x2;
	s0 =	simm.s32 $0x80;
	[dreg:$0x6] =	wrdreg s26  }
0x13: {  	v0 =	vand.u32 $0x7, v2;
	v2 =	vor.u32 $0x8, v2;
	v1 =	vmul.u32 $0x8, v1;
	s24 =	simm.s32 $0x2880;
	s25 =	simm.s32 $0x3080;
	s26 =	simm.s32 $0x3880  }
.LBB2_1:
0x14: {  	s19 =	rddreg [dreg:$0x3]  }
0x15: {  	[tilespmem:s2], [sflag:$0x2] =	stream.linear.gather [hbm4b:s19+s2], $0x40, $0x38;
	[tilespmem:$0x10080] =	vst v63  }
0x16: {  	_ =	swait.ge [sflag:s8], $0x40  }
0x17: {  	[sflag:s8] =	ssyncset.done $0x0  }
0x18: {  	[sflag:s8] =	ssyncadd.s32 $0xFFFFFFC0  }
0x19: {  	v3 =	vld [tilespmem:$0x0];
	_ =	sdelay $0x4  }
0x1a: {  	v4 =	vshll.u32 v3, $0x3  }
0x1b: {  	v3 =	vand.u32 $0x7, v3;
	v4 =	vand.u32 $0xFFFFFFC0, v4  }
0x1c: {  	v3 =	vor.u32 v3, v4  }
0x1d: {  	v4 =	vperm.xlane v3, v0;
	_ =	sdelay $0x1  }
0x1e: {  	v4 =	vadd.s32 v1, v4;
	_ =	sdelay $0x4  }
0x1f: {  	[tilespmem:s0], [sflag:$0x1] =	stream.indirect_vreg.gather [hbm4b:s3+s2], $0x80, v4, vm0, $0xb8;
	[tilespmem:$0x10080] =	vst v63  }
0x20: {  	v3 =	vperm.xlane v3, v2  }
0x21: {  	[tilespmem:s20], [sflag:$0x1] =	stream.indirect_vreg.gather [hbm4b:s4+s2], $0x80, v4, vm0, $0xb8;
	[tilespmem:$0x10080] =	vst v63  }
0x22: {  	v3 =	vadd.s32 v1, v3  }
0x23: {  	[tilespmem:s21], [sflag:$0x1] =	stream.indirect_vreg.gather [hbm4b:s5+s2], $0x80, v4, vm0, $0xb8;
	[tilespmem:$0x10080] =	vst v63  }
0x24: {  	_ = 	snop  }
0x25: {  	[tilespmem:s22], [sflag:$0x1] =	stream.indirect_vreg.gather [hbm4b:s6+s2], $0x80, v4, vm0, $0xb8;
	[tilespmem:$0x10080] =	vst v63  }
0x26: {  	_ = 	snop  }
0x27: {  	[tilespmem:s23], [sflag:$0x1] =	stream.indirect_vreg.gather [hbm4b:s3+s2], $0x80, v3, vm0, $0xb8;
	[tilespmem:$0x10080] =	vst v63  }
0x28: {  	_ = 	snop  }
0x29: {  	[tilespmem:s24], [sflag:$0x1] =	stream.indirect_vreg.gather [hbm4b:s4+s2], $0x80, v3, vm0, $0xb8;
	[tilespmem:$0x10080] =	vst v63  }
0x2a: {  	_ = 	snop  }
0x2b: {  	[tilespmem:s25], [sflag:$0x1] =	stream.indirect_vreg.gather [hbm4b:s5+s2], $0x80, v3, vm0, $0xb8;
	[tilespmem:$0x10080] =	vst v63  }
0x2c: {  	_ = 	snop  }
0x2d: {  	[tilespmem:s26], [sflag:$0x1] =	stream.indirect_vreg.gather [hbm4b:s6+s2], $0x80, v3, vm0, $0xb8;
	[tilespmem:$0x10080] =	vst v63  }
0x2e: {  	v3 =	vld [tilespmem:$0x10];
	_ =	sdelay $0x4  }
0x2f: {  	v57 =	vshll.u32 v3, $0x3  }
0x30: {  	v3 =	vand.u32 $0x7, v3;
	v4 =	vand.u32 $0xFFFFFFC0, v57  }
0x31: {  	v3 =	vor.u32 v3, v4  }
0x32: {  	v4 =	vperm.xlane v3, v0;
	_ =	sdelay $0x1  }
0x33: {  	v4 =	vadd.s32 v1, v4;
	_ =	sdelay $0x4  }
0x34: {  	[tilespmem:s28], [sflag:$0x1] =	stream.indirect_vreg.gather [hbm4b:s3+s2], $0x80, v4, vm0, $0xb8;
	[tilespmem:$0x10080] =	vst v63  }
0x35: {  	v3 =	vperm.xlane v3, v2  }
0x36: {  	[tilespmem:s29], [sflag:$0x1] =	stream.indirect_vreg.gather [hbm4b:s4+s2], $0x80, v4, vm0, $0xb8;
	[tilespmem:$0x10080] =	vst v63  }
0x37: {  	v3 =	vadd.s32 v1, v3  }
0x38: {  	[tilespmem:s30], [sflag:$0x1] =	stream.indirect_vreg.gather [hbm4b:s5+s2], $0x80, v4, vm0, $0xb8;
	[tilespmem:$0x10080] =	vst v63  }
0x39: {  	_ = 	snop  }
0x3a: {  	[tilespmem:s31], [sflag:$0x1] =	stream.indirect_vreg.gather [hbm4b:s6+s2], $0x80, v4, vm0, $0xb8;
	[tilespmem:$0x10080] =	vst v63  }
0x3b: {  	s1 =	simm.s32 $0x6080  }
0x3c: {  	[tilespmem:s1], [sflag:$0x1] =	stream.indirect_vreg.gather [hbm4b:s3+s2], $0x80, v3, vm0, $0xb8;
	[tilespmem:$0x10080] =	vst v63  }
0x3d: {  	s1 =	simm.s32 $0x6880  }
0x3e: {  	[tilespmem:s1], [sflag:$0x1] =	stream.indirect_vreg.gather [hbm4b:s4+s2], $0x80, v3, vm0, $0xb8;
	[tilespmem:$0x10080] =	vst v63  }
0x3f: {  	_ = 	snop  }
0x40: {  	[tilespmem:s10], [sflag:$0x1] =	stream.indirect_vreg.gather [hbm4b:s5+s2], $0x80, v3, vm0, $0xb8;
	[tilespmem:$0x10080] =	vst v63  }
0x41: {  	_ = 	snop  }
0x42: {  	[tilespmem:s11], [sflag:$0x1] =	stream.indirect_vreg.gather [hbm4b:s6+s2], $0x80, v3, vm0, $0xb8;
	[tilespmem:$0x10080] =	vst v63  }
0x43: {  	v3 =	vld [tilespmem:$0x20];
	_ =	sdelay $0x4  }
0x44: {  	v58 =	vshll.u32 v3, $0x3  }
0x45: {  	v3 =	vand.u32 $0x7, v3;
	v4 =	vand.u32 $0xFFFFFFC0, v58  }
0x46: {  	v3 =	vor.u32 v3, v4  }
0x47: {  	v4 =	vperm.xlane v3, v0;
	_ =	sdelay $0x1  }
0x48: {  	v4 =	vadd.s32 v1, v4;
	_ =	sdelay $0x4  }
0x49: {  	[tilespmem:s12], [sflag:$0x1] =	stream.indirect_vreg.gather [hbm4b:s3+s2], $0x80, v4, vm0, $0xb8;
	[tilespmem:$0x10080] =	vst v63  }
0x4a: {  	v3 =	vperm.xlane v3, v2  }
0x4b: {  	[tilespmem:s13], [sflag:$0x1] =	stream.indirect_vreg.gather [hbm4b:s4+s2], $0x80, v4, vm0, $0xb8;
	[tilespmem:$0x10080] =	vst v63  }
0x4c: {  	v3 =	vadd.s32 v1, v3  }
0x4d: {  	[tilespmem:s14], [sflag:$0x1] =	stream.indirect_vreg.gather [hbm4b:s5+s2], $0x80, v4, vm0, $0xb8;
	[tilespmem:$0x10080] =	vst v63  }
0x4e: {  	_ = 	snop  }
0x4f: {  	[tilespmem:s15], [sflag:$0x1] =	stream.indirect_vreg.gather [hbm4b:s6+s2], $0x80, v4, vm0, $0xb8;
	[tilespmem:$0x10080] =	vst v63  }
0x50: {  	_ = 	snop  }
0x51: {  	[tilespmem:s16], [sflag:$0x1] =	stream.indirect_vreg.gather [hbm4b:s3+s2], $0x80, v3, vm0, $0xb8;
	[tilespmem:$0x10080] =	vst v63  }
0x52: {  	_ = 	snop  }
0x53: {  	[tilespmem:s17], [sflag:$0x1] =	stream.indirect_vreg.gather [hbm4b:s4+s2], $0x80, v3, vm0, $0xb8;
	[tilespmem:$0x10080] =	vst v63  }
0x54: {  	_ = 	snop  }
0x55: {  	[tilespmem:s9], [sflag:$0x1] =	stream.indirect_vreg.gather [hbm4b:s5+s2], $0x80, v3, vm0, $0xb8;
	[tilespmem:$0x10080] =	vst v63  }
0x56: {  	s19 =	simm.s32 $0xB880  }
0x57: {  	[tilespmem:s19], [sflag:$0x1] =	stream.indirect_vreg.gather [hbm4b:s6+s2], $0x80, v3, vm0, $0xb8;
	[tilespmem:$0x10080] =	vst v63  }
0x58: {  	v3 =	vld [tilespmem:$0x30];
	_ =	sdelay $0x4  }
0x59: {  	v59 =	vshll.u32 v3, $0x3  }
0x5a: {  	v3 =	vand.u32 $0x7, v3;
	v4 =	vand.u32 $0xFFFFFFC0, v59  }
0x5b: {  	v3 =	vor.u32 v3, v4  }
0x5c: {  	v4 =	vperm.xlane v3, v0;
	_ =	sdelay $0x1  }
0x5d: {  	v4 =	vadd.s32 v1, v4;
	_ =	sdelay $0x3  }
0x5e: {  	s19 =	simm.s32 $0xC080  }
0x5f: {  	[tilespmem:s19], [sflag:$0x1] =	stream.indirect_vreg.gather [hbm4b:s3+s2], $0x80, v4, vm0, $0xb8;
	[tilespmem:$0x10080] =	vst v63  }
0x60: {  	v3 =	vperm.xlane v3, v2;
	s19 =	simm.s32 $0xC880  }
0x61: {  	[tilespmem:s19], [sflag:$0x1] =	stream.indirect_vreg.gather [hbm4b:s4+s2], $0x80, v4, vm0, $0xb8;
	[tilespmem:$0x10080] =	vst v63  }
0x62: {  	v3 =	vadd.s32 v1, v3;
	s19 =	simm.s32 $0xD080  }
0x63: {  	[tilespmem:s19], [sflag:$0x1] =	stream.indirect_vreg.gather [hbm4b:s5+s2], $0x80, v4, vm0, $0xb8;
	[tilespmem:$0x10080] =	vst v63  }
0x64: {  	s19 =	simm.s32 $0xD880  }
0x65: {  	[tilespmem:s19], [sflag:$0x1] =	stream.indirect_vreg.gather [hbm4b:s6+s2], $0x80, v4, vm0, $0xb8;
	[tilespmem:$0x10080] =	vst v63  }
0x66: {  	s19 =	simm.s32 $0xE080  }
0x67: {  	[tilespmem:s19], [sflag:$0x1] =	stream.indirect_vreg.gather [hbm4b:s3+s2], $0x80, v3, vm0, $0xb8;
	[tilespmem:$0x10080] =	vst v63  }
0x68: {  	s19 =	simm.s32 $0xE880  }
0x69: {  	[tilespmem:s19], [sflag:$0x1] =	stream.indirect_vreg.gather [hbm4b:s4+s2], $0x80, v3, vm0, $0xb8;
	[tilespmem:$0x10080] =	vst v63  }
0x6a: {  	s19 =	simm.s32 $0xF080  }
0x6b: {  	[tilespmem:s19], [sflag:$0x1] =	stream.indirect_vreg.gather [hbm4b:s5+s2], $0x80, v3, vm0, $0xb8;
	[tilespmem:$0x10080] =	vst v63  }
0x6c: {  	s19 =	simm.s32 $0xF880  }
0x6d: {  	[tilespmem:s19], [sflag:$0x1] =	stream.indirect_vreg.gather [hbm4b:s6+s2], $0x80, v3, vm0, $0xb8;
	[tilespmem:$0x10080] =	vst v63  }
0x6e: {  	_ =	swait.ge [sflag:s18], $0x10000  }
0x6f: {  	[sflag:s18] =	ssyncset.done $0x0  }
0x70: {  	s19 =	rddreg [dreg:$0x4];
	[sflag:s18] =	ssyncadd.s32 $0xFFFF0000  }
0x71: {  	[hbm4b:s19+s2] =	stream.linear.scatter [tilespmem:s0], [sflag:$0x2], $0x10000, $0x38;
	[tilespmem:$0x10080] =	vst v63  }
0x72: {  	_ =	swait.ge [sflag:s8], $0x10000  }
0x73: {  	[sflag:s8] =	ssyncset.done $0x0  }
0x74: {  	s19 =	rddreg [dreg:$0x5];
	[sflag:s8] =	ssyncadd.s32 $0xFFFF0000  }
0x75: {  	[tilespmem:s2], [sflag:$0x2] =	stream.linear.gather [hbm4b:s19+s2], $0x40, $0x38;
	[tilespmem:$0x10080] =	vst v63  }
0x76: {  	_ =	swait.ge [sflag:s8], $0x40  }
0x77: {  	[sflag:s8] =	ssyncset.done $0x0  }
0x78: {  	[sflag:s8] =	ssyncadd.s32 $0xFFFFFFC0  }
0x79: {  	v3 =	vld [tilespmem:$0x0];
	_ =	sdelay $0x4  }
0x7a: {  	v60 =	vshll.u32 v3, $0x3  }
0x7b: {  	v3 =	vand.u32 $0x7, v3;
	v4 =	vand.u32 $0xFFFFFFC0, v60  }
0x7c: {  	v3 =	vor.u32 v3, v4  }
0x7d: {  	v4 =	vperm.xlane v3, v0;
	_ =	sdelay $0x1  }
0x7e: {  	v4 =	vadd.s32 v1, v4;
	_ =	sdelay $0x4  }
0x7f: {  	[tilespmem:s0], [sflag:$0x1] =	stream.indirect_vreg.gather [hbm4b:s3+s2], $0x80, v4, vm0, $0xb8;
	[tilespmem:$0x10080] =	vst v63  }
0x80: {  	v3 =	vperm.xlane v3, v2  }
0x81: {  	[tilespmem:s20], [sflag:$0x1] =	stream.indirect_vreg.gather [hbm4b:s4+s2], $0x80, v4, vm0, $0xb8;
	[tilespmem:$0x10080] =	vst v63  }
0x82: {  	v3 =	vadd.s32 v1, v3  }
0x83: {  	[tilespmem:s21], [sflag:$0x1] =	stream.indirect_vreg.gather [hbm4b:s5+s2], $0x80, v4, vm0, $0xb8;
	[tilespmem:$0x10080] =	vst v63  }
0x84: {  	_ = 	snop  }
0x85: {  	[tilespmem:s22], [sflag:$0x1] =	stream.indirect_vreg.gather [hbm4b:s6+s2], $0x80, v4, vm0, $0xb8;
	[tilespmem:$0x10080] =	vst v63  }
0x86: {  	_ = 	snop  }
0x87: {  	[tilespmem:s23], [sflag:$0x1] =	stream.indirect_vreg.gather [hbm4b:s3+s2], $0x80, v3, vm0, $0xb8;
	[tilespmem:$0x10080] =	vst v63  }
0x88: {  	_ = 	snop  }
0x89: {  	[tilespmem:s24], [sflag:$0x1] =	stream.indirect_vreg.gather [hbm4b:s4+s2], $0x80, v3, vm0, $0xb8;
	[tilespmem:$0x10080] =	vst v63  }
0x8a: {  	_ = 	snop  }
0x8b: {  	[tilespmem:s25], [sflag:$0x1] =	stream.indirect_vreg.gather [hbm4b:s5+s2], $0x80, v3, vm0, $0xb8;
	[tilespmem:$0x10080] =	vst v63  }
0x8c: {  	_ = 	snop  }
0x8d: {  	[tilespmem:s26], [sflag:$0x1] =	stream.indirect_vreg.gather [hbm4b:s6+s2], $0x80, v3, vm0, $0xb8;
	[tilespmem:$0x10080] =	vst v63  }
0x8e: {  	v3 =	vld [tilespmem:$0x10];
	_ =	sdelay $0x4  }
0x8f: {  	v61 =	vshll.u32 v3, $0x3  }
0x90: {  	v3 =	vand.u32 $0x7, v3;
	v4 =	vand.u32 $0xFFFFFFC0, v61  }
0x91: {  	v3 =	vor.u32 v3, v4  }
0x92: {  	v4 =	vperm.xlane v3, v0;
	_ =	sdelay $0x1  }
0x93: {  	v4 =	vadd.s32 v1, v4;
	_ =	sdelay $0x4  }
0x94: {  	[tilespmem:s28], [sflag:$0x1] =	stream.indirect_vreg.gather [hbm4b:s3+s2], $0x80, v4, vm0, $0xb8;
	[tilespmem:$0x10080] =	vst v63  }
0x95: {  	v3 =	vperm.xlane v3, v2  }
0x96: {  	[tilespmem:s29], [sflag:$0x1] =	stream.indirect_vreg.gather [hbm4b:s4+s2], $0x80, v4, vm0, $0xb8;
	[tilespmem:$0x10080] =	vst v63  }
0x97: {  	v3 =	vadd.s32 v1, v3  }
0x98: {  	[tilespmem:s30], [sflag:$0x1] =	stream.indirect_vreg.gather [hbm4b:s5+s2], $0x80, v4, vm0, $0xb8;
	[tilespmem:$0x10080] =	vst v63  }
0x99: {  	_ = 	snop  }
0x9a: {  	[tilespmem:s31], [sflag:$0x1] =	stream.indirect_vreg.gather [hbm4b:s6+s2], $0x80, v4, vm0, $0xb8;
	[tilespmem:$0x10080] =	vst v63  }
0x9b: {  	s19 =	simm.s32 $0x6080  }
0x9c: {  	[tilespmem:s19], [sflag:$0x1] =	stream.indirect_vreg.gather [hbm4b:s3+s2], $0x80, v3, vm0, $0xb8;
	[tilespmem:$0x10080] =	vst v63  }
0x9d: {  	_ = 	snop  }
0x9e: {  	[tilespmem:s1], [sflag:$0x1] =	stream.indirect_vreg.gather [hbm4b:s4+s2], $0x80, v3, vm0, $0xb8;
	[tilespmem:$0x10080] =	vst v63  }
0x9f: {  	_ = 	snop  }
0xa0: {  	[tilespmem:s10], [sflag:$0x1] =	stream.indirect_vreg.gather [hbm4b:s5+s2], $0x80, v3, vm0, $0xb8;
	[tilespmem:$0x10080] =	vst v63  }
0xa1: {  	_ = 	snop  }
0xa2: {  	[tilespmem:s11], [sflag:$0x1] =	stream.indirect_vreg.gather [hbm4b:s6+s2], $0x80, v3, vm0, $0xb8;
	[tilespmem:$0x10080] =	vst v63  }
0xa3: {  	v3 =	vld [tilespmem:$0x20];
	_ =	sdelay $0x4  }
0xa4: {  	v62 =	vshll.u32 v3, $0x3  }
0xa5: {  	v3 =	vand.u32 $0x7, v3;
	v4 =	vand.u32 $0xFFFFFFC0, v62  }
0xa6: {  	v3 =	vor.u32 v3, v4  }
0xa7: {  	v4 =	vperm.xlane v3, v0;
	_ =	sdelay $0x1  }
0xa8: {  	v4 =	vadd.s32 v1, v4;
	_ =	sdelay $0x4  }
0xa9: {  	[tilespmem:s12], [sflag:$0x1] =	stream.indirect_vreg.gather [hbm4b:s3+s2], $0x80, v4, vm0, $0xb8;
	[tilespmem:$0x10080] =	vst v63  }
0xaa: {  	v3 =	vperm.xlane v3, v2  }
0xab: {  	[tilespmem:s13], [sflag:$0x1] =	stream.indirect_vreg.gather [hbm4b:s4+s2], $0x80, v4, vm0, $0xb8;
	[tilespmem:$0x10080] =	vst v63  }
0xac: {  	v3 =	vadd.s32 v1, v3  }
0xad: {  	[tilespmem:s14], [sflag:$0x1] =	stream.indirect_vreg.gather [hbm4b:s5+s2], $0x80, v4, vm0, $0xb8;
	[tilespmem:$0x10080] =	vst v63  }
0xae: {  	_ = 	snop  }
0xaf: {  	[tilespmem:s15], [sflag:$0x1] =	stream.indirect_vreg.gather [hbm4b:s6+s2], $0x80, v4, vm0, $0xb8;
	[tilespmem:$0x10080] =	vst v63  }
0xb0: {  	_ = 	snop  }
0xb1: {  	[tilespmem:s16], [sflag:$0x1] =	stream.indirect_vreg.gather [hbm4b:s3+s2], $0x80, v3, vm0, $0xb8;
	[tilespmem:$0x10080] =	vst v63  }
0xb2: {  	_ = 	snop  }
0xb3: {  	[tilespmem:s17], [sflag:$0x1] =	stream.indirect_vreg.gather [hbm4b:s4+s2], $0x80, v3, vm0, $0xb8;
	[tilespmem:$0x10080] =	vst v63  }
0xb4: {  	_ = 	snop  }
0xb5: {  	[tilespmem:s9], [sflag:$0x1] =	stream.indirect_vreg.gather [hbm4b:s5+s2], $0x80, v3, vm0, $0xb8;
	[tilespmem:$0x10080] =	vst v63  }
0xb6: {  	s19 =	simm.s32 $0xB880  }
0xb7: {  	[tilespmem:s19], [sflag:$0x1] =	stream.indirect_vreg.gather [hbm4b:s6+s2], $0x80, v3, vm0, $0xb8;
	[tilespmem:$0x10080] =	vst v63  }
0xb8: {  	v3 =	vld [tilespmem:$0x30];
	_ =	sdelay $0x4  }
0xb9: {  	v63 =	vshll.u32 v3, $0x3  }
0xba: {  	v3 =	vand.u32 $0x7, v3;
	v4 =	vand.u32 $0xFFFFFFC0, v63  }
0xbb: {  	v3 =	vor.u32 v3, v4  }
0xbc: {  	v4 =	vperm.xlane v3, v0;
	_ =	sdelay $0x1  }
0xbd: {  	v4 =	vadd.s32 v1, v4;
	_ =	sdelay $0x3  }
0xbe: {  	s19 =	simm.s32 $0xC080  }
0xbf: {  	[tilespmem:s19], [sflag:$0x1] =	stream.indirect_vreg.gather [hbm4b:s3+s2], $0x80, v4, vm0, $0xb8;
	[tilespmem:$0x10080] =	vst v63  }
0xc0: {  	v3 =	vperm.xlane v3, v2;
	s19 =	simm.s32 $0xC880  }
0xc1: {  	[tilespmem:s19], [sflag:$0x1] =	stream.indirect_vreg.gather [hbm4b:s4+s2], $0x80, v4, vm0, $0xb8;
	[tilespmem:$0x10080] =	vst v63  }
0xc2: {  	v3 =	vadd.s32 v1, v3;
	s19 =	simm.s32 $0xD080  }
0xc3: {  	[tilespmem:s19], [sflag:$0x1] =	stream.indirect_vreg.gather [hbm4b:s5+s2], $0x80, v4, vm0, $0xb8;
	[tilespmem:$0x10080] =	vst v63  }
0xc4: {  	s19 =	simm.s32 $0xD880  }
0xc5: {  	[tilespmem:s19], [sflag:$0x1] =	stream.indirect_vreg.gather [hbm4b:s6+s2], $0x80, v4, vm0, $0xb8;
	[tilespmem:$0x10080] =	vst v63  }
0xc6: {  	s19 =	simm.s32 $0xE080  }
0xc7: {  	[tilespmem:s19], [sflag:$0x1] =	stream.indirect_vreg.gather [hbm4b:s3+s2], $0x80, v3, vm0, $0xb8;
	[tilespmem:$0x10080] =	vst v63  }
0xc8: {  	s19 =	simm.s32 $0xE880  }
0xc9: {  	[tilespmem:s19], [sflag:$0x1] =	stream.indirect_vreg.gather [hbm4b:s4+s2], $0x80, v3, vm0, $0xb8;
	[tilespmem:$0x10080] =	vst v63  }
0xca: {  	s19 =	simm.s32 $0xF080  }
0xcb: {  	[tilespmem:s19], [sflag:$0x1] =	stream.indirect_vreg.gather [hbm4b:s5+s2], $0x80, v3, vm0, $0xb8;
	[tilespmem:$0x10080] =	vst v63  }
0xcc: {  	s19 =	simm.s32 $0xF880  }
0xcd: {  	[tilespmem:s19], [sflag:$0x1] =	stream.indirect_vreg.gather [hbm4b:s6+s2], $0x80, v3, vm0, $0xb8;
	[tilespmem:$0x10080] =	vst v63  }
0xce: {  	_ =	swait.ge [sflag:s18], $0x10000  }
0xcf: {  	p0 =	sne.s32 s7, $0x1;
	[sflag:s18] =	ssyncset.done $0x0  }
.Ltmp0:
0xd0: {  	s1 =	rddreg [dreg:$0x6];
	[sflag:s18] =	ssyncadd.s32 $0xFFFF0000;
	(pc) =	sbr.rel @p0 .LBB2_1-.Ltmp0, $4  }
0xd1: {  	[hbm4b:s1+s2] =	stream.linear.scatter [tilespmem:s0], [sflag:$0x2], $0x10000, $0x38;
	[tilespmem:$0x10080] =	vst v63  }
0xd2: {  	_ =	swait.ge [sflag:s8], $0x10000  }
0xd3: {  	[sflag:s8] =	ssyncset.done $0x0  }
0xd4: {  	s7 =	sadd.s32 $0xFFFFFFFF, s7;
	[sflag:s8] =	ssyncadd.s32 $0xFFFF0000  }
0xd5: {  	_ =	sfence.sel $0x180000  }
0xd6: {  	[bflag:$0x0] =	sbarrier.arrive $0xFFFF  }
0xd7: {  	_ =	strace $0x9000004A  }
0xd8: {  	s0 =	stileid.u32;
	[bflag:$0x2] =	sbarrier.arrive $0xFFFF  }
0xd9: {  	p0 =	sne.s32 s0, $0x0;
	s0 =	rddreg [dreg:$0x2]  }
0xda: {  	s0 =	sadd.s32 @!p0 $0x100000, s0  }
0xdb: {  	[sflag:s0] =	ssyncadd.tile.s32 @!p0 $0x1;
	_ =	shalt  }
.Lfunc_end2:
_tile_overlayer_lowered:
.L_overlay_start_2:
0xdc: {  	(tag) =	ssettag $0x2  }
0xdd: {  	s0 =	rddreg [dreg:$0x0];
	s2 =	stileid.u32  }
0xde: {  	s1 =	rddreg [dreg:$0x1];
	p0 =	sne.s32 s2, $0x0  }
0xdf: {  	s3 =	rddreg [dreg:$0x2];
	[bflag:$0x3] =	sbarrier.arrive $0xFFFF;
	s2 =	simm.s32 @!p0 $0x1C02  }
0xe0: {  	[timem:s3], [sflag:s2] =	dma.local @!p0 [hbm:s0], s1  }
0xe1: {  	s0 =	simm.s32 @!p0 $0x2  }
0xe2: {  	_ =	swait.ge @!p0 [sflag:s0], s1  }
0xe3: {  	s1 =	ssub.s32 @!p0 $0x0, s1;
	[sflag:s0] =	ssyncset.done @!p0 $0x0  }
0xe4: {  	[sflag:s0] =	ssyncadd.s32 @!p0 s1  }
0xe5: {  	[bflag:$0x3] =	sbarrier.arrive $0xFFFF  }
0xe6: {  	_ =	shalt  }

</sc_bundles>
